<compile_context>
chip_gen: v7x
topology: tpu7x:2x2x1
jax: 0.10.2.dev20260603
libtpu: 0.0.44.dev20260713+nightly
codegen_flags: <defaults>
</compile_context>

<pallas_src>
import functools
import jax
import jax.numpy as jnp
from jax import lax
from jax.experimental import pallas as pl
from jax.experimental.pallas import tpu as pltpu
from jax.experimental.pallas import tpu_sc as plsc

_POOLED_H = 7
_POOLED_W = 7
_SPATIAL_SCALE = 0.25
_SAMPLING_RATIO = 2
_GAMMA = 0.1

_L = 16
_NW = 32
_NBINS_PER_ROI = _POOLED_H * _POOLED_W


def _sc_deform_pool(table, rois_t, offw, offh, *, n_rois, nb_pad, h, w, c):
    bins_per_w = nb_pad // _NW
    n_groups = bins_per_w // _L
    hw = h * w

    mesh = plsc.VectorSubcoreMesh(core_axis_name="c", subcore_axis_name="s")

    @functools.partial(
        pl.kernel,
        out_type=jax.ShapeDtypeStruct((nb_pad, c), jnp.float32),
        mesh=mesh,
        compiler_params=pltpu.CompilerParams(
            needs_layout_passes=False, use_tc_tiling_on_sc=False),
        scratch_types=[
            pltpu.VMEM((5 * n_rois,), jnp.float32),
            pltpu.VMEM((bins_per_w,), jnp.float32),
            pltpu.VMEM((bins_per_w,), jnp.float32),
            pltpu.VMEM((2, 128), jnp.int32),
            pltpu.VMEM((256, c), jnp.float32),
            pltpu.VMEM((256,), jnp.float32),
            pltpu.VMEM((_L, c), jnp.float32),
            pltpu.SemaphoreType.DMA,
        ],
    )
    def body(table_h, rois_h, offw_h, offh_h, out_h, rois_v, offw_v, offh_v,
             idx_v, rows_v, wts_v, outb_v, sem):
        wid = lax.axis_index("s") * 2 + lax.axis_index("c")
        base_bin = wid * bins_per_w

        pltpu.sync_copy(rois_h, rois_v)
        pltpu.sync_copy(offw_h.at[pl.ds(base_bin, bins_per_w)], offw_v)
        pltpu.sync_copy(offh_h.at[pl.ds(base_bin, bins_per_w)], offh_v)

        lane = lax.iota(jnp.int32, _L)
        lane_f = lane.astype(jnp.float32)

        def group_body(g, carry):
            b_i = base_bin + g * _L + lane
            b_f = b_i.astype(jnp.float32)
            n_i = ((b_f + 0.5) * (1.0 / _NBINS_PER_ROI)).astype(jnp.int32)
            n_i = jnp.minimum(n_i, n_rois - 1)
            bin_i = b_i - _NBINS_PER_ROI * n_i
            bin_f = bin_i.astype(jnp.float32)
            phh = ((bin_f + 0.5) * (1.0 / _POOLED_W)).astype(jnp.int32)
            phh_f = phh.astype(jnp.float32)
            pww_f = bin_f - _POOLED_W * phh_f

            bat = plsc.load_gather(rois_v, [n_i])
            x1 = plsc.load_gather(rois_v, [n_i + n_rois])
            y1 = plsc.load_gather(rois_v, [n_i + 2 * n_rois])
            x2 = plsc.load_gather(rois_v, [n_i + 3 * n_rois])
            y2 = plsc.load_gather(rois_v, [n_i + 4 * n_rois])

            roi_sw = x1 * _SPATIAL_SCALE - 0.5
            roi_sh = y1 * _SPATIAL_SCALE - 0.5
            roi_w = (x2 * _SPATIAL_SCALE - 0.5) - roi_sw
            roi_h = (y2 * _SPATIAL_SCALE - 0.5) - roi_sh
            bin_w = roi_w * (1.0 / _POOLED_W)
            bin_h = roi_h * (1.0 / _POOLED_H)

            ow = offw_v[pl.ds(g * _L, _L)]
            oh = offh_v[pl.ds(g * _L, _L)]
            start_w = roi_sw + _GAMMA * roi_w * ow
            start_h = roi_sh + _GAMMA * roi_h * oh

            base_i = bat.astype(jnp.int32) * hw

            for s in range(_SAMPLING_RATIO * _SAMPLING_RATIO):
                iy = s // _SAMPLING_RATIO
                ix = s % _SAMPLING_RATIO
                cy = (iy + 0.5) / _SAMPLING_RATIO
                cx = (ix + 0.5) / _SAMPLING_RATIO
                y = (start_h + phh_f * bin_h) + cy * bin_h
                x = (start_w + pww_f * bin_w) + cx * bin_w
                valid = ((y >= -1.0) & (y <= float(h))
                         & (x >= -1.0) & (x <= float(w)))
                yc = jnp.minimum(jnp.maximum(y, 0.0), float(h))
                xc = jnp.minimum(jnp.maximum(x, 0.0), float(w))
                ylf = yc.astype(jnp.int32).astype(jnp.float32)
                xlf = xc.astype(jnp.int32).astype(jnp.float32)
                ycond = ylf >= float(h - 1)
                xcond = xlf >= float(w - 1)
                ylf = jnp.where(ycond, float(h - 1), ylf)
                xlf = jnp.where(xcond, float(w - 1), xlf)
                yhf = jnp.where(ycond, float(h - 1), ylf + 1.0)
                xhf = jnp.where(xcond, float(w - 1), xlf + 1.0)
                yc = jnp.where(ycond, ylf, yc)
                xc = jnp.where(xcond, xlf, xc)
                ly = yc - ylf
                lx = xc - xlf
                hy = 1.0 - ly
                hx = 1.0 - lx
                vf = jnp.where(valid,
                               1.0 / (_SAMPLING_RATIO * _SAMPLING_RATIO), 0.0)
                y_lo = ylf.astype(jnp.int32)
                y_hi = yhf.astype(jnp.int32)
                x_lo = xlf.astype(jnp.int32)
                x_hi = xhf.astype(jnp.int32)
                r_ll = base_i + y_lo * w + x_lo
                r_lh = base_i + y_lo * w + x_hi
                r_hl = base_i + y_hi * w + x_lo
                r_hh = base_i + y_hi * w + x_hi
                ws = (hy * hx * vf, hy * lx * vf, ly * hx * vf, ly * lx * vf)
                rs = (r_ll, r_lh, r_hl, r_hh)
                for corner in range(4):
                    k = s * 4 + corner
                    idx_v[k // 8, pl.ds((k % 8) * _L, _L)] = rs[corner]
                    wts_v[pl.ds(k * _L, _L)] = ws[corner]

            cp0 = pltpu.async_copy(table_h.at[idx_v.at[0]],
                                   rows_v.at[pl.ds(0, 128)], sem)
            cp1 = pltpu.async_copy(table_h.at[idx_v.at[1]],
                                   rows_v.at[pl.ds(128, 128)], sem)
            cp0.wait()
            cp1.wait()

            for chunk in range(c // _L):
                c0 = chunk * _L

                def acc_body(k, acc):
                    wk = wts_v[pl.ds(k * _L, _L)]
                    row0 = k * _L + lane
                    new = []
                    for j in range(_L):
                        col = jnp.full((_L,), c0 + j, jnp.int32)
                        v = plsc.load_gather(rows_v, [row0, col])
                        new.append(acc[j] + wk * v)
                    return tuple(new)

                acc0 = tuple(jnp.zeros((_L,), jnp.float32) for _ in range(_L))
                acc = lax.fori_loop(0, 16, acc_body, acc0)
                for j in range(_L):
                    col = jnp.full((_L,), c0 + j, jnp.int32)
                    plsc.store_scatter(outb_v, [lane, col], acc[j])

            pltpu.sync_copy(outb_v, out_h.at[pl.ds(base_bin + g * _L, _L)])
            return carry

        lax.fori_loop(0, n_groups, group_body, 0)

    return body(table, rois_t, offw, offh)


def kernel(input, rois, offset):
    b, c, h, w = input.shape
    n = rois.shape[0]
    nb = n * _NBINS_PER_ROI
    nb_pad = ((nb + _NW * _L - 1) // (_NW * _L)) * (_NW * _L)

    table = jnp.transpose(input, (0, 2, 3, 1)).reshape(b * h * w, c)
    rois_t = jnp.transpose(rois, (1, 0)).reshape(-1)
    off = jnp.transpose(offset.reshape(n, 2, nb // n), (1, 0, 2)).reshape(2, nb)
    off = jnp.pad(off, ((0, 0), (0, nb_pad - nb)))

    out = _sc_deform_pool(table, rois_t, off[0], off[1],
                          n_rois=n, nb_pad=nb_pad, h=h, w=w, c=c)
    out = out[:nb].reshape(n, _POOLED_H, _POOLED_W, c)
    return jnp.transpose(out, (0, 3, 1, 2))

# --- scband reference (transcript-rebuilt; emitter-appended) ---
"""Pipeline reference for scband-deform-ro-ipool-13469017440354 (READ-ONLY COPY).

The authoritative reference and input builder live on the scoring server;
editing this copy changes nothing except your own understanding.
"""

import jax, jax.numpy as jnp
import numpy as np

POOLED_H = 7
POOLED_W = 7
SPATIAL_SCALE = 0.25
SAMPLING_RATIO = 2
GAMMA = 0.1


def setup_inputs(seed: int = 0):
    key = jax.random.key(seed)
    k1, k2, k3 = jax.random.split(key, 3)
    inp = jax.random.normal(k1, (2, 64, 200, 200), dtype=jnp.float32)
    rois = jax.random.uniform(k2, (1000, 5), dtype=jnp.float32)
    offset = jax.random.normal(k3, (1000, 2, POOLED_H, POOLED_W), dtype=jnp.float32)
    return {"input": inp, "rois": rois, "offset": offset}


def _deform_roi_pool(inp, rois, offset):
    B, C, H, W = inp.shape
    N = rois.shape[0]
    ph, pw, sr = POOLED_H, POOLED_W, SAMPLING_RATIO
    batch_idx = rois[:, 0].astype(jnp.int32)
    roi_start_w = rois[:, 1] * SPATIAL_SCALE - 0.5
    roi_start_h = rois[:, 2] * SPATIAL_SCALE - 0.5
    roi_end_w = rois[:, 3] * SPATIAL_SCALE - 0.5
    roi_end_h = rois[:, 4] * SPATIAL_SCALE - 0.5
    roi_w = roi_end_w - roi_start_w
    roi_h = roi_end_h - roi_start_h
    bin_h = roi_h / ph
    bin_w = roi_w / pw
    # per-bin deformed starts; offset layout [N, 2, ph, pw]: chan 0 = w, chan 1 = h
    start_w = roi_start_w[:, None, None] + GAMMA * roi_w[:, None, None] * offset[:, 0]
    start_h = roi_start_h[:, None, None] + GAMMA * roi_h[:, None, None] * offset[:, 1]
    ph_idx = jnp.arange(ph, dtype=jnp.float32)
    pw_idx = jnp.arange(pw, dtype=jnp.float32)
    iy = (jnp.arange(sr, dtype=jnp.float32) + 0.5) / sr
    ix = (jnp.arange(sr, dtype=jnp.float32) + 0.5) / sr
    y = (start_h + ph_idx[None, :, None] * bin_h[:, None, None])[:, :, :, None, None] \
        + iy[None, None, None, :, None] * bin_h[:, None, None, None, None]
    x = (start_w + pw_idx[None, None, :] * bin_w[:, None, None])[:, :, :, None, None] \
        + ix[None, None, None, None, :] * bin_w[:, None, None, None, None]
    y = jnp.broadcast_to(y, (N, ph, pw, sr, sr))
    x = jnp.broadcast_to(x, (N, ph, pw, sr, sr))
    valid = (y >= -1.0) & (y <= float(H)) & (x >= -1.0) & (x <= float(W))
    yc = jnp.clip(y, 0.0, None)
    xc = jnp.clip(x, 0.0, None)
    y_low = jnp.floor(yc).astype(jnp.int32)
    x_low = jnp.floor(xc).astype(jnp.int32)
    y_cond = y_low >= H - 1
    x_cond = x_low >= W - 1
    y_low = jnp.where(y_cond, H - 1, y_low)
    y_high = jnp.where(y_cond, H - 1, y_low + 1)
    yc = jnp.where(y_cond, y_low.astype(jnp.float32), yc)
    x_low = jnp.where(x_cond, W - 1, x_low)
    x_high = jnp.where(x_cond, W - 1, x_low + 1)
    xc = jnp.where(x_cond, x_low.astype(jnp.float32), xc)
    ly = yc - y_low.astype(jnp.float32)
    lx = xc - x_low.astype(jnp.float32)
    hy = 1.0 - ly
    hx = 1.0 - lx
    base = batch_idx[:, None, None, None, None] * (H * W)
    inp_flat = jnp.transpose(inp, (0, 2, 3, 1)).reshape(B * H * W, C)
    i1 = base + y_low * W + x_low
    i2 = base + y_low * W + x_high
    i3 = base + y_high * W + x_low
    i4 = base + y_high * W + x_high
    v1 = jnp.take(inp_flat, i1, axis=0)
    v2 = jnp.take(inp_flat, i2, axis=0)
    v3 = jnp.take(inp_flat, i3, axis=0)
    v4 = jnp.take(inp_flat, i4, axis=0)
    w1 = (hy * hx)[..., None]
    w2 = (hy * lx)[..., None]
    w3 = (ly * hx)[..., None]
    w4 = (ly * lx)[..., None]
    val = w1 * v1 + w2 * v2 + w3 * v3 + w4 * v4
    val = jnp.where(valid[..., None], val, 0.0)
    out = val.sum(axis=(3, 4)) / float(sr * sr)  # [N, ph, pw, C]
    return jnp.transpose(out, (0, 3, 1, 2))  # [N, C, ph, pw]


def reference(input, rois, offset):
    return _deform_roi_pool(input, rois, offset)

if __name__ == "__main__":
    import jax
    _d = setup_inputs()
    print(jax.jit(kernel)(*tuple(_d.values())))

</pallas_src>

<mosaic_0001>
#map = affine_map<(d0, d1) -> (0, 0)>
#map1 = affine_map<(d0, d1) -> (0)>
module attributes {stable_mosaic.version = 14 : i64} {
  func.func @body(%arg0: i32, %arg1: i32, %arg2: memref<80000x64xf32, #tpu.memory_space<hbm>>, %arg3: memref<5000xf32, #tpu.memory_space<hbm>>, %arg4: memref<49152xf32, #tpu.memory_space<hbm>>, %arg5: memref<49152xf32, #tpu.memory_space<hbm>>, %arg6: memref<49152x64xf32, #tpu.memory_space<hbm>>, %arg7: memref<5000xf32, #tpu.memory_space<vmem>>, %arg8: memref<1536xf32, #tpu.memory_space<vmem>>, %arg9: memref<1536xf32, #tpu.memory_space<vmem>>, %arg10: memref<2x128xi32, #tpu.memory_space<vmem>>, %arg11: memref<256x64xf32, #tpu.memory_space<vmem>>, %arg12: memref<256xf32, #tpu.memory_space<vmem>>, %arg13: memref<16x64xf32, #tpu.memory_space<vmem>>, %arg14: memref<!tpu.dma_semaphore, #tpu.memory_space<semaphore_mem>>) attributes {dimension_semantics = [#tpu.dimension_semantics<core_parallel>, #tpu.dimension_semantics<subcore_parallel>], iteration_bounds = array<i64: 2, 16>, scalar_prefetch = 0 : i64, scratch_operands = 8 : i64, tpu.core_type = #tpu.core_type<sc_vector_subcore>, window_params = [{transform_indices = #map}, {transform_indices = #map1}, {transform_indices = #map1}, {transform_indices = #map1}, {transform_indices = #map}]} {
    %mul3A = arith.constant 2 : i32
    %mul3A_0 = arith.muli %arg1, %mul3A : i32
    %add3A = arith.addi %mul3A_0, %arg0 : i32
    %mul3A_1 = arith.constant 1536 : i32
    %mul3A_2 = arith.muli %add3A, %mul3A_1 : i32
    "tpu.region"() ({
      %run_scoped3A = tpu.sem_alloc : memref<!tpu.dma_semaphore, #tpu.memory_space<semaphore_mem>>
      tpu.enqueue_dma source(%arg3 : memref<5000xf32, #tpu.memory_space<hbm>>) target(%arg7 : memref<5000xf32, #tpu.memory_space<vmem>>) target_semaphore(%run_scoped3A : memref<!tpu.dma_semaphore, #tpu.memory_space<semaphore_mem>>)
      tpu.wait_dma2 semaphore(%run_scoped3A : memref<!tpu.dma_semaphore, #tpu.memory_space<semaphore_mem>>) src(%arg3 : memref<5000xf32, #tpu.memory_space<hbm>>) dst(%arg7 : memref<5000xf32, #tpu.memory_space<vmem>>)
      tpu.yield
    }) : () -> ()
    "tpu.region"() ({
      %run_scoped3A = tpu.sem_alloc : memref<!tpu.dma_semaphore, #tpu.memory_space<semaphore_mem>>
      %dma_start3A = tpu.memref_slice %arg4[%mul3A_2] : memref<49152xf32, #tpu.memory_space<hbm>> -> memref<1536xf32, #tpu.memory_space<hbm>>
      %dma_start3A_8 = tpu.memref_slice %arg4[%mul3A_2] : memref<49152xf32, #tpu.memory_space<hbm>> -> memref<1536xf32, #tpu.memory_space<hbm>>
      tpu.enqueue_dma source(%dma_start3A_8 : memref<1536xf32, #tpu.memory_space<hbm>>) target(%arg8 : memref<1536xf32, #tpu.memory_space<vmem>>) target_semaphore(%run_scoped3A : memref<!tpu.dma_semaphore, #tpu.memory_space<semaphore_mem>>)
      %dma_wait3A = tpu.memref_slice %arg4[%mul3A_2] : memref<49152xf32, #tpu.memory_space<hbm>> -> memref<1536xf32, #tpu.memory_space<hbm>>
      %dma_wait3A_9 = tpu.memref_slice %arg4[%mul3A_2] : memref<49152xf32, #tpu.memory_space<hbm>> -> memref<1536xf32, #tpu.memory_space<hbm>>
      tpu.wait_dma2 semaphore(%run_scoped3A : memref<!tpu.dma_semaphore, #tpu.memory_space<semaphore_mem>>) src(%dma_wait3A_9 : memref<1536xf32, #tpu.memory_space<hbm>>) dst(%arg8 : memref<1536xf32, #tpu.memory_space<vmem>>)
      tpu.yield
    }) : () -> ()
    "tpu.region"() ({
      %run_scoped3A = tpu.sem_alloc : memref<!tpu.dma_semaphore, #tpu.memory_space<semaphore_mem>>
      %dma_start3A = tpu.memref_slice %arg5[%mul3A_2] : memref<49152xf32, #tpu.memory_space<hbm>> -> memref<1536xf32, #tpu.memory_space<hbm>>
      %dma_start3A_8 = tpu.memref_slice %arg5[%mul3A_2] : memref<49152xf32, #tpu.memory_space<hbm>> -> memref<1536xf32, #tpu.memory_space<hbm>>
      tpu.enqueue_dma source(%dma_start3A_8 : memref<1536xf32, #tpu.memory_space<hbm>>) target(%arg9 : memref<1536xf32, #tpu.memory_space<vmem>>) target_semaphore(%run_scoped3A : memref<!tpu.dma_semaphore, #tpu.memory_space<semaphore_mem>>)
      %dma_wait3A = tpu.memref_slice %arg5[%mul3A_2] : memref<49152xf32, #tpu.memory_space<hbm>> -> memref<1536xf32, #tpu.memory_space<hbm>>
      %dma_wait3A_9 = tpu.memref_slice %arg5[%mul3A_2] : memref<49152xf32, #tpu.memory_space<hbm>> -> memref<1536xf32, #tpu.memory_space<hbm>>
      tpu.wait_dma2 semaphore(%run_scoped3A : memref<!tpu.dma_semaphore, #tpu.memory_space<semaphore_mem>>) src(%dma_wait3A_9 : memref<1536xf32, #tpu.memory_space<hbm>>) dst(%arg9 : memref<1536xf32, #tpu.memory_space<vmem>>)
      tpu.yield
    }) : () -> ()
    %iota3A = tpu.iota {dimensions = array<i32: 0>} : vector<16xi32>
    %convert_element_type3A = arith.sitofp %iota3A : vector<16xi32> to vector<16xf32>
    %scan3A = arith.constant 0 : i32
    %scan3A_3 = arith.constant 0 : i32
    %scan3A_4 = arith.constant 96 : i32
    %scan3A_5 = arith.addi %scan3A_3, %scan3A_4 : i32
    %scan3A_6 = arith.constant 1 : i32
    scf.for %scan3A_8 = %scan3A_3 to %scan3A_5 step %scan3A_6  : i32 {
      %mul3A_9 = arith.constant 16 : i32
      %mul3A_10 = arith.muli %scan3A_8, %mul3A_9 : i32
      %add3A_11 = arith.addi %mul3A_2, %mul3A_10 : i32
      %add3A_12 = vector.broadcast %add3A_11 : i32 to vector<16xi32>
      %add3A_13 = arith.addi %add3A_12, %iota3A : vector<16xi32>
      %convert_element_type3A_14 = arith.sitofp %add3A_13 : vector<16xi32> to vector<16xf32>
      %add3A_15 = arith.constant 5.000000e-01 : f32
      %add3A_16 = vector.broadcast %add3A_15 : f32 to vector<16xf32>
      %add3A_17 = arith.addf %convert_element_type3A_14, %add3A_16 : vector<16xf32>
      %mul3A_18 = arith.constant 0.0204081628 : f32
      %mul3A_19 = vector.broadcast %mul3A_18 : f32 to vector<16xf32>
      %mul3A_20 = arith.mulf %add3A_17, %mul3A_19 : vector<16xf32>
      %convert_element_type3A_21 = arith.fptosi %mul3A_20 : vector<16xf32> to vector<16xi32>
      %min3A = arith.constant 999 : i32
      %min3A_22 = vector.broadcast %min3A : i32 to vector<16xi32>
      %min3A_23 = arith.minsi %convert_element_type3A_21, %min3A_22 : vector<16xi32>
      %mul3A_24 = arith.constant 49 : i32
      %mul3A_25 = vector.broadcast %mul3A_24 : i32 to vector<16xi32>
      %mul3A_26 = arith.muli %mul3A_25, %min3A_23 : vector<16xi32>
      %sub3A = arith.subi %add3A_13, %mul3A_26 : vector<16xi32>
      %convert_element_type3A_27 = arith.sitofp %sub3A : vector<16xi32> to vector<16xf32>
      %add3A_28 = arith.constant 5.000000e-01 : f32
      %add3A_29 = vector.broadcast %add3A_28 : f32 to vector<16xf32>
      %add3A_30 = arith.addf %convert_element_type3A_27, %add3A_29 : vector<16xf32>
      %mul3A_31 = arith.constant 0.142857149 : f32
      %mul3A_32 = vector.broadcast %mul3A_31 : f32 to vector<16xf32>
      %mul3A_33 = arith.mulf %add3A_30, %mul3A_32 : vector<16xf32>
      %convert_element_type3A_34 = arith.fptosi %mul3A_33 : vector<16xf32> to vector<16xi32>
      %convert_element_type3A_35 = arith.sitofp %convert_element_type3A_34 : vector<16xi32> to vector<16xf32>
      %mul3A_36 = arith.constant 7.000000e+00 : f32
      %mul3A_37 = vector.broadcast %mul3A_36 : f32 to vector<16xf32>
      %mul3A_38 = arith.mulf %mul3A_37, %convert_element_type3A_35 : vector<16xf32>
      %sub3A_39 = arith.subf %convert_element_type3A_27, %mul3A_38 : vector<16xf32>
      %gather3A = tpu.vector_load_idx %arg7[%min3A_23] : memref<5000xf32, #tpu.memory_space<vmem>>[vector<16xi32>], vector<16xf32>,
      %add3A_40 = arith.constant 1000 : i32
      %add3A_41 = vector.broadcast %add3A_40 : i32 to vector<16xi32>
      %add3A_42 = arith.addi %min3A_23, %add3A_41 : vector<16xi32>
      %gather3A_43 = tpu.vector_load_idx %arg7[%add3A_42] : memref<5000xf32, #tpu.memory_space<vmem>>[vector<16xi32>], vector<16xf32>,
      %add3A_44 = arith.constant 2000 : i32
      %add3A_45 = vector.broadcast %add3A_44 : i32 to vector<16xi32>
      %add3A_46 = arith.addi %min3A_23, %add3A_45 : vector<16xi32>
      %gather3A_47 = tpu.vector_load_idx %arg7[%add3A_46] : memref<5000xf32, #tpu.memory_space<vmem>>[vector<16xi32>], vector<16xf32>,
      %add3A_48 = arith.constant 3000 : i32
      %add3A_49 = vector.broadcast %add3A_48 : i32 to vector<16xi32>
      %add3A_50 = arith.addi %min3A_23, %add3A_49 : vector<16xi32>
      %gather3A_51 = tpu.vector_load_idx %arg7[%add3A_50] : memref<5000xf32, #tpu.memory_space<vmem>>[vector<16xi32>], vector<16xf32>,
      %add3A_52 = arith.constant 4000 : i32
      %add3A_53 = vector.broadcast %add3A_52 : i32 to vector<16xi32>
      %add3A_54 = arith.addi %min3A_23, %add3A_53 : vector<16xi32>
      %gather3A_55 = tpu.vector_load_idx %arg7[%add3A_54] : memref<5000xf32, #tpu.memory_space<vmem>>[vector<16xi32>], vector<16xf32>,
      %mul3A_56 = arith.constant 2.500000e-01 : f32
      %mul3A_57 = vector.broadcast %mul3A_56 : f32 to vector<16xf32>
      %mul3A_58 = arith.mulf %gather3A_43, %mul3A_57 : vector<16xf32>
      %sub3A_59 = arith.constant 5.000000e-01 : f32
      %sub3A_60 = vector.broadcast %sub3A_59 : f32 to vector<16xf32>
      %sub3A_61 = arith.subf %mul3A_58, %sub3A_60 : vector<16xf32>
      %mul3A_62 = arith.constant 2.500000e-01 : f32
      %mul3A_63 = vector.broadcast %mul3A_62 : f32 to vector<16xf32>
      %mul3A_64 = arith.mulf %gather3A_47, %mul3A_63 : vector<16xf32>
      %sub3A_65 = arith.constant 5.000000e-01 : f32
      %sub3A_66 = vector.broadcast %sub3A_65 : f32 to vector<16xf32>
      %sub3A_67 = arith.subf %mul3A_64, %sub3A_66 : vector<16xf32>
      %mul3A_68 = arith.constant 2.500000e-01 : f32
      %mul3A_69 = vector.broadcast %mul3A_68 : f32 to vector<16xf32>
      %mul3A_70 = arith.mulf %gather3A_51, %mul3A_69 : vector<16xf32>
      %sub3A_71 = arith.constant 5.000000e-01 : f32
      %sub3A_72 = vector.broadcast %sub3A_71 : f32 to vector<16xf32>
      %sub3A_73 = arith.subf %mul3A_70, %sub3A_72 : vector<16xf32>
      %sub3A_74 = arith.subf %sub3A_73, %sub3A_61 : vector<16xf32>
      %mul3A_75 = arith.constant 2.500000e-01 : f32
      %mul3A_76 = vector.broadcast %mul3A_75 : f32 to vector<16xf32>
      %mul3A_77 = arith.mulf %gather3A_55, %mul3A_76 : vector<16xf32>
      %sub3A_78 = arith.constant 5.000000e-01 : f32
      %sub3A_79 = vector.broadcast %sub3A_78 : f32 to vector<16xf32>
      %sub3A_80 = arith.subf %mul3A_77, %sub3A_79 : vector<16xf32>
      %sub3A_81 = arith.subf %sub3A_80, %sub3A_67 : vector<16xf32>
      %mul3A_82 = arith.constant 0.142857149 : f32
      %mul3A_83 = vector.broadcast %mul3A_82 : f32 to vector<16xf32>
      %mul3A_84 = arith.mulf %sub3A_74, %mul3A_83 : vector<16xf32>
      %mul3A_85 = arith.constant 0.142857149 : f32
      %mul3A_86 = vector.broadcast %mul3A_85 : f32 to vector<16xf32>
      %mul3A_87 = arith.mulf %sub3A_81, %mul3A_86 : vector<16xf32>
      %mul3A_88 = arith.constant 16 : i32
      %mul3A_89 = arith.muli %scan3A_8, %mul3A_88 : i32
      %get3A = arith.index_cast %mul3A_89 : i32 to index
      %get3A_90 = tpu.vector_load %arg8[%get3A] {strides = array<i32>} : memref<1536xf32, #tpu.memory_space<vmem>>, vector<16xf32>,
      %mul3A_91 = arith.constant 16 : i32
      %mul3A_92 = arith.muli %scan3A_8, %mul3A_91 : i32
      %get3A_93 = arith.index_cast %mul3A_92 : i32 to index
      %get3A_94 = tpu.vector_load %arg9[%get3A_93] {strides = array<i32>} : memref<1536xf32, #tpu.memory_space<vmem>>, vector<16xf32>,
      %mul3A_95 = arith.constant 1.000000e-01 : f32
      %mul3A_96 = vector.broadcast %mul3A_95 : f32 to vector<16xf32>
      %mul3A_97 = arith.mulf %mul3A_96, %sub3A_74 : vector<16xf32>
      %mul3A_98 = arith.mulf %mul3A_97, %get3A_90 : vector<16xf32>
      %add3A_99 = arith.addf %sub3A_61, %mul3A_98 : vector<16xf32>
      %mul3A_100 = arith.constant 1.000000e-01 : f32
      %mul3A_101 = vector.broadcast %mul3A_100 : f32 to vector<16xf32>
      %mul3A_102 = arith.mulf %mul3A_101, %sub3A_81 : vector<16xf32>
      %mul3A_103 = arith.mulf %mul3A_102, %get3A_94 : vector<16xf32>
      %add3A_104 = arith.addf %sub3A_67, %mul3A_103 : vector<16xf32>
      %convert_element_type3A_105 = arith.fptosi %gather3A : vector<16xf32> to vector<16xi32>
      %mul3A_106 = arith.constant 40000 : i32
      %mul3A_107 = vector.broadcast %mul3A_106 : i32 to vector<16xi32>
      %mul3A_108 = arith.muli %convert_element_type3A_105, %mul3A_107 : vector<16xi32>
      %mul3A_109 = arith.mulf %convert_element_type3A_35, %mul3A_87 : vector<16xf32>
      %add3A_110 = arith.addf %add3A_104, %mul3A_109 : vector<16xf32>
      %mul3A_111 = arith.constant 2.500000e-01 : f32
      %mul3A_112 = vector.broadcast %mul3A_111 : f32 to vector<16xf32>
      %mul3A_113 = arith.mulf %mul3A_112, %mul3A_87 : vector<16xf32>
      %add3A_114 = arith.addf %add3A_110, %mul3A_113 : vector<16xf32>
      %mul3A_115 = arith.mulf %sub3A_39, %mul3A_84 : vector<16xf32>
      %add3A_116 = arith.addf %add3A_99, %mul3A_115 : vector<16xf32>
      %mul3A_117 = arith.constant 2.500000e-01 : f32
      %mul3A_118 = vector.broadcast %mul3A_117 : f32 to vector<16xf32>
      %mul3A_119 = arith.mulf %mul3A_118, %mul3A_84 : vector<16xf32>
      %add3A_120 = arith.addf %add3A_116, %mul3A_119 : vector<16xf32>
      %ge3A = arith.constant -1.000000e+00 : f32
      %ge3A_121 = vector.broadcast %ge3A : f32 to vector<16xf32>
      %ge3A_122 = arith.cmpf oge, %add3A_114, %ge3A_121 : vector<16xf32>
      %le3A = arith.constant 2.000000e+02 : f32
      %le3A_123 = vector.broadcast %le3A : f32 to vector<16xf32>
      %le3A_124 = arith.cmpf ole, %add3A_114, %le3A_123 : vector<16xf32>
      %and3A = arith.andi %ge3A_122, %le3A_124 : vector<16xi1>
      %ge3A_125 = arith.constant -1.000000e+00 : f32
      %ge3A_126 = vector.broadcast %ge3A_125 : f32 to vector<16xf32>
      %ge3A_127 = arith.cmpf oge, %add3A_120, %ge3A_126 : vector<16xf32>
      %and3A_128 = arith.andi %and3A, %ge3A_127 : vector<16xi1>
      %le3A_129 = arith.constant 2.000000e+02 : f32
      %le3A_130 = vector.broadcast %le3A_129 : f32 to vector<16xf32>
      %le3A_131 = arith.cmpf ole, %add3A_120, %le3A_130 : vector<16xf32>
      %and3A_132 = arith.andi %and3A_128, %le3A_131 : vector<16xi1>
      %max3A = arith.constant 0.000000e+00 : f32
      %max3A_133 = vector.broadcast %max3A : f32 to vector<16xf32>
      %max3A_134 = arith.maximumf %add3A_114, %max3A_133 : vector<16xf32>
      %min3A_135 = arith.constant 2.000000e+02 : f32
      %min3A_136 = vector.broadcast %min3A_135 : f32 to vector<16xf32>
      %min3A_137 = arith.minimumf %max3A_134, %min3A_136 : vector<16xf32>
      %max3A_138 = arith.constant 0.000000e+00 : f32
      %max3A_139 = vector.broadcast %max3A_138 : f32 to vector<16xf32>
      %max3A_140 = arith.maximumf %add3A_120, %max3A_139 : vector<16xf32>
      %min3A_141 = arith.constant 2.000000e+02 : f32
      %min3A_142 = vector.broadcast %min3A_141 : f32 to vector<16xf32>
      %min3A_143 = arith.minimumf %max3A_140, %min3A_142 : vector<16xf32>
      %convert_element_type3A_144 = arith.fptosi %min3A_137 : vector<16xf32> to vector<16xi32>
      %convert_element_type3A_145 = arith.sitofp %convert_element_type3A_144 : vector<16xi32> to vector<16xf32>
      %convert_element_type3A_146 = arith.fptosi %min3A_143 : vector<16xf32> to vector<16xi32>
      %convert_element_type3A_147 = arith.sitofp %convert_element_type3A_146 : vector<16xi32> to vector<16xf32>
      %ge3A_148 = arith.constant 1.990000e+02 : f32
      %ge3A_149 = vector.broadcast %ge3A_148 : f32 to vector<16xf32>
      %ge3A_150 = arith.cmpf oge, %convert_element_type3A_145, %ge3A_149 : vector<16xf32>
      %ge3A_151 = arith.constant 1.990000e+02 : f32
      %ge3A_152 = vector.broadcast %ge3A_151 : f32 to vector<16xf32>
      %ge3A_153 = arith.cmpf oge, %convert_element_type3A_147, %ge3A_152 : vector<16xf32>
      %jit3A = arith.constant 1.990000e+02 : f32
      %broadcast_in_dim3A = vector.broadcast %jit3A : f32 to vector<16xf32>
      %select_n3A = arith.select %ge3A_150, %broadcast_in_dim3A, %convert_element_type3A_145 : vector<16xi1>, vector<16xf32>
      %jit3A_154 = arith.constant 1.990000e+02 : f32
      %broadcast_in_dim3A_155 = vector.broadcast %jit3A_154 : f32 to vector<16xf32>
      %select_n3A_156 = arith.select %ge3A_153, %broadcast_in_dim3A_155, %convert_element_type3A_147 : vector<16xi1>, vector<16xf32>
      %add3A_157 = arith.constant 1.000000e+00 : f32
      %add3A_158 = vector.broadcast %add3A_157 : f32 to vector<16xf32>
      %add3A_159 = arith.addf %select_n3A, %add3A_158 : vector<16xf32>
      %jit3A_160 = arith.constant 1.990000e+02 : f32
      %broadcast_in_dim3A_161 = vector.broadcast %jit3A_160 : f32 to vector<16xf32>
      %select_n3A_162 = arith.select %ge3A_150, %broadcast_in_dim3A_161, %add3A_159 : vector<16xi1>, vector<16xf32>
      %add3A_163 = arith.constant 1.000000e+00 : f32
      %add3A_164 = vector.broadcast %add3A_163 : f32 to vector<16xf32>
      %add3A_165 = arith.addf %select_n3A_156, %add3A_164 : vector<16xf32>
      %jit3A_166 = arith.constant 1.990000e+02 : f32
      %broadcast_in_dim3A_167 = vector.broadcast %jit3A_166 : f32 to vector<16xf32>
      %select_n3A_168 = arith.select %ge3A_153, %broadcast_in_dim3A_167, %add3A_165 : vector<16xi1>, vector<16xf32>
      %select_n3A_169 = arith.select %ge3A_150, %select_n3A, %min3A_137 : vector<16xi1>, vector<16xf32>
      %select_n3A_170 = arith.select %ge3A_153, %select_n3A_156, %min3A_143 : vector<16xi1>, vector<16xf32>
      %sub3A_171 = arith.subf %select_n3A_169, %select_n3A : vector<16xf32>
      %sub3A_172 = arith.subf %select_n3A_170, %select_n3A_156 : vector<16xf32>
      %sub3A_173 = arith.constant 1.000000e+00 : f32
      %sub3A_174 = vector.broadcast %sub3A_173 : f32 to vector<16xf32>
      %sub3A_175 = arith.subf %sub3A_174, %sub3A_171 : vector<16xf32>
      %sub3A_176 = arith.constant 1.000000e+00 : f32
      %sub3A_177 = vector.broadcast %sub3A_176 : f32 to vector<16xf32>
      %sub3A_178 = arith.subf %sub3A_177, %sub3A_172 : vector<16xf32>
      %jit3A_179 = arith.constant 2.500000e-01 : f32
      %jit3A_180 = arith.constant 0.000000e+00 : f32
      %broadcast_in_dim3A_181 = vector.broadcast %jit3A_179 : f32 to vector<16xf32>
      %broadcast_in_dim3A_182 = vector.broadcast %jit3A_180 : f32 to vector<16xf32>
      %select_n3A_183 = arith.select %and3A_132, %broadcast_in_dim3A_181, %broadcast_in_dim3A_182 : vector<16xi1>, vector<16xf32>
      %convert_element_type3A_184 = arith.fptosi %select_n3A : vector<16xf32> to vector<16xi32>
      %convert_element_type3A_185 = arith.fptosi %select_n3A_162 : vector<16xf32> to vector<16xi32>
      %convert_element_type3A_186 = arith.fptosi %select_n3A_156 : vector<16xf32> to vector<16xi32>
      %convert_element_type3A_187 = arith.fptosi %select_n3A_168 : vector<16xf32> to vector<16xi32>
      %mul3A_188 = arith.constant 200 : i32
      %mul3A_189 = vector.broadcast %mul3A_188 : i32 to vector<16xi32>
      %mul3A_190 = arith.muli %convert_element_type3A_184, %mul3A_189 : vector<16xi32>
      %add3A_191 = arith.addi %mul3A_108, %mul3A_190 : vector<16xi32>
      %add3A_192 = arith.addi %add3A_191, %convert_element_type3A_186 : vector<16xi32>
      %mul3A_193 = arith.constant 200 : i32
      %mul3A_194 = vector.broadcast %mul3A_193 : i32 to vector<16xi32>
      %mul3A_195 = arith.muli %convert_element_type3A_184, %mul3A_194 : vector<16xi32>
      %add3A_196 = arith.addi %mul3A_108, %mul3A_195 : vector<16xi32>
      %add3A_197 = arith.addi %add3A_196, %convert_element_type3A_187 : vector<16xi32>
      %mul3A_198 = arith.constant 200 : i32
      %mul3A_199 = vector.broadcast %mul3A_198 : i32 to vector<16xi32>
      %mul3A_200 = arith.muli %convert_element_type3A_185, %mul3A_199 : vector<16xi32>
      %add3A_201 = arith.addi %mul3A_108, %mul3A_200 : vector<16xi32>
      %add3A_202 = arith.addi %add3A_201, %convert_element_type3A_186 : vector<16xi32>
      %mul3A_203 = arith.constant 200 : i32
      %mul3A_204 = vector.broadcast %mul3A_203 : i32 to vector<16xi32>
      %mul3A_205 = arith.muli %convert_element_type3A_185, %mul3A_204 : vector<16xi32>
      %add3A_206 = arith.addi %mul3A_108, %mul3A_205 : vector<16xi32>
      %add3A_207 = arith.addi %add3A_206, %convert_element_type3A_187 : vector<16xi32>
      %mul3A_208 = arith.mulf %sub3A_175, %sub3A_178 : vector<16xf32>
      %mul3A_209 = arith.mulf %mul3A_208, %select_n3A_183 : vector<16xf32>
      %mul3A_210 = arith.mulf %sub3A_175, %sub3A_172 : vector<16xf32>
      %mul3A_211 = arith.mulf %mul3A_210, %select_n3A_183 : vector<16xf32>
      %mul3A_212 = arith.mulf %sub3A_171, %sub3A_178 : vector<16xf32>
      %mul3A_213 = arith.mulf %mul3A_212, %select_n3A_183 : vector<16xf32>
      %mul3A_214 = arith.mulf %sub3A_171, %sub3A_172 : vector<16xf32>
      %mul3A_215 = arith.mulf %mul3A_214, %select_n3A_183 : vector<16xf32>
      %swap3A = arith.constant 0 : i32
      %swap3A_216 = arith.index_cast %swap3A : i32 to index
      %swap3A_217 = arith.constant 0 : index
      %swap3A_218 = tpu.vector_load %arg10[%swap3A_216, %swap3A_217] {strides = array<i32>} : memref<2x128xi32, #tpu.memory_space<vmem>>, vector<16xi32>,
      tpu.vector_store %arg10[%swap3A_216, %swap3A_217], %add3A_192 {strides = array<i32>} : memref<2x128xi32, #tpu.memory_space<vmem>>, vector<16xi32>,
      %swap3A_219 = arith.constant 0 : index
      %swap3A_220 = tpu.vector_load %arg12[%swap3A_219] {strides = array<i32>} : memref<256xf32, #tpu.memory_space<vmem>>, vector<16xf32>,
      tpu.vector_store %arg12[%swap3A_219], %mul3A_209 {strides = array<i32>} : memref<256xf32, #tpu.memory_space<vmem>>, vector<16xf32>,
      %swap3A_221 = arith.constant 0 : i32
      %swap3A_222 = arith.index_cast %swap3A_221 : i32 to index
      %swap3A_223 = arith.constant 16 : index
      %swap3A_224 = tpu.vector_load %arg10[%swap3A_222, %swap3A_223] {strides = array<i32>} : memref<2x128xi32, #tpu.memory_space<vmem>>, vector<16xi32>,
      tpu.vector_store %arg10[%swap3A_222, %swap3A_223], %add3A_197 {strides = array<i32>} : memref<2x128xi32, #tpu.memory_space<vmem>>, vector<16xi32>,
      %swap3A_225 = arith.constant 16 : index
      %swap3A_226 = tpu.vector_load %arg12[%swap3A_225] {strides = array<i32>} : memref<256xf32, #tpu.memory_space<vmem>>, vector<16xf32>,
      tpu.vector_store %arg12[%swap3A_225], %mul3A_211 {strides = array<i32>} : memref<256xf32, #tpu.memory_space<vmem>>, vector<16xf32>,
      %swap3A_227 = arith.constant 0 : i32
      %swap3A_228 = arith.index_cast %swap3A_227 : i32 to index
      %swap3A_229 = arith.constant 32 : index
      %swap3A_230 = tpu.vector_load %arg10[%swap3A_228, %swap3A_229] {strides = array<i32>} : memref<2x128xi32, #tpu.memory_space<vmem>>, vector<16xi32>,
      tpu.vector_store %arg10[%swap3A_228, %swap3A_229], %add3A_202 {strides = array<i32>} : memref<2x128xi32, #tpu.memory_space<vmem>>, vector<16xi32>,
      %swap3A_231 = arith.constant 32 : index
      %swap3A_232 = tpu.vector_load %arg12[%swap3A_231] {strides = array<i32>} : memref<256xf32, #tpu.memory_space<vmem>>, vector<16xf32>,
      tpu.vector_store %arg12[%swap3A_231], %mul3A_213 {strides = array<i32>} : memref<256xf32, #tpu.memory_space<vmem>>, vector<16xf32>,
      %swap3A_233 = arith.constant 0 : i32
      %swap3A_234 = arith.index_cast %swap3A_233 : i32 to index
      %swap3A_235 = arith.constant 48 : index
      %swap3A_236 = tpu.vector_load %arg10[%swap3A_234, %swap3A_235] {strides = array<i32>} : memref<2x128xi32, #tpu.memory_space<vmem>>, vector<16xi32>,
      tpu.vector_store %arg10[%swap3A_234, %swap3A_235], %add3A_207 {strides = array<i32>} : memref<2x128xi32, #tpu.memory_space<vmem>>, vector<16xi32>,
      %swap3A_237 = arith.constant 48 : index
      %swap3A_238 = tpu.vector_load %arg12[%swap3A_237] {strides = array<i32>} : memref<256xf32, #tpu.memory_space<vmem>>, vector<16xf32>,
      tpu.vector_store %arg12[%swap3A_237], %mul3A_215 {strides = array<i32>} : memref<256xf32, #tpu.memory_space<vmem>>, vector<16xf32>,
      %mul3A_239 = arith.mulf %convert_element_type3A_35, %mul3A_87 : vector<16xf32>
      %add3A_240 = arith.addf %add3A_104, %mul3A_239 : vector<16xf32>
      %mul3A_241 = arith.constant 2.500000e-01 : f32
      %mul3A_242 = vector.broadcast %mul3A_241 : f32 to vector<16xf32>
      %mul3A_243 = arith.mulf %mul3A_242, %mul3A_87 : vector<16xf32>
      %add3A_244 = arith.addf %add3A_240, %mul3A_243 : vector<16xf32>
      %mul3A_245 = arith.mulf %sub3A_39, %mul3A_84 : vector<16xf32>
      %add3A_246 = arith.addf %add3A_99, %mul3A_245 : vector<16xf32>
      %mul3A_247 = arith.constant 7.500000e-01 : f32
      %mul3A_248 = vector.broadcast %mul3A_247 : f32 to vector<16xf32>
      %mul3A_249 = arith.mulf %mul3A_248, %mul3A_84 : vector<16xf32>
      %add3A_250 = arith.addf %add3A_246, %mul3A_249 : vector<16xf32>
      %ge3A_251 = arith.constant -1.000000e+00 : f32
      %ge3A_252 = vector.broadcast %ge3A_251 : f32 to vector<16xf32>
      %ge3A_253 = arith.cmpf oge, %add3A_244, %ge3A_252 : vector<16xf32>
      %le3A_254 = arith.constant 2.000000e+02 : f32
      %le3A_255 = vector.broadcast %le3A_254 : f32 to vector<16xf32>
      %le3A_256 = arith.cmpf ole, %add3A_244, %le3A_255 : vector<16xf32>
      %and3A_257 = arith.andi %ge3A_253, %le3A_256 : vector<16xi1>
      %ge3A_258 = arith.constant -1.000000e+00 : f32
      %ge3A_259 = vector.broadcast %ge3A_258 : f32 to vector<16xf32>
      %ge3A_260 = arith.cmpf oge, %add3A_250, %ge3A_259 : vector<16xf32>
      %and3A_261 = arith.andi %and3A_257, %ge3A_260 : vector<16xi1>
      %le3A_262 = arith.constant 2.000000e+02 : f32
      %le3A_263 = vector.broadcast %le3A_262 : f32 to vector<16xf32>
      %le3A_264 = arith.cmpf ole, %add3A_250, %le3A_263 : vector<16xf32>
      %and3A_265 = arith.andi %and3A_261, %le3A_264 : vector<16xi1>
      %max3A_266 = arith.constant 0.000000e+00 : f32
      %max3A_267 = vector.broadcast %max3A_266 : f32 to vector<16xf32>
      %max3A_268 = arith.maximumf %add3A_244, %max3A_267 : vector<16xf32>
      %min3A_269 = arith.constant 2.000000e+02 : f32
      %min3A_270 = vector.broadcast %min3A_269 : f32 to vector<16xf32>
      %min3A_271 = arith.minimumf %max3A_268, %min3A_270 : vector<16xf32>
      %max3A_272 = arith.constant 0.000000e+00 : f32
      %max3A_273 = vector.broadcast %max3A_272 : f32 to vector<16xf32>
      %max3A_274 = arith.maximumf %add3A_250, %max3A_273 : vector<16xf32>
      %min3A_275 = arith.constant 2.000000e+02 : f32
      %min3A_276 = vector.broadcast %min3A_275 : f32 to vector<16xf32>
      %min3A_277 = arith.minimumf %max3A_274, %min3A_276 : vector<16xf32>
      %convert_element_type3A_278 = arith.fptosi %min3A_271 : vector<16xf32> to vector<16xi32>
      %convert_element_type3A_279 = arith.sitofp %convert_element_type3A_278 : vector<16xi32> to vector<16xf32>
      %convert_element_type3A_280 = arith.fptosi %min3A_277 : vector<16xf32> to vector<16xi32>
      %convert_element_type3A_281 = arith.sitofp %convert_element_type3A_280 : vector<16xi32> to vector<16xf32>
      %ge3A_282 = arith.constant 1.990000e+02 : f32
      %ge3A_283 = vector.broadcast %ge3A_282 : f32 to vector<16xf32>
      %ge3A_284 = arith.cmpf oge, %convert_element_type3A_279, %ge3A_283 : vector<16xf32>
      %ge3A_285 = arith.constant 1.990000e+02 : f32
      %ge3A_286 = vector.broadcast %ge3A_285 : f32 to vector<16xf32>
      %ge3A_287 = arith.cmpf oge, %convert_element_type3A_281, %ge3A_286 : vector<16xf32>
      %jit3A_288 = arith.constant 1.990000e+02 : f32
      %broadcast_in_dim3A_289 = vector.broadcast %jit3A_288 : f32 to vector<16xf32>
      %select_n3A_290 = arith.select %ge3A_284, %broadcast_in_dim3A_289, %convert_element_type3A_279 : vector<16xi1>, vector<16xf32>
      %jit3A_291 = arith.constant 1.990000e+02 : f32
      %broadcast_in_dim3A_292 = vector.broadcast %jit3A_291 : f32 to vector<16xf32>
      %select_n3A_293 = arith.select %ge3A_287, %broadcast_in_dim3A_292, %convert_element_type3A_281 : vector<16xi1>, vector<16xf32>
      %add3A_294 = arith.constant 1.000000e+00 : f32
      %add3A_295 = vector.broadcast %add3A_294 : f32 to vector<16xf32>
      %add3A_296 = arith.addf %select_n3A_290, %add3A_295 : vector<16xf32>
      %jit3A_297 = arith.constant 1.990000e+02 : f32
      %broadcast_in_dim3A_298 = vector.broadcast %jit3A_297 : f32 to vector<16xf32>
      %select_n3A_299 = arith.select %ge3A_284, %broadcast_in_dim3A_298, %add3A_296 : vector<16xi1>, vector<16xf32>
      %add3A_300 = arith.constant 1.000000e+00 : f32
      %add3A_301 = vector.broadcast %add3A_300 : f32 to vector<16xf32>
      %add3A_302 = arith.addf %select_n3A_293, %add3A_301 : vector<16xf32>
      %jit3A_303 = arith.constant 1.990000e+02 : f32
      %broadcast_in_dim3A_304 = vector.broadcast %jit3A_303 : f32 to vector<16xf32>
      %select_n3A_305 = arith.select %ge3A_287, %broadcast_in_dim3A_304, %add3A_302 : vector<16xi1>, vector<16xf32>
      %select_n3A_306 = arith.select %ge3A_284, %select_n3A_290, %min3A_271 : vector<16xi1>, vector<16xf32>
      %select_n3A_307 = arith.select %ge3A_287, %select_n3A_293, %min3A_277 : vector<16xi1>, vector<16xf32>
      %sub3A_308 = arith.subf %select_n3A_306, %select_n3A_290 : vector<16xf32>
      %sub3A_309 = arith.subf %select_n3A_307, %select_n3A_293 : vector<16xf32>
      %sub3A_310 = arith.constant 1.000000e+00 : f32
      %sub3A_311 = vector.broadcast %sub3A_310 : f32 to vector<16xf32>
      %sub3A_312 = arith.subf %sub3A_311, %sub3A_308 : vector<16xf32>
      %sub3A_313 = arith.constant 1.000000e+00 : f32
      %sub3A_314 = vector.broadcast %sub3A_313 : f32 to vector<16xf32>
      %sub3A_315 = arith.subf %sub3A_314, %sub3A_309 : vector<16xf32>
      %jit3A_316 = arith.constant 2.500000e-01 : f32
      %jit3A_317 = arith.constant 0.000000e+00 : f32
      %broadcast_in_dim3A_318 = vector.broadcast %jit3A_316 : f32 to vector<16xf32>
      %broadcast_in_dim3A_319 = vector.broadcast %jit3A_317 : f32 to vector<16xf32>
      %select_n3A_320 = arith.select %and3A_265, %broadcast_in_dim3A_318, %broadcast_in_dim3A_319 : vector<16xi1>, vector<16xf32>
      %convert_element_type3A_321 = arith.fptosi %select_n3A_290 : vector<16xf32> to vector<16xi32>
      %convert_element_type3A_322 = arith.fptosi %select_n3A_299 : vector<16xf32> to vector<16xi32>
      %convert_element_type3A_323 = arith.fptosi %select_n3A_293 : vector<16xf32> to vector<16xi32>
      %convert_element_type3A_324 = arith.fptosi %select_n3A_305 : vector<16xf32> to vector<16xi32>
      %mul3A_325 = arith.constant 200 : i32
      %mul3A_326 = vector.broadcast %mul3A_325 : i32 to vector<16xi32>
      %mul3A_327 = arith.muli %convert_element_type3A_321, %mul3A_326 : vector<16xi32>
      %add3A_328 = arith.addi %mul3A_108, %mul3A_327 : vector<16xi32>
      %add3A_329 = arith.addi %add3A_328, %convert_element_type3A_323 : vector<16xi32>
      %mul3A_330 = arith.constant 200 : i32
      %mul3A_331 = vector.broadcast %mul3A_330 : i32 to vector<16xi32>
      %mul3A_332 = arith.muli %convert_element_type3A_321, %mul3A_331 : vector<16xi32>
      %add3A_333 = arith.addi %mul3A_108, %mul3A_332 : vector<16xi32>
      %add3A_334 = arith.addi %add3A_333, %convert_element_type3A_324 : vector<16xi32>
      %mul3A_335 = arith.constant 200 : i32
      %mul3A_336 = vector.broadcast %mul3A_335 : i32 to vector<16xi32>
      %mul3A_337 = arith.muli %convert_element_type3A_322, %mul3A_336 : vector<16xi32>
      %add3A_338 = arith.addi %mul3A_108, %mul3A_337 : vector<16xi32>
      %add3A_339 = arith.addi %add3A_338, %convert_element_type3A_323 : vector<16xi32>
      %mul3A_340 = arith.constant 200 : i32
      %mul3A_341 = vector.broadcast %mul3A_340 : i32 to vector<16xi32>
      %mul3A_342 = arith.muli %convert_element_type3A_322, %mul3A_341 : vector<16xi32>
      %add3A_343 = arith.addi %mul3A_108, %mul3A_342 : vector<16xi32>
      %add3A_344 = arith.addi %add3A_343, %convert_element_type3A_324 : vector<16xi32>
      %mul3A_345 = arith.mulf %sub3A_312, %sub3A_315 : vector<16xf32>
      %mul3A_346 = arith.mulf %mul3A_345, %select_n3A_320 : vector<16xf32>
      %mul3A_347 = arith.mulf %sub3A_312, %sub3A_309 : vector<16xf32>
      %mul3A_348 = arith.mulf %mul3A_347, %select_n3A_320 : vector<16xf32>
      %mul3A_349 = arith.mulf %sub3A_308, %sub3A_315 : vector<16xf32>
      %mul3A_350 = arith.mulf %mul3A_349, %select_n3A_320 : vector<16xf32>
      %mul3A_351 = arith.mulf %sub3A_308, %sub3A_309 : vector<16xf32>
      %mul3A_352 = arith.mulf %mul3A_351, %select_n3A_320 : vector<16xf32>
      %swap3A_353 = arith.constant 0 : i32
      %swap3A_354 = arith.index_cast %swap3A_353 : i32 to index
      %swap3A_355 = arith.constant 64 : index
      %swap3A_356 = tpu.vector_load %arg10[%swap3A_354, %swap3A_355] {strides = array<i32>} : memref<2x128xi32, #tpu.memory_space<vmem>>, vector<16xi32>,
      tpu.vector_store %arg10[%swap3A_354, %swap3A_355], %add3A_329 {strides = array<i32>} : memref<2x128xi32, #tpu.memory_space<vmem>>, vector<16xi32>,
      %swap3A_357 = arith.constant 64 : index
      %swap3A_358 = tpu.vector_load %arg12[%swap3A_357] {strides = array<i32>} : memref<256xf32, #tpu.memory_space<vmem>>, vector<16xf32>,
      tpu.vector_store %arg12[%swap3A_357], %mul3A_346 {strides = array<i32>} : memref<256xf32, #tpu.memory_space<vmem>>, vector<16xf32>,
      %swap3A_359 = arith.constant 0 : i32
      %swap3A_360 = arith.index_cast %swap3A_359 : i32 to index
      %swap3A_361 = arith.constant 80 : index
      %swap3A_362 = tpu.vector_load %arg10[%swap3A_360, %swap3A_361] {strides = array<i32>} : memref<2x128xi32, #tpu.memory_space<vmem>>, vector<16xi32>,
      tpu.vector_store %arg10[%swap3A_360, %swap3A_361], %add3A_334 {strides = array<i32>} : memref<2x128xi32, #tpu.memory_space<vmem>>, vector<16xi32>,
      %swap3A_363 = arith.constant 80 : index
      %swap3A_364 = tpu.vector_load %arg12[%swap3A_363] {strides = array<i32>} : memref<256xf32, #tpu.memory_space<vmem>>, vector<16xf32>,
      tpu.vector_store %arg12[%swap3A_363], %mul3A_348 {strides = array<i32>} : memref<256xf32, #tpu.memory_space<vmem>>, vector<16xf32>,
      %swap3A_365 = arith.constant 0 : i32
      %swap3A_366 = arith.index_cast %swap3A_365 : i32 to index
      %swap3A_367 = arith.constant 96 : index
      %swap3A_368 = tpu.vector_load %arg10[%swap3A_366, %swap3A_367] {strides = array<i32>} : memref<2x128xi32, #tpu.memory_space<vmem>>, vector<16xi32>,
      tpu.vector_store %arg10[%swap3A_366, %swap3A_367], %add3A_339 {strides = array<i32>} : memref<2x128xi32, #tpu.memory_space<vmem>>, vector<16xi32>,
      %swap3A_369 = arith.constant 96 : index
      %swap3A_370 = tpu.vector_load %arg12[%swap3A_369] {strides = array<i32>} : memref<256xf32, #tpu.memory_space<vmem>>, vector<16xf32>,
      tpu.vector_store %arg12[%swap3A_369], %mul3A_350 {strides = array<i32>} : memref<256xf32, #tpu.memory_space<vmem>>, vector<16xf32>,
      %swap3A_371 = arith.constant 0 : i32
      %swap3A_372 = arith.index_cast %swap3A_371 : i32 to index
      %swap3A_373 = arith.constant 112 : index
      %swap3A_374 = tpu.vector_load %arg10[%swap3A_372, %swap3A_373] {strides = array<i32>} : memref<2x128xi32, #tpu.memory_space<vmem>>, vector<16xi32>,
      tpu.vector_store %arg10[%swap3A_372, %swap3A_373], %add3A_344 {strides = array<i32>} : memref<2x128xi32, #tpu.memory_space<vmem>>, vector<16xi32>,
      %swap3A_375 = arith.constant 112 : index
      %swap3A_376 = tpu.vector_load %arg12[%swap3A_375] {strides = array<i32>} : memref<256xf32, #tpu.memory_space<vmem>>, vector<16xf32>,
      tpu.vector_store %arg12[%swap3A_375], %mul3A_352 {strides = array<i32>} : memref<256xf32, #tpu.memory_space<vmem>>, vector<16xf32>,
      %mul3A_377 = arith.mulf %convert_element_type3A_35, %mul3A_87 : vector<16xf32>
      %add3A_378 = arith.addf %add3A_104, %mul3A_377 : vector<16xf32>
      %mul3A_379 = arith.constant 7.500000e-01 : f32
      %mul3A_380 = vector.broadcast %mul3A_379 : f32 to vector<16xf32>
      %mul3A_381 = arith.mulf %mul3A_380, %mul3A_87 : vector<16xf32>
      %add3A_382 = arith.addf %add3A_378, %mul3A_381 : vector<16xf32>
      %mul3A_383 = arith.mulf %sub3A_39, %mul3A_84 : vector<16xf32>
      %add3A_384 = arith.addf %add3A_99, %mul3A_383 : vector<16xf32>
      %mul3A_385 = arith.constant 2.500000e-01 : f32
      %mul3A_386 = vector.broadcast %mul3A_385 : f32 to vector<16xf32>
      %mul3A_387 = arith.mulf %mul3A_386, %mul3A_84 : vector<16xf32>
      %add3A_388 = arith.addf %add3A_384, %mul3A_387 : vector<16xf32>
      %ge3A_389 = arith.constant -1.000000e+00 : f32
      %ge3A_390 = vector.broadcast %ge3A_389 : f32 to vector<16xf32>
      %ge3A_391 = arith.cmpf oge, %add3A_382, %ge3A_390 : vector<16xf32>
      %le3A_392 = arith.constant 2.000000e+02 : f32
      %le3A_393 = vector.broadcast %le3A_392 : f32 to vector<16xf32>
      %le3A_394 = arith.cmpf ole, %add3A_382, %le3A_393 : vector<16xf32>
      %and3A_395 = arith.andi %ge3A_391, %le3A_394 : vector<16xi1>
      %ge3A_396 = arith.constant -1.000000e+00 : f32
      %ge3A_397 = vector.broadcast %ge3A_396 : f32 to vector<16xf32>
      %ge3A_398 = arith.cmpf oge, %add3A_388, %ge3A_397 : vector<16xf32>
      %and3A_399 = arith.andi %and3A_395, %ge3A_398 : vector<16xi1>
      %le3A_400 = arith.constant 2.000000e+02 : f32
      %le3A_401 = vector.broadcast %le3A_400 : f32 to vector<16xf32>
      %le3A_402 = arith.cmpf ole, %add3A_388, %le3A_401 : vector<16xf32>
      %and3A_403 = arith.andi %and3A_399, %le3A_402 : vector<16xi1>
      %max3A_404 = arith.constant 0.000000e+00 : f32
      %max3A_405 = vector.broadcast %max3A_404 : f32 to vector<16xf32>
      %max3A_406 = arith.maximumf %add3A_382, %max3A_405 : vector<16xf32>
      %min3A_407 = arith.constant 2.000000e+02 : f32
      %min3A_408 = vector.broadcast %min3A_407 : f32 to vector<16xf32>
      %min3A_409 = arith.minimumf %max3A_406, %min3A_408 : vector<16xf32>
      %max3A_410 = arith.constant 0.000000e+00 : f32
      %max3A_411 = vector.broadcast %max3A_410 : f32 to vector<16xf32>
      %max3A_412 = arith.maximumf %add3A_388, %max3A_411 : vector<16xf32>
      %min3A_413 = arith.constant 2.000000e+02 : f32
      %min3A_414 = vector.broadcast %min3A_413 : f32 to vector<16xf32>
      %min3A_415 = arith.minimumf %max3A_412, %min3A_414 : vector<16xf32>
      %convert_element_type3A_416 = arith.fptosi %min3A_409 : vector<16xf32> to vector<16xi32>
      %convert_element_type3A_417 = arith.sitofp %convert_element_type3A_416 : vector<16xi32> to vector<16xf32>
      %convert_element_type3A_418 = arith.fptosi %min3A_415 : vector<16xf32> to vector<16xi32>
      %convert_element_type3A_419 = arith.sitofp %convert_element_type3A_418 : vector<16xi32> to vector<16xf32>
      %ge3A_420 = arith.constant 1.990000e+02 : f32
      %ge3A_421 = vector.broadcast %ge3A_420 : f32 to vector<16xf32>
      %ge3A_422 = arith.cmpf oge, %convert_element_type3A_417, %ge3A_421 : vector<16xf32>
      %ge3A_423 = arith.constant 1.990000e+02 : f32
      %ge3A_424 = vector.broadcast %ge3A_423 : f32 to vector<16xf32>
      %ge3A_425 = arith.cmpf oge, %convert_element_type3A_419, %ge3A_424 : vector<16xf32>
      %jit3A_426 = arith.constant 1.990000e+02 : f32
      %broadcast_in_dim3A_427 = vector.broadcast %jit3A_426 : f32 to vector<16xf32>
      %select_n3A_428 = arith.select %ge3A_422, %broadcast_in_dim3A_427, %convert_element_type3A_417 : vector<16xi1>, vector<16xf32>
      %jit3A_429 = arith.constant 1.990000e+02 : f32
      %broadcast_in_dim3A_430 = vector.broadcast %jit3A_429 : f32 to vector<16xf32>
      %select_n3A_431 = arith.select %ge3A_425, %broadcast_in_dim3A_430, %convert_element_type3A_419 : vector<16xi1>, vector<16xf32>
      %add3A_432 = arith.constant 1.000000e+00 : f32
      %add3A_433 = vector.broadcast %add3A_432 : f32 to vector<16xf32>
      %add3A_434 = arith.addf %select_n3A_428, %add3A_433 : vector<16xf32>
      %jit3A_435 = arith.constant 1.990000e+02 : f32
      %broadcast_in_dim3A_436 = vector.broadcast %jit3A_435 : f32 to vector<16xf32>
      %select_n3A_437 = arith.select %ge3A_422, %broadcast_in_dim3A_436, %add3A_434 : vector<16xi1>, vector<16xf32>
      %add3A_438 = arith.constant 1.000000e+00 : f32
      %add3A_439 = vector.broadcast %add3A_438 : f32 to vector<16xf32>
      %add3A_440 = arith.addf %select_n3A_431, %add3A_439 : vector<16xf32>
      %jit3A_441 = arith.constant 1.990000e+02 : f32
      %broadcast_in_dim3A_442 = vector.broadcast %jit3A_441 : f32 to vector<16xf32>
      %select_n3A_443 = arith.select %ge3A_425, %broadcast_in_dim3A_442, %add3A_440 : vector<16xi1>, vector<16xf32>
      %select_n3A_444 = arith.select %ge3A_422, %select_n3A_428, %min3A_409 : vector<16xi1>, vector<16xf32>
      %select_n3A_445 = arith.select %ge3A_425, %select_n3A_431, %min3A_415 : vector<16xi1>, vector<16xf32>
      %sub3A_446 = arith.subf %select_n3A_444, %select_n3A_428 : vector<16xf32>
      %sub3A_447 = arith.subf %select_n3A_445, %select_n3A_431 : vector<16xf32>
      %sub3A_448 = arith.constant 1.000000e+00 : f32
      %sub3A_449 = vector.broadcast %sub3A_448 : f32 to vector<16xf32>
      %sub3A_450 = arith.subf %sub3A_449, %sub3A_446 : vector<16xf32>
      %sub3A_451 = arith.constant 1.000000e+00 : f32
      %sub3A_452 = vector.broadcast %sub3A_451 : f32 to vector<16xf32>
      %sub3A_453 = arith.subf %sub3A_452, %sub3A_447 : vector<16xf32>
      %jit3A_454 = arith.constant 2.500000e-01 : f32
      %jit3A_455 = arith.constant 0.000000e+00 : f32
      %broadcast_in_dim3A_456 = vector.broadcast %jit3A_454 : f32 to vector<16xf32>
      %broadcast_in_dim3A_457 = vector.broadcast %jit3A_455 : f32 to vector<16xf32>
      %select_n3A_458 = arith.select %and3A_403, %broadcast_in_dim3A_456, %broadcast_in_dim3A_457 : vector<16xi1>, vector<16xf32>
      %convert_element_type3A_459 = arith.fptosi %select_n3A_428 : vector<16xf32> to vector<16xi32>
      %convert_element_type3A_460 = arith.fptosi %select_n3A_437 : vector<16xf32> to vector<16xi32>
      %convert_element_type3A_461 = arith.fptosi %select_n3A_431 : vector<16xf32> to vector<16xi32>
      %convert_element_type3A_462 = arith.fptosi %select_n3A_443 : vector<16xf32> to vector<16xi32>
      %mul3A_463 = arith.constant 200 : i32
      %mul3A_464 = vector.broadcast %mul3A_463 : i32 to vector<16xi32>
      %mul3A_465 = arith.muli %convert_element_type3A_459, %mul3A_464 : vector<16xi32>
      %add3A_466 = arith.addi %mul3A_108, %mul3A_465 : vector<16xi32>
      %add3A_467 = arith.addi %add3A_466, %convert_element_type3A_461 : vector<16xi32>
      %mul3A_468 = arith.constant 200 : i32
      %mul3A_469 = vector.broadcast %mul3A_468 : i32 to vector<16xi32>
      %mul3A_470 = arith.muli %convert_element_type3A_459, %mul3A_469 : vector<16xi32>
      %add3A_471 = arith.addi %mul3A_108, %mul3A_470 : vector<16xi32>
      %add3A_472 = arith.addi %add3A_471, %convert_element_type3A_462 : vector<16xi32>
      %mul3A_473 = arith.constant 200 : i32
      %mul3A_474 = vector.broadcast %mul3A_473 : i32 to vector<16xi32>
      %mul3A_475 = arith.muli %convert_element_type3A_460, %mul3A_474 : vector<16xi32>
      %add3A_476 = arith.addi %mul3A_108, %mul3A_475 : vector<16xi32>
      %add3A_477 = arith.addi %add3A_476, %convert_element_type3A_461 : vector<16xi32>
      %mul3A_478 = arith.constant 200 : i32
      %mul3A_479 = vector.broadcast %mul3A_478 : i32 to vector<16xi32>
      %mul3A_480 = arith.muli %convert_element_type3A_460, %mul3A_479 : vector<16xi32>
      %add3A_481 = arith.addi %mul3A_108, %mul3A_480 : vector<16xi32>
      %add3A_482 = arith.addi %add3A_481, %convert_element_type3A_462 : vector<16xi32>
      %mul3A_483 = arith.mulf %sub3A_450, %sub3A_453 : vector<16xf32>
      %mul3A_484 = arith.mulf %mul3A_483, %select_n3A_458 : vector<16xf32>
      %mul3A_485 = arith.mulf %sub3A_450, %sub3A_447 : vector<16xf32>
      %mul3A_486 = arith.mulf %mul3A_485, %select_n3A_458 : vector<16xf32>
      %mul3A_487 = arith.mulf %sub3A_446, %sub3A_453 : vector<16xf32>
      %mul3A_488 = arith.mulf %mul3A_487, %select_n3A_458 : vector<16xf32>
      %mul3A_489 = arith.mulf %sub3A_446, %sub3A_447 : vector<16xf32>
      %mul3A_490 = arith.mulf %mul3A_489, %select_n3A_458 : vector<16xf32>
      %swap3A_491 = arith.constant 1 : i32
      %swap3A_492 = arith.index_cast %swap3A_491 : i32 to index
      %swap3A_493 = arith.constant 0 : index
      %swap3A_494 = tpu.vector_load %arg10[%swap3A_492, %swap3A_493] {strides = array<i32>} : memref<2x128xi32, #tpu.memory_space<vmem>>, vector<16xi32>,
      tpu.vector_store %arg10[%swap3A_492, %swap3A_493], %add3A_467 {strides = array<i32>} : memref<2x128xi32, #tpu.memory_space<vmem>>, vector<16xi32>,
      %swap3A_495 = arith.constant 128 : index
      %swap3A_496 = tpu.vector_load %arg12[%swap3A_495] {strides = array<i32>} : memref<256xf32, #tpu.memory_space<vmem>>, vector<16xf32>,
      tpu.vector_store %arg12[%swap3A_495], %mul3A_484 {strides = array<i32>} : memref<256xf32, #tpu.memory_space<vmem>>, vector<16xf32>,
      %swap3A_497 = arith.constant 1 : i32
      %swap3A_498 = arith.index_cast %swap3A_497 : i32 to index
      %swap3A_499 = arith.constant 16 : index
      %swap3A_500 = tpu.vector_load %arg10[%swap3A_498, %swap3A_499] {strides = array<i32>} : memref<2x128xi32, #tpu.memory_space<vmem>>, vector<16xi32>,
      tpu.vector_store %arg10[%swap3A_498, %swap3A_499], %add3A_472 {strides = array<i32>} : memref<2x128xi32, #tpu.memory_space<vmem>>, vector<16xi32>,
      %swap3A_501 = arith.constant 144 : index
      %swap3A_502 = tpu.vector_load %arg12[%swap3A_501] {strides = array<i32>} : memref<256xf32, #tpu.memory_space<vmem>>, vector<16xf32>,
      tpu.vector_store %arg12[%swap3A_501], %mul3A_486 {strides = array<i32>} : memref<256xf32, #tpu.memory_space<vmem>>, vector<16xf32>,
      %swap3A_503 = arith.constant 1 : i32
      %swap3A_504 = arith.index_cast %swap3A_503 : i32 to index
      %swap3A_505 = arith.constant 32 : index
      %swap3A_506 = tpu.vector_load %arg10[%swap3A_504, %swap3A_505] {strides = array<i32>} : memref<2x128xi32, #tpu.memory_space<vmem>>, vector<16xi32>,
      tpu.vector_store %arg10[%swap3A_504, %swap3A_505], %add3A_477 {strides = array<i32>} : memref<2x128xi32, #tpu.memory_space<vmem>>, vector<16xi32>,
      %swap3A_507 = arith.constant 160 : index
      %swap3A_508 = tpu.vector_load %arg12[%swap3A_507] {strides = array<i32>} : memref<256xf32, #tpu.memory_space<vmem>>, vector<16xf32>,
      tpu.vector_store %arg12[%swap3A_507], %mul3A_488 {strides = array<i32>} : memref<256xf32, #tpu.memory_space<vmem>>, vector<16xf32>,
      %swap3A_509 = arith.constant 1 : i32
      %swap3A_510 = arith.index_cast %swap3A_509 : i32 to index
      %swap3A_511 = arith.constant 48 : index
      %swap3A_512 = tpu.vector_load %arg10[%swap3A_510, %swap3A_511] {strides = array<i32>} : memref<2x128xi32, #tpu.memory_space<vmem>>, vector<16xi32>,
      tpu.vector_store %arg10[%swap3A_510, %swap3A_511], %add3A_482 {strides = array<i32>} : memref<2x128xi32, #tpu.memory_space<vmem>>, vector<16xi32>,
      %swap3A_513 = arith.constant 176 : index
      %swap3A_514 = tpu.vector_load %arg12[%swap3A_513] {strides = array<i32>} : memref<256xf32, #tpu.memory_space<vmem>>, vector<16xf32>,
      tpu.vector_store %arg12[%swap3A_513], %mul3A_490 {strides = array<i32>} : memref<256xf32, #tpu.memory_space<vmem>>, vector<16xf32>,
      %mul3A_515 = arith.mulf %convert_element_type3A_35, %mul3A_87 : vector<16xf32>
      %add3A_516 = arith.addf %add3A_104, %mul3A_515 : vector<16xf32>
      %mul3A_517 = arith.constant 7.500000e-01 : f32
      %mul3A_518 = vector.broadcast %mul3A_517 : f32 to vector<16xf32>
      %mul3A_519 = arith.mulf %mul3A_518, %mul3A_87 : vector<16xf32>
      %add3A_520 = arith.addf %add3A_516, %mul3A_519 : vector<16xf32>
      %mul3A_521 = arith.mulf %sub3A_39, %mul3A_84 : vector<16xf32>
      %add3A_522 = arith.addf %add3A_99, %mul3A_521 : vector<16xf32>
      %mul3A_523 = arith.constant 7.500000e-01 : f32
      %mul3A_524 = vector.broadcast %mul3A_523 : f32 to vector<16xf32>
      %mul3A_525 = arith.mulf %mul3A_524, %mul3A_84 : vector<16xf32>
      %add3A_526 = arith.addf %add3A_522, %mul3A_525 : vector<16xf32>
      %ge3A_527 = arith.constant -1.000000e+00 : f32
      %ge3A_528 = vector.broadcast %ge3A_527 : f32 to vector<16xf32>
      %ge3A_529 = arith.cmpf oge, %add3A_520, %ge3A_528 : vector<16xf32>
      %le3A_530 = arith.constant 2.000000e+02 : f32
      %le3A_531 = vector.broadcast %le3A_530 : f32 to vector<16xf32>
      %le3A_532 = arith.cmpf ole, %add3A_520, %le3A_531 : vector<16xf32>
      %and3A_533 = arith.andi %ge3A_529, %le3A_532 : vector<16xi1>
      %ge3A_534 = arith.constant -1.000000e+00 : f32
      %ge3A_535 = vector.broadcast %ge3A_534 : f32 to vector<16xf32>
      %ge3A_536 = arith.cmpf oge, %add3A_526, %ge3A_535 : vector<16xf32>
      %and3A_537 = arith.andi %and3A_533, %ge3A_536 : vector<16xi1>
      %le3A_538 = arith.constant 2.000000e+02 : f32
      %le3A_539 = vector.broadcast %le3A_538 : f32 to vector<16xf32>
      %le3A_540 = arith.cmpf ole, %add3A_526, %le3A_539 : vector<16xf32>
      %and3A_541 = arith.andi %and3A_537, %le3A_540 : vector<16xi1>
      %max3A_542 = arith.constant 0.000000e+00 : f32
      %max3A_543 = vector.broadcast %max3A_542 : f32 to vector<16xf32>
      %max3A_544 = arith.maximumf %add3A_520, %max3A_543 : vector<16xf32>
      %min3A_545 = arith.constant 2.000000e+02 : f32
      %min3A_546 = vector.broadcast %min3A_545 : f32 to vector<16xf32>
      %min3A_547 = arith.minimumf %max3A_544, %min3A_546 : vector<16xf32>
      %max3A_548 = arith.constant 0.000000e+00 : f32
      %max3A_549 = vector.broadcast %max3A_548 : f32 to vector<16xf32>
      %max3A_550 = arith.maximumf %add3A_526, %max3A_549 : vector<16xf32>
      %min3A_551 = arith.constant 2.000000e+02 : f32
      %min3A_552 = vector.broadcast %min3A_551 : f32 to vector<16xf32>
      %min3A_553 = arith.minimumf %max3A_550, %min3A_552 : vector<16xf32>
      %convert_element_type3A_554 = arith.fptosi %min3A_547 : vector<16xf32> to vector<16xi32>
      %convert_element_type3A_555 = arith.sitofp %convert_element_type3A_554 : vector<16xi32> to vector<16xf32>
      %convert_element_type3A_556 = arith.fptosi %min3A_553 : vector<16xf32> to vector<16xi32>
      %convert_element_type3A_557 = arith.sitofp %convert_element_type3A_556 : vector<16xi32> to vector<16xf32>
      %ge3A_558 = arith.constant 1.990000e+02 : f32
      %ge3A_559 = vector.broadcast %ge3A_558 : f32 to vector<16xf32>
      %ge3A_560 = arith.cmpf oge, %convert_element_type3A_555, %ge3A_559 : vector<16xf32>
      %ge3A_561 = arith.constant 1.990000e+02 : f32
      %ge3A_562 = vector.broadcast %ge3A_561 : f32 to vector<16xf32>
      %ge3A_563 = arith.cmpf oge, %convert_element_type3A_557, %ge3A_562 : vector<16xf32>
      %jit3A_564 = arith.constant 1.990000e+02 : f32
      %broadcast_in_dim3A_565 = vector.broadcast %jit3A_564 : f32 to vector<16xf32>
      %select_n3A_566 = arith.select %ge3A_560, %broadcast_in_dim3A_565, %convert_element_type3A_555 : vector<16xi1>, vector<16xf32>
      %jit3A_567 = arith.constant 1.990000e+02 : f32
      %broadcast_in_dim3A_568 = vector.broadcast %jit3A_567 : f32 to vector<16xf32>
      %select_n3A_569 = arith.select %ge3A_563, %broadcast_in_dim3A_568, %convert_element_type3A_557 : vector<16xi1>, vector<16xf32>
      %add3A_570 = arith.constant 1.000000e+00 : f32
      %add3A_571 = vector.broadcast %add3A_570 : f32 to vector<16xf32>
      %add3A_572 = arith.addf %select_n3A_566, %add3A_571 : vector<16xf32>
      %jit3A_573 = arith.constant 1.990000e+02 : f32
      %broadcast_in_dim3A_574 = vector.broadcast %jit3A_573 : f32 to vector<16xf32>
      %select_n3A_575 = arith.select %ge3A_560, %broadcast_in_dim3A_574, %add3A_572 : vector<16xi1>, vector<16xf32>
      %add3A_576 = arith.constant 1.000000e+00 : f32
      %add3A_577 = vector.broadcast %add3A_576 : f32 to vector<16xf32>
      %add3A_578 = arith.addf %select_n3A_569, %add3A_577 : vector<16xf32>
      %jit3A_579 = arith.constant 1.990000e+02 : f32
      %broadcast_in_dim3A_580 = vector.broadcast %jit3A_579 : f32 to vector<16xf32>
      %select_n3A_581 = arith.select %ge3A_563, %broadcast_in_dim3A_580, %add3A_578 : vector<16xi1>, vector<16xf32>
      %select_n3A_582 = arith.select %ge3A_560, %select_n3A_566, %min3A_547 : vector<16xi1>, vector<16xf32>
      %select_n3A_583 = arith.select %ge3A_563, %select_n3A_569, %min3A_553 : vector<16xi1>, vector<16xf32>
      %sub3A_584 = arith.subf %select_n3A_582, %select_n3A_566 : vector<16xf32>
      %sub3A_585 = arith.subf %select_n3A_583, %select_n3A_569 : vector<16xf32>
      %sub3A_586 = arith.constant 1.000000e+00 : f32
      %sub3A_587 = vector.broadcast %sub3A_586 : f32 to vector<16xf32>
      %sub3A_588 = arith.subf %sub3A_587, %sub3A_584 : vector<16xf32>
      %sub3A_589 = arith.constant 1.000000e+00 : f32
      %sub3A_590 = vector.broadcast %sub3A_589 : f32 to vector<16xf32>
      %sub3A_591 = arith.subf %sub3A_590, %sub3A_585 : vector<16xf32>
      %jit3A_592 = arith.constant 2.500000e-01 : f32
      %jit3A_593 = arith.constant 0.000000e+00 : f32
      %broadcast_in_dim3A_594 = vector.broadcast %jit3A_592 : f32 to vector<16xf32>
      %broadcast_in_dim3A_595 = vector.broadcast %jit3A_593 : f32 to vector<16xf32>
      %select_n3A_596 = arith.select %and3A_541, %broadcast_in_dim3A_594, %broadcast_in_dim3A_595 : vector<16xi1>, vector<16xf32>
      %convert_element_type3A_597 = arith.fptosi %select_n3A_566 : vector<16xf32> to vector<16xi32>
      %convert_element_type3A_598 = arith.fptosi %select_n3A_575 : vector<16xf32> to vector<16xi32>
      %convert_element_type3A_599 = arith.fptosi %select_n3A_569 : vector<16xf32> to vector<16xi32>
      %convert_element_type3A_600 = arith.fptosi %select_n3A_581 : vector<16xf32> to vector<16xi32>
      %mul3A_601 = arith.constant 200 : i32
      %mul3A_602 = vector.broadcast %mul3A_601 : i32 to vector<16xi32>
      %mul3A_603 = arith.muli %convert_element_type3A_597, %mul3A_602 : vector<16xi32>
      %add3A_604 = arith.addi %mul3A_108, %mul3A_603 : vector<16xi32>
      %add3A_605 = arith.addi %add3A_604, %convert_element_type3A_599 : vector<16xi32>
      %mul3A_606 = arith.constant 200 : i32
      %mul3A_607 = vector.broadcast %mul3A_606 : i32 to vector<16xi32>
      %mul3A_608 = arith.muli %convert_element_type3A_597, %mul3A_607 : vector<16xi32>
      %add3A_609 = arith.addi %mul3A_108, %mul3A_608 : vector<16xi32>
      %add3A_610 = arith.addi %add3A_609, %convert_element_type3A_600 : vector<16xi32>
      %mul3A_611 = arith.constant 200 : i32
      %mul3A_612 = vector.broadcast %mul3A_611 : i32 to vector<16xi32>
      %mul3A_613 = arith.muli %convert_element_type3A_598, %mul3A_612 : vector<16xi32>
      %add3A_614 = arith.addi %mul3A_108, %mul3A_613 : vector<16xi32>
      %add3A_615 = arith.addi %add3A_614, %convert_element_type3A_599 : vector<16xi32>
      %mul3A_616 = arith.constant 200 : i32
      %mul3A_617 = vector.broadcast %mul3A_616 : i32 to vector<16xi32>
      %mul3A_618 = arith.muli %convert_element_type3A_598, %mul3A_617 : vector<16xi32>
      %add3A_619 = arith.addi %mul3A_108, %mul3A_618 : vector<16xi32>
      %add3A_620 = arith.addi %add3A_619, %convert_element_type3A_600 : vector<16xi32>
      %mul3A_621 = arith.mulf %sub3A_588, %sub3A_591 : vector<16xf32>
      %mul3A_622 = arith.mulf %mul3A_621, %select_n3A_596 : vector<16xf32>
      %mul3A_623 = arith.mulf %sub3A_588, %sub3A_585 : vector<16xf32>
      %mul3A_624 = arith.mulf %mul3A_623, %select_n3A_596 : vector<16xf32>
      %mul3A_625 = arith.mulf %sub3A_584, %sub3A_591 : vector<16xf32>
      %mul3A_626 = arith.mulf %mul3A_625, %select_n3A_596 : vector<16xf32>
      %mul3A_627 = arith.mulf %sub3A_584, %sub3A_585 : vector<16xf32>
      %mul3A_628 = arith.mulf %mul3A_627, %select_n3A_596 : vector<16xf32>
      %swap3A_629 = arith.constant 1 : i32
      %swap3A_630 = arith.index_cast %swap3A_629 : i32 to index
      %swap3A_631 = arith.constant 64 : index
      %swap3A_632 = tpu.vector_load %arg10[%swap3A_630, %swap3A_631] {strides = array<i32>} : memref<2x128xi32, #tpu.memory_space<vmem>>, vector<16xi32>,
      tpu.vector_store %arg10[%swap3A_630, %swap3A_631], %add3A_605 {strides = array<i32>} : memref<2x128xi32, #tpu.memory_space<vmem>>, vector<16xi32>,
      %swap3A_633 = arith.constant 192 : index
      %swap3A_634 = tpu.vector_load %arg12[%swap3A_633] {strides = array<i32>} : memref<256xf32, #tpu.memory_space<vmem>>, vector<16xf32>,
      tpu.vector_store %arg12[%swap3A_633], %mul3A_622 {strides = array<i32>} : memref<256xf32, #tpu.memory_space<vmem>>, vector<16xf32>,
      %swap3A_635 = arith.constant 1 : i32
      %swap3A_636 = arith.index_cast %swap3A_635 : i32 to index
      %swap3A_637 = arith.constant 80 : index
      %swap3A_638 = tpu.vector_load %arg10[%swap3A_636, %swap3A_637] {strides = array<i32>} : memref<2x128xi32, #tpu.memory_space<vmem>>, vector<16xi32>,
      tpu.vector_store %arg10[%swap3A_636, %swap3A_637], %add3A_610 {strides = array<i32>} : memref<2x128xi32, #tpu.memory_space<vmem>>, vector<16xi32>,
      %swap3A_639 = arith.constant 208 : index
      %swap3A_640 = tpu.vector_load %arg12[%swap3A_639] {strides = array<i32>} : memref<256xf32, #tpu.memory_space<vmem>>, vector<16xf32>,
      tpu.vector_store %arg12[%swap3A_639], %mul3A_624 {strides = array<i32>} : memref<256xf32, #tpu.memory_space<vmem>>, vector<16xf32>,
      %swap3A_641 = arith.constant 1 : i32
      %swap3A_642 = arith.index_cast %swap3A_641 : i32 to index
      %swap3A_643 = arith.constant 96 : index
      %swap3A_644 = tpu.vector_load %arg10[%swap3A_642, %swap3A_643] {strides = array<i32>} : memref<2x128xi32, #tpu.memory_space<vmem>>, vector<16xi32>,
      tpu.vector_store %arg10[%swap3A_642, %swap3A_643], %add3A_615 {strides = array<i32>} : memref<2x128xi32, #tpu.memory_space<vmem>>, vector<16xi32>,
      %swap3A_645 = arith.constant 224 : index
      %swap3A_646 = tpu.vector_load %arg12[%swap3A_645] {strides = array<i32>} : memref<256xf32, #tpu.memory_space<vmem>>, vector<16xf32>,
      tpu.vector_store %arg12[%swap3A_645], %mul3A_626 {strides = array<i32>} : memref<256xf32, #tpu.memory_space<vmem>>, vector<16xf32>,
      %swap3A_647 = arith.constant 1 : i32
      %swap3A_648 = arith.index_cast %swap3A_647 : i32 to index
      %swap3A_649 = arith.constant 112 : index
      %swap3A_650 = tpu.vector_load %arg10[%swap3A_648, %swap3A_649] {strides = array<i32>} : memref<2x128xi32, #tpu.memory_space<vmem>>, vector<16xi32>,
      tpu.vector_store %arg10[%swap3A_648, %swap3A_649], %add3A_620 {strides = array<i32>} : memref<2x128xi32, #tpu.memory_space<vmem>>, vector<16xi32>,
      %swap3A_651 = arith.constant 240 : index
      %swap3A_652 = tpu.vector_load %arg12[%swap3A_651] {strides = array<i32>} : memref<256xf32, #tpu.memory_space<vmem>>, vector<16xf32>,
      tpu.vector_store %arg12[%swap3A_651], %mul3A_628 {strides = array<i32>} : memref<256xf32, #tpu.memory_space<vmem>>, vector<16xf32>,
      %dma_start3A = arith.constant 0 : i32
      %dma_start3A_653 = arith.constant 0 : i32
      %dma_start3A_654 = arith.constant 0 : i32
      %dma_start3A_655 = tpu.memref_slice %arg11[%dma_start3A_653, %dma_start3A_654] : memref<256x64xf32, #tpu.memory_space<vmem>> -> memref<128x64xf32, #tpu.memory_space<vmem>>
      %dma_start3A_656 = arith.constant 0 : i32
      %dma_start3A_657 = tpu.memref_slice %arg10[%dma_start3A, %dma_start3A_656] : memref<2x128xi32, #tpu.memory_space<vmem>> -> memref<1x128xi32, #tpu.memory_space<vmem>>
      %dma_start3A_658 = tpu.memref_squeeze %dma_start3A_657 : memref<1x128xi32, #tpu.memory_space<vmem>> -> memref<128xi32, #tpu.memory_space<vmem>>
      %dma_start3A_659 = arith.constant 0 : i32
      %dma_start3A_660 = arith.constant 0 : i32
      %dma_start3A_661 = tpu.memref_slice %arg2[%dma_start3A_659, %dma_start3A_660] : memref<80000x64xf32, #tpu.memory_space<hbm>> -> memref<80000x64xf32, #tpu.memory_space<hbm>>
      tpu.enqueue_indirect_dma source(%dma_start3A_661 : memref<80000x64xf32, #tpu.memory_space<hbm>>) target(%dma_start3A_655 : memref<128x64xf32, #tpu.memory_space<vmem>>) offsets(%dma_start3A_658 : memref<128xi32, #tpu.memory_space<vmem>>) semaphore(%arg14 : memref<!tpu.dma_semaphore, #tpu.memory_space<semaphore_mem>>)
      %dma_start3A_662 = arith.constant 1 : i32
      %dma_start3A_663 = arith.constant 128 : i32
      %dma_start3A_664 = arith.constant 0 : i32
      %dma_start3A_665 = tpu.memref_slice %arg11[%dma_start3A_663, %dma_start3A_664] : memref<256x64xf32, #tpu.memory_space<vmem>> -> memref<128x64xf32, #tpu.memory_space<vmem>>
      %dma_start3A_666 = arith.constant 0 : i32
      %dma_start3A_667 = tpu.memref_slice %arg10[%dma_start3A_662, %dma_start3A_666] : memref<2x128xi32, #tpu.memory_space<vmem>> -> memref<1x128xi32, #tpu.memory_space<vmem>>
      %dma_start3A_668 = tpu.memref_squeeze %dma_start3A_667 : memref<1x128xi32, #tpu.memory_space<vmem>> -> memref<128xi32, #tpu.memory_space<vmem>>
      %dma_start3A_669 = arith.constant 0 : i32
      %dma_start3A_670 = arith.constant 0 : i32
      %dma_start3A_671 = tpu.memref_slice %arg2[%dma_start3A_669, %dma_start3A_670] : memref<80000x64xf32, #tpu.memory_space<hbm>> -> memref<80000x64xf32, #tpu.memory_space<hbm>>
      tpu.enqueue_indirect_dma source(%dma_start3A_671 : memref<80000x64xf32, #tpu.memory_space<hbm>>) target(%dma_start3A_665 : memref<128x64xf32, #tpu.memory_space<vmem>>) offsets(%dma_start3A_668 : memref<128xi32, #tpu.memory_space<vmem>>) semaphore(%arg14 : memref<!tpu.dma_semaphore, #tpu.memory_space<semaphore_mem>>)
      %dma_wait3A = arith.constant 0 : i32
      %dma_wait3A_672 = arith.constant 0 : i32
      %dma_wait3A_673 = arith.constant 0 : i32
      %dma_wait3A_674 = tpu.memref_slice %arg11[%dma_wait3A_672, %dma_wait3A_673] : memref<256x64xf32, #tpu.memory_space<vmem>> -> memref<128x64xf32, #tpu.memory_space<vmem>>
      %dma_wait3A_675 = arith.constant 0 : i32
      %dma_wait3A_676 = tpu.memref_slice %arg10[%dma_wait3A, %dma_wait3A_675] : memref<2x128xi32, #tpu.memory_space<vmem>> -> memref<1x128xi32, #tpu.memory_space<vmem>>
      %dma_wait3A_677 = tpu.memref_squeeze %dma_wait3A_676 : memref<1x128xi32, #tpu.memory_space<vmem>> -> memref<128xi32, #tpu.memory_space<vmem>>
      %dma_wait3A_678 = arith.constant 0 : i32
      %dma_wait3A_679 = arith.constant 0 : i32
      %dma_wait3A_680 = tpu.memref_slice %arg2[%dma_wait3A_678, %dma_wait3A_679] : memref<80000x64xf32, #tpu.memory_space<hbm>> -> memref<80000x64xf32, #tpu.memory_space<hbm>>
      tpu.wait_indirect_dma semaphore(%arg14 : memref<!tpu.dma_semaphore, #tpu.memory_space<semaphore_mem>>) src(%dma_wait3A_680 : memref<80000x64xf32, #tpu.memory_space<hbm>>) dst(%dma_wait3A_674 : memref<128x64xf32, #tpu.memory_space<vmem>>)
      %dma_wait3A_681 = arith.constant 1 : i32
      %dma_wait3A_682 = arith.constant 128 : i32
      %dma_wait3A_683 = arith.constant 0 : i32
      %dma_wait3A_684 = tpu.memref_slice %arg11[%dma_wait3A_682, %dma_wait3A_683] : memref<256x64xf32, #tpu.memory_space<vmem>> -> memref<128x64xf32, #tpu.memory_space<vmem>>
      %dma_wait3A_685 = arith.constant 0 : i32
      %dma_wait3A_686 = tpu.memref_slice %arg10[%dma_wait3A_681, %dma_wait3A_685] : memref<2x128xi32, #tpu.memory_space<vmem>> -> memref<1x128xi32, #tpu.memory_space<vmem>>
      %dma_wait3A_687 = tpu.memref_squeeze %dma_wait3A_686 : memref<1x128xi32, #tpu.memory_space<vmem>> -> memref<128xi32, #tpu.memory_space<vmem>>
      %dma_wait3A_688 = arith.constant 0 : i32
      %dma_wait3A_689 = arith.constant 0 : i32
      %dma_wait3A_690 = tpu.memref_slice %arg2[%dma_wait3A_688, %dma_wait3A_689] : memref<80000x64xf32, #tpu.memory_space<hbm>> -> memref<80000x64xf32, #tpu.memory_space<hbm>>
      tpu.wait_indirect_dma semaphore(%arg14 : memref<!tpu.dma_semaphore, #tpu.memory_space<semaphore_mem>>) src(%dma_wait3A_690 : memref<80000x64xf32, #tpu.memory_space<hbm>>) dst(%dma_wait3A_684 : memref<128x64xf32, #tpu.memory_space<vmem>>)
      %broadcast_in_dim3A_691 = arith.constant 0.000000e+00 : f32
      %broadcast_in_dim3A_692 = vector.broadcast %broadcast_in_dim3A_691 : f32 to vector<16xf32>
      %broadcast_in_dim3A_693 = arith.constant 0.000000e+00 : f32
      %broadcast_in_dim3A_694 = vector.broadcast %broadcast_in_dim3A_693 : f32 to vector<16xf32>
      %broadcast_in_dim3A_695 = arith.constant 0.000000e+00 : f32
      %broadcast_in_dim3A_696 = vector.broadcast %broadcast_in_dim3A_695 : f32 to vector<16xf32>
      %broadcast_in_dim3A_697 = arith.constant 0.000000e+00 : f32
      %broadcast_in_dim3A_698 = vector.broadcast %broadcast_in_dim3A_697 : f32 to vector<16xf32>
      %broadcast_in_dim3A_699 = arith.constant 0.000000e+00 : f32
      %broadcast_in_dim3A_700 = vector.broadcast %broadcast_in_dim3A_699 : f32 to vector<16xf32>
      %broadcast_in_dim3A_701 = arith.constant 0.000000e+00 : f32
      %broadcast_in_dim3A_702 = vector.broadcast %broadcast_in_dim3A_701 : f32 to vector<16xf32>
      %broadcast_in_dim3A_703 = arith.constant 0.000000e+00 : f32
      %broadcast_in_dim3A_704 = vector.broadcast %broadcast_in_dim3A_703 : f32 to vector<16xf32>
      %broadcast_in_dim3A_705 = arith.constant 0.000000e+00 : f32
      %broadcast_in_dim3A_706 = vector.broadcast %broadcast_in_dim3A_705 : f32 to vector<16xf32>
      %broadcast_in_dim3A_707 = arith.constant 0.000000e+00 : f32
      %broadcast_in_dim3A_708 = vector.broadcast %broadcast_in_dim3A_707 : f32 to vector<16xf32>
      %broadcast_in_dim3A_709 = arith.constant 0.000000e+00 : f32
      %broadcast_in_dim3A_710 = vector.broadcast %broadcast_in_dim3A_709 : f32 to vector<16xf32>
      %broadcast_in_dim3A_711 = arith.constant 0.000000e+00 : f32
      %broadcast_in_dim3A_712 = vector.broadcast %broadcast_in_dim3A_711 : f32 to vector<16xf32>
      %broadcast_in_dim3A_713 = arith.constant 0.000000e+00 : f32
      %broadcast_in_dim3A_714 = vector.broadcast %broadcast_in_dim3A_713 : f32 to vector<16xf32>
      %broadcast_in_dim3A_715 = arith.constant 0.000000e+00 : f32
      %broadcast_in_dim3A_716 = vector.broadcast %broadcast_in_dim3A_715 : f32 to vector<16xf32>
      %broadcast_in_dim3A_717 = arith.constant 0.000000e+00 : f32
      %broadcast_in_dim3A_718 = vector.broadcast %broadcast_in_dim3A_717 : f32 to vector<16xf32>
      %broadcast_in_dim3A_719 = arith.constant 0.000000e+00 : f32
      %broadcast_in_dim3A_720 = vector.broadcast %broadcast_in_dim3A_719 : f32 to vector<16xf32>
      %broadcast_in_dim3A_721 = arith.constant 0.000000e+00 : f32
      %broadcast_in_dim3A_722 = vector.broadcast %broadcast_in_dim3A_721 : f32 to vector<16xf32>
      %scan3A_723 = arith.constant 0 : i32
      %scan3A_724 = arith.constant 16 : i32
      %scan3A_725 = arith.addi %scan3A_723, %scan3A_724 : i32
      %scan3A_726 = arith.constant 1 : i32
      %scan3A_727:16 = scf.for %scan3A_974 = %scan3A_723 to %scan3A_725 step %scan3A_726 iter_args(%scan3A_975 = %broadcast_in_dim3A_692, %scan3A_976 = %broadcast_in_dim3A_694, %scan3A_977 = %broadcast_in_dim3A_696, %scan3A_978 = %broadcast_in_dim3A_698, %scan3A_979 = %broadcast_in_dim3A_700, %scan3A_980 = %broadcast_in_dim3A_702, %scan3A_981 = %broadcast_in_dim3A_704, %scan3A_982 = %broadcast_in_dim3A_706, %scan3A_983 = %broadcast_in_dim3A_708, %scan3A_984 = %broadcast_in_dim3A_710, %scan3A_985 = %broadcast_in_dim3A_712, %scan3A_986 = %broadcast_in_dim3A_714, %scan3A_987 = %broadcast_in_dim3A_716, %scan3A_988 = %broadcast_in_dim3A_718, %scan3A_989 = %broadcast_in_dim3A_720, %scan3A_990 = %broadcast_in_dim3A_722) -> (vector<16xf32>, vector<16xf32>, vector<16xf32>, vector<16xf32>, vector<16xf32>, vector<16xf32>, vector<16xf32>, vector<16xf32>, vector<16xf32>, vector<16xf32>, vector<16xf32>, vector<16xf32>, vector<16xf32>, vector<16xf32>, vector<16xf32>, vector<16xf32>)  : i32 {
        %mul3A_991 = arith.constant 16 : i32
        %mul3A_992 = arith.muli %scan3A_974, %mul3A_991 : i32
        %get3A_993 = arith.index_cast %mul3A_992 : i32 to index
        %get3A_994 = tpu.vector_load %arg12[%get3A_993] {strides = array<i32>} : memref<256xf32, #tpu.memory_space<vmem>>, vector<16xf32>,
        %mul3A_995 = arith.constant 16 : i32
        %mul3A_996 = arith.muli %scan3A_974, %mul3A_995 : i32
        %add3A_997 = vector.broadcast %mul3A_996 : i32 to vector<16xi32>
        %add3A_998 = arith.addi %add3A_997, %iota3A : vector<16xi32>
        %broadcast_in_dim3A_999 = arith.constant 0 : i32
        %broadcast_in_dim3A_1000 = vector.broadcast %broadcast_in_dim3A_999 : i32 to vector<16xi32>
        %gather3A_1001 = tpu.vector_load_idx %arg11[%add3A_998, %broadcast_in_dim3A_1000] : memref<256x64xf32, #tpu.memory_space<vmem>>[vector<16xi32>, vector<16xi32>], vector<16xf32>,
        %mul3A_1002 = arith.mulf %get3A_994, %gather3A_1001 : vector<16xf32>
        %add3A_1003 = arith.addf %scan3A_975, %mul3A_1002 : vector<16xf32>
        %broadcast_in_dim3A_1004 = arith.constant 1 : i32
        %broadcast_in_dim3A_1005 = vector.broadcast %broadcast_in_dim3A_1004 : i32 to vector<16xi32>
        %gather3A_1006 = tpu.vector_load_idx %arg11[%add3A_998, %broadcast_in_dim3A_1005] : memref<256x64xf32, #tpu.memory_space<vmem>>[vector<16xi32>, vector<16xi32>], vector<16xf32>,
        %mul3A_1007 = arith.mulf %get3A_994, %gather3A_1006 : vector<16xf32>
        %add3A_1008 = arith.addf %scan3A_976, %mul3A_1007 : vector<16xf32>
        %broadcast_in_dim3A_1009 = arith.constant 2 : i32
        %broadcast_in_dim3A_1010 = vector.broadcast %broadcast_in_dim3A_1009 : i32 to vector<16xi32>
        %gather3A_1011 = tpu.vector_load_idx %arg11[%add3A_998, %broadcast_in_dim3A_1010] : memref<256x64xf32, #tpu.memory_space<vmem>>[vector<16xi32>, vector<16xi32>], vector<16xf32>,
        %mul3A_1012 = arith.mulf %get3A_994, %gather3A_1011 : vector<16xf32>
        %add3A_1013 = arith.addf %scan3A_977, %mul3A_1012 : vector<16xf32>
        %broadcast_in_dim3A_1014 = arith.constant 3 : i32
        %broadcast_in_dim3A_1015 = vector.broadcast %broadcast_in_dim3A_1014 : i32 to vector<16xi32>
        %gather3A_1016 = tpu.vector_load_idx %arg11[%add3A_998, %broadcast_in_dim3A_1015] : memref<256x64xf32, #tpu.memory_space<vmem>>[vector<16xi32>, vector<16xi32>], vector<16xf32>,
        %mul3A_1017 = arith.mulf %get3A_994, %gather3A_1016 : vector<16xf32>
        %add3A_1018 = arith.addf %scan3A_978, %mul3A_1017 : vector<16xf32>
        %broadcast_in_dim3A_1019 = arith.constant 4 : i32
        %broadcast_in_dim3A_1020 = vector.broadcast %broadcast_in_dim3A_1019 : i32 to vector<16xi32>
        %gather3A_1021 = tpu.vector_load_idx %arg11[%add3A_998, %broadcast_in_dim3A_1020] : memref<256x64xf32, #tpu.memory_space<vmem>>[vector<16xi32>, vector<16xi32>], vector<16xf32>,
        %mul3A_1022 = arith.mulf %get3A_994, %gather3A_1021 : vector<16xf32>
        %add3A_1023 = arith.addf %scan3A_979, %mul3A_1022 : vector<16xf32>
        %broadcast_in_dim3A_1024 = arith.constant 5 : i32
        %broadcast_in_dim3A_1025 = vector.broadcast %broadcast_in_dim3A_1024 : i32 to vector<16xi32>
        %gather3A_1026 = tpu.vector_load_idx %arg11[%add3A_998, %broadcast_in_dim3A_1025] : memref<256x64xf32, #tpu.memory_space<vmem>>[vector<16xi32>, vector<16xi32>], vector<16xf32>,
        %mul3A_1027 = arith.mulf %get3A_994, %gather3A_1026 : vector<16xf32>
        %add3A_1028 = arith.addf %scan3A_980, %mul3A_1027 : vector<16xf32>
        %broadcast_in_dim3A_1029 = arith.constant 6 : i32
        %broadcast_in_dim3A_1030 = vector.broadcast %broadcast_in_dim3A_1029 : i32 to vector<16xi32>
        %gather3A_1031 = tpu.vector_load_idx %arg11[%add3A_998, %broadcast_in_dim3A_1030] : memref<256x64xf32, #tpu.memory_space<vmem>>[vector<16xi32>, vector<16xi32>], vector<16xf32>,
        %mul3A_1032 = arith.mulf %get3A_994, %gather3A_1031 : vector<16xf32>
        %add3A_1033 = arith.addf %scan3A_981, %mul3A_1032 : vector<16xf32>
        %broadcast_in_dim3A_1034 = arith.constant 7 : i32
        %broadcast_in_dim3A_1035 = vector.broadcast %broadcast_in_dim3A_1034 : i32 to vector<16xi32>
        %gather3A_1036 = tpu.vector_load_idx %arg11[%add3A_998, %broadcast_in_dim3A_1035] : memref<256x64xf32, #tpu.memory_space<vmem>>[vector<16xi32>, vector<16xi32>], vector<16xf32>,
        %mul3A_1037 = arith.mulf %get3A_994, %gather3A_1036 : vector<16xf32>
        %add3A_1038 = arith.addf %scan3A_982, %mul3A_1037 : vector<16xf32>
        %broadcast_in_dim3A_1039 = arith.constant 8 : i32
        %broadcast_in_dim3A_1040 = vector.broadcast %broadcast_in_dim3A_1039 : i32 to vector<16xi32>
        %gather3A_1041 = tpu.vector_load_idx %arg11[%add3A_998, %broadcast_in_dim3A_1040] : memref<256x64xf32, #tpu.memory_space<vmem>>[vector<16xi32>, vector<16xi32>], vector<16xf32>,
        %mul3A_1042 = arith.mulf %get3A_994, %gather3A_1041 : vector<16xf32>
        %add3A_1043 = arith.addf %scan3A_983, %mul3A_1042 : vector<16xf32>
        %broadcast_in_dim3A_1044 = arith.constant 9 : i32
        %broadcast_in_dim3A_1045 = vector.broadcast %broadcast_in_dim3A_1044 : i32 to vector<16xi32>
        %gather3A_1046 = tpu.vector_load_idx %arg11[%add3A_998, %broadcast_in_dim3A_1045] : memref<256x64xf32, #tpu.memory_space<vmem>>[vector<16xi32>, vector<16xi32>], vector<16xf32>,
        %mul3A_1047 = arith.mulf %get3A_994, %gather3A_1046 : vector<16xf32>
        %add3A_1048 = arith.addf %scan3A_984, %mul3A_1047 : vector<16xf32>
        %broadcast_in_dim3A_1049 = arith.constant 10 : i32
        %broadcast_in_dim3A_1050 = vector.broadcast %broadcast_in_dim3A_1049 : i32 to vector<16xi32>
        %gather3A_1051 = tpu.vector_load_idx %arg11[%add3A_998, %broadcast_in_dim3A_1050] : memref<256x64xf32, #tpu.memory_space<vmem>>[vector<16xi32>, vector<16xi32>], vector<16xf32>,
        %mul3A_1052 = arith.mulf %get3A_994, %gather3A_1051 : vector<16xf32>
        %add3A_1053 = arith.addf %scan3A_985, %mul3A_1052 : vector<16xf32>
        %broadcast_in_dim3A_1054 = arith.constant 11 : i32
        %broadcast_in_dim3A_1055 = vector.broadcast %broadcast_in_dim3A_1054 : i32 to vector<16xi32>
        %gather3A_1056 = tpu.vector_load_idx %arg11[%add3A_998, %broadcast_in_dim3A_1055] : memref<256x64xf32, #tpu.memory_space<vmem>>[vector<16xi32>, vector<16xi32>], vector<16xf32>,
        %mul3A_1057 = arith.mulf %get3A_994, %gather3A_1056 : vector<16xf32>
        %add3A_1058 = arith.addf %scan3A_986, %mul3A_1057 : vector<16xf32>
        %broadcast_in_dim3A_1059 = arith.constant 12 : i32
        %broadcast_in_dim3A_1060 = vector.broadcast %broadcast_in_dim3A_1059 : i32 to vector<16xi32>
        %gather3A_1061 = tpu.vector_load_idx %arg11[%add3A_998, %broadcast_in_dim3A_1060] : memref<256x64xf32, #tpu.memory_space<vmem>>[vector<16xi32>, vector<16xi32>], vector<16xf32>,
        %mul3A_1062 = arith.mulf %get3A_994, %gather3A_1061 : vector<16xf32>
        %add3A_1063 = arith.addf %scan3A_987, %mul3A_1062 : vector<16xf32>
        %broadcast_in_dim3A_1064 = arith.constant 13 : i32
        %broadcast_in_dim3A_1065 = vector.broadcast %broadcast_in_dim3A_1064 : i32 to vector<16xi32>
        %gather3A_1066 = tpu.vector_load_idx %arg11[%add3A_998, %broadcast_in_dim3A_1065] : memref<256x64xf32, #tpu.memory_space<vmem>>[vector<16xi32>, vector<16xi32>], vector<16xf32>,
        %mul3A_1067 = arith.mulf %get3A_994, %gather3A_1066 : vector<16xf32>
        %add3A_1068 = arith.addf %scan3A_988, %mul3A_1067 : vector<16xf32>
        %broadcast_in_dim3A_1069 = arith.constant 14 : i32
        %broadcast_in_dim3A_1070 = vector.broadcast %broadcast_in_dim3A_1069 : i32 to vector<16xi32>
        %gather3A_1071 = tpu.vector_load_idx %arg11[%add3A_998, %broadcast_in_dim3A_1070] : memref<256x64xf32, #tpu.memory_space<vmem>>[vector<16xi32>, vector<16xi32>], vector<16xf32>,
        %mul3A_1072 = arith.mulf %get3A_994, %gather3A_1071 : vector<16xf32>
        %add3A_1073 = arith.addf %scan3A_989, %mul3A_1072 : vector<16xf32>
        %broadcast_in_dim3A_1074 = arith.constant 15 : i32
        %broadcast_in_dim3A_1075 = vector.broadcast %broadcast_in_dim3A_1074 : i32 to vector<16xi32>
        %gather3A_1076 = tpu.vector_load_idx %arg11[%add3A_998, %broadcast_in_dim3A_1075] : memref<256x64xf32, #tpu.memory_space<vmem>>[vector<16xi32>, vector<16xi32>], vector<16xf32>,
        %mul3A_1077 = arith.mulf %get3A_994, %gather3A_1076 : vector<16xf32>
        %add3A_1078 = arith.addf %scan3A_990, %mul3A_1077 : vector<16xf32>
        scf.yield %add3A_1003, %add3A_1008, %add3A_1013, %add3A_1018, %add3A_1023, %add3A_1028, %add3A_1033, %add3A_1038, %add3A_1043, %add3A_1048, %add3A_1053, %add3A_1058, %add3A_1063, %add3A_1068, %add3A_1073, %add3A_1078 : vector<16xf32>, vector<16xf32>, vector<16xf32>, vector<16xf32>, vector<16xf32>, vector<16xf32>, vector<16xf32>, vector<16xf32>, vector<16xf32>, vector<16xf32>, vector<16xf32>, vector<16xf32>, vector<16xf32>, vector<16xf32>, vector<16xf32>, vector<16xf32>
      }
      %scan3A_728 = arith.constant 16 : i32
      %broadcast_in_dim3A_729 = arith.constant 0 : i32
      %broadcast_in_dim3A_730 = vector.broadcast %broadcast_in_dim3A_729 : i32 to vector<16xi32>
      tpu.vector_store_idx %arg13[%iota3A, %broadcast_in_dim3A_730], %scan3A_727#0 : memref<16x64xf32, #tpu.memory_space<vmem>>[vector<16xi32>, vector<16xi32>], vector<16xf32>,
      %broadcast_in_dim3A_731 = arith.constant 1 : i32
      %broadcast_in_dim3A_732 = vector.broadcast %broadcast_in_dim3A_731 : i32 to vector<16xi32>
      tpu.vector_store_idx %arg13[%iota3A, %broadcast_in_dim3A_732], %scan3A_727#1 : memref<16x64xf32, #tpu.memory_space<vmem>>[vector<16xi32>, vector<16xi32>], vector<16xf32>,
      %broadcast_in_dim3A_733 = arith.constant 2 : i32
      %broadcast_in_dim3A_734 = vector.broadcast %broadcast_in_dim3A_733 : i32 to vector<16xi32>
      tpu.vector_store_idx %arg13[%iota3A, %broadcast_in_dim3A_734], %scan3A_727#2 : memref<16x64xf32, #tpu.memory_space<vmem>>[vector<16xi32>, vector<16xi32>], vector<16xf32>,
      %broadcast_in_dim3A_735 = arith.constant 3 : i32
      %broadcast_in_dim3A_736 = vector.broadcast %broadcast_in_dim3A_735 : i32 to vector<16xi32>
      tpu.vector_store_idx %arg13[%iota3A, %broadcast_in_dim3A_736], %scan3A_727#3 : memref<16x64xf32, #tpu.memory_space<vmem>>[vector<16xi32>, vector<16xi32>], vector<16xf32>,
      %broadcast_in_dim3A_737 = arith.constant 4 : i32
      %broadcast_in_dim3A_738 = vector.broadcast %broadcast_in_dim3A_737 : i32 to vector<16xi32>
      tpu.vector_store_idx %arg13[%iota3A, %broadcast_in_dim3A_738], %scan3A_727#4 : memref<16x64xf32, #tpu.memory_space<vmem>>[vector<16xi32>, vector<16xi32>], vector<16xf32>,
      %broadcast_in_dim3A_739 = arith.constant 5 : i32
      %broadcast_in_dim3A_740 = vector.broadcast %broadcast_in_dim3A_739 : i32 to vector<16xi32>
      tpu.vector_store_idx %arg13[%iota3A, %broadcast_in_dim3A_740], %scan3A_727#5 : memref<16x64xf32, #tpu.memory_space<vmem>>[vector<16xi32>, vector<16xi32>], vector<16xf32>,
      %broadcast_in_dim3A_741 = arith.constant 6 : i32
      %broadcast_in_dim3A_742 = vector.broadcast %broadcast_in_dim3A_741 : i32 to vector<16xi32>
      tpu.vector_store_idx %arg13[%iota3A, %broadcast_in_dim3A_742], %scan3A_727#6 : memref<16x64xf32, #tpu.memory_space<vmem>>[vector<16xi32>, vector<16xi32>], vector<16xf32>,
      %broadcast_in_dim3A_743 = arith.constant 7 : i32
      %broadcast_in_dim3A_744 = vector.broadcast %broadcast_in_dim3A_743 : i32 to vector<16xi32>
      tpu.vector_store_idx %arg13[%iota3A, %broadcast_in_dim3A_744], %scan3A_727#7 : memref<16x64xf32, #tpu.memory_space<vmem>>[vector<16xi32>, vector<16xi32>], vector<16xf32>,
      %broadcast_in_dim3A_745 = arith.constant 8 : i32
      %broadcast_in_dim3A_746 = vector.broadcast %broadcast_in_dim3A_745 : i32 to vector<16xi32>
      tpu.vector_store_idx %arg13[%iota3A, %broadcast_in_dim3A_746], %scan3A_727#8 : memref<16x64xf32, #tpu.memory_space<vmem>>[vector<16xi32>, vector<16xi32>], vector<16xf32>,
      %broadcast_in_dim3A_747 = arith.constant 9 : i32
      %broadcast_in_dim3A_748 = vector.broadcast %broadcast_in_dim3A_747 : i32 to vector<16xi32>
      tpu.vector_store_idx %arg13[%iota3A, %broadcast_in_dim3A_748], %scan3A_727#9 : memref<16x64xf32, #tpu.memory_space<vmem>>[vector<16xi32>, vector<16xi32>], vector<16xf32>,
      %broadcast_in_dim3A_749 = arith.constant 10 : i32
      %broadcast_in_dim3A_750 = vector.broadcast %broadcast_in_dim3A_749 : i32 to vector<16xi32>
      tpu.vector_store_idx %arg13[%iota3A, %broadcast_in_dim3A_750], %scan3A_727#10 : memref<16x64xf32, #tpu.memory_space<vmem>>[vector<16xi32>, vector<16xi32>], vector<16xf32>,
      %broadcast_in_dim3A_751 = arith.constant 11 : i32
      %broadcast_in_dim3A_752 = vector.broadcast %broadcast_in_dim3A_751 : i32 to vector<16xi32>
      tpu.vector_store_idx %arg13[%iota3A, %broadcast_in_dim3A_752], %scan3A_727#11 : memref<16x64xf32, #tpu.memory_space<vmem>>[vector<16xi32>, vector<16xi32>], vector<16xf32>,
      %broadcast_in_dim3A_753 = arith.constant 12 : i32
      %broadcast_in_dim3A_754 = vector.broadcast %broadcast_in_dim3A_753 : i32 to vector<16xi32>
      tpu.vector_store_idx %arg13[%iota3A, %broadcast_in_dim3A_754], %scan3A_727#12 : memref<16x64xf32, #tpu.memory_space<vmem>>[vector<16xi32>, vector<16xi32>], vector<16xf32>,
      %broadcast_in_dim3A_755 = arith.constant 13 : i32
      %broadcast_in_dim3A_756 = vector.broadcast %broadcast_in_dim3A_755 : i32 to vector<16xi32>
      tpu.vector_store_idx %arg13[%iota3A, %broadcast_in_dim3A_756], %scan3A_727#13 : memref<16x64xf32, #tpu.memory_space<vmem>>[vector<16xi32>, vector<16xi32>], vector<16xf32>,
      %broadcast_in_dim3A_757 = arith.constant 14 : i32
      %broadcast_in_dim3A_758 = vector.broadcast %broadcast_in_dim3A_757 : i32 to vector<16xi32>
      tpu.vector_store_idx %arg13[%iota3A, %broadcast_in_dim3A_758], %scan3A_727#14 : memref<16x64xf32, #tpu.memory_space<vmem>>[vector<16xi32>, vector<16xi32>], vector<16xf32>,
      %broadcast_in_dim3A_759 = arith.constant 15 : i32
      %broadcast_in_dim3A_760 = vector.broadcast %broadcast_in_dim3A_759 : i32 to vector<16xi32>
      tpu.vector_store_idx %arg13[%iota3A, %broadcast_in_dim3A_760], %scan3A_727#15 : memref<16x64xf32, #tpu.memory_space<vmem>>[vector<16xi32>, vector<16xi32>], vector<16xf32>,
      %broadcast_in_dim3A_761 = arith.constant 0.000000e+00 : f32
      %broadcast_in_dim3A_762 = vector.broadcast %broadcast_in_dim3A_761 : f32 to vector<16xf32>
      %broadcast_in_dim3A_763 = arith.constant 0.000000e+00 : f32
      %broadcast_in_dim3A_764 = vector.broadcast %broadcast_in_dim3A_763 : f32 to vector<16xf32>
      %broadcast_in_dim3A_765 = arith.constant 0.000000e+00 : f32
      %broadcast_in_dim3A_766 = vector.broadcast %broadcast_in_dim3A_765 : f32 to vector<16xf32>
      %broadcast_in_dim3A_767 = arith.constant 0.000000e+00 : f32
      %broadcast_in_dim3A_768 = vector.broadcast %broadcast_in_dim3A_767 : f32 to vector<16xf32>
      %broadcast_in_dim3A_769 = arith.constant 0.000000e+00 : f32
      %broadcast_in_dim3A_770 = vector.broadcast %broadcast_in_dim3A_769 : f32 to vector<16xf32>
      %broadcast_in_dim3A_771 = arith.constant 0.000000e+00 : f32
      %broadcast_in_dim3A_772 = vector.broadcast %broadcast_in_dim3A_771 : f32 to vector<16xf32>
      %broadcast_in_dim3A_773 = arith.constant 0.000000e+00 : f32
      %broadcast_in_dim3A_774 = vector.broadcast %broadcast_in_dim3A_773 : f32 to vector<16xf32>
      %broadcast_in_dim3A_775 = arith.constant 0.000000e+00 : f32
      %broadcast_in_dim3A_776 = vector.broadcast %broadcast_in_dim3A_775 : f32 to vector<16xf32>
      %broadcast_in_dim3A_777 = arith.constant 0.000000e+00 : f32
      %broadcast_in_dim3A_778 = vector.broadcast %broadcast_in_dim3A_777 : f32 to vector<16xf32>
      %broadcast_in_dim3A_779 = arith.constant 0.000000e+00 : f32
      %broadcast_in_dim3A_780 = vector.broadcast %broadcast_in_dim3A_779 : f32 to vector<16xf32>
      %broadcast_in_dim3A_781 = arith.constant 0.000000e+00 : f32
      %broadcast_in_dim3A_782 = vector.broadcast %broadcast_in_dim3A_781 : f32 to vector<16xf32>
      %broadcast_in_dim3A_783 = arith.constant 0.000000e+00 : f32
      %broadcast_in_dim3A_784 = vector.broadcast %broadcast_in_dim3A_783 : f32 to vector<16xf32>
      %broadcast_in_dim3A_785 = arith.constant 0.000000e+00 : f32
      %broadcast_in_dim3A_786 = vector.broadcast %broadcast_in_dim3A_785 : f32 to vector<16xf32>
      %broadcast_in_dim3A_787 = arith.constant 0.000000e+00 : f32
      %broadcast_in_dim3A_788 = vector.broadcast %broadcast_in_dim3A_787 : f32 to vector<16xf32>
      %broadcast_in_dim3A_789 = arith.constant 0.000000e+00 : f32
      %broadcast_in_dim3A_790 = vector.broadcast %broadcast_in_dim3A_789 : f32 to vector<16xf32>
      %broadcast_in_dim3A_791 = arith.constant 0.000000e+00 : f32
      %broadcast_in_dim3A_792 = vector.broadcast %broadcast_in_dim3A_791 : f32 to vector<16xf32>
      %scan3A_793 = arith.constant 0 : i32
      %scan3A_794 = arith.constant 16 : i32
      %scan3A_795 = arith.addi %scan3A_793, %scan3A_794 : i32
      %scan3A_796 = arith.constant 1 : i32
      %scan3A_797:16 = scf.for %scan3A_974 = %scan3A_793 to %scan3A_795 step %scan3A_796 iter_args(%scan3A_975 = %broadcast_in_dim3A_762, %scan3A_976 = %broadcast_in_dim3A_764, %scan3A_977 = %broadcast_in_dim3A_766, %scan3A_978 = %broadcast_in_dim3A_768, %scan3A_979 = %broadcast_in_dim3A_770, %scan3A_980 = %broadcast_in_dim3A_772, %scan3A_981 = %broadcast_in_dim3A_774, %scan3A_982 = %broadcast_in_dim3A_776, %scan3A_983 = %broadcast_in_dim3A_778, %scan3A_984 = %broadcast_in_dim3A_780, %scan3A_985 = %broadcast_in_dim3A_782, %scan3A_986 = %broadcast_in_dim3A_784, %scan3A_987 = %broadcast_in_dim3A_786, %scan3A_988 = %broadcast_in_dim3A_788, %scan3A_989 = %broadcast_in_dim3A_790, %scan3A_990 = %broadcast_in_dim3A_792) -> (vector<16xf32>, vector<16xf32>, vector<16xf32>, vector<16xf32>, vector<16xf32>, vector<16xf32>, vector<16xf32>, vector<16xf32>, vector<16xf32>, vector<16xf32>, vector<16xf32>, vector<16xf32>, vector<16xf32>, vector<16xf32>, vector<16xf32>, vector<16xf32>)  : i32 {
        %mul3A_991 = arith.constant 16 : i32
        %mul3A_992 = arith.muli %scan3A_974, %mul3A_991 : i32
        %get3A_993 = arith.index_cast %mul3A_992 : i32 to index
        %get3A_994 = tpu.vector_load %arg12[%get3A_993] {strides = array<i32>} : memref<256xf32, #tpu.memory_space<vmem>>, vector<16xf32>,
        %mul3A_995 = arith.constant 16 : i32
        %mul3A_996 = arith.muli %scan3A_974, %mul3A_995 : i32
        %add3A_997 = vector.broadcast %mul3A_996 : i32 to vector<16xi32>
        %add3A_998 = arith.addi %add3A_997, %iota3A : vector<16xi32>
        %broadcast_in_dim3A_999 = arith.constant 16 : i32
        %broadcast_in_dim3A_1000 = vector.broadcast %broadcast_in_dim3A_999 : i32 to vector<16xi32>
        %gather3A_1001 = tpu.vector_load_idx %arg11[%add3A_998, %broadcast_in_dim3A_1000] : memref<256x64xf32, #tpu.memory_space<vmem>>[vector<16xi32>, vector<16xi32>], vector<16xf32>,
        %mul3A_1002 = arith.mulf %get3A_994, %gather3A_1001 : vector<16xf32>
        %add3A_1003 = arith.addf %scan3A_975, %mul3A_1002 : vector<16xf32>
        %broadcast_in_dim3A_1004 = arith.constant 17 : i32
        %broadcast_in_dim3A_1005 = vector.broadcast %broadcast_in_dim3A_1004 : i32 to vector<16xi32>
        %gather3A_1006 = tpu.vector_load_idx %arg11[%add3A_998, %broadcast_in_dim3A_1005] : memref<256x64xf32, #tpu.memory_space<vmem>>[vector<16xi32>, vector<16xi32>], vector<16xf32>,
        %mul3A_1007 = arith.mulf %get3A_994, %gather3A_1006 : vector<16xf32>
        %add3A_1008 = arith.addf %scan3A_976, %mul3A_1007 : vector<16xf32>
        %broadcast_in_dim3A_1009 = arith.constant 18 : i32
        %broadcast_in_dim3A_1010 = vector.broadcast %broadcast_in_dim3A_1009 : i32 to vector<16xi32>
        %gather3A_1011 = tpu.vector_load_idx %arg11[%add3A_998, %broadcast_in_dim3A_1010] : memref<256x64xf32, #tpu.memory_space<vmem>>[vector<16xi32>, vector<16xi32>], vector<16xf32>,
        %mul3A_1012 = arith.mulf %get3A_994, %gather3A_1011 : vector<16xf32>
        %add3A_1013 = arith.addf %scan3A_977, %mul3A_1012 : vector<16xf32>
        %broadcast_in_dim3A_1014 = arith.constant 19 : i32
        %broadcast_in_dim3A_1015 = vector.broadcast %broadcast_in_dim3A_1014 : i32 to vector<16xi32>
        %gather3A_1016 = tpu.vector_load_idx %arg11[%add3A_998, %broadcast_in_dim3A_1015] : memref<256x64xf32, #tpu.memory_space<vmem>>[vector<16xi32>, vector<16xi32>], vector<16xf32>,
        %mul3A_1017 = arith.mulf %get3A_994, %gather3A_1016 : vector<16xf32>
        %add3A_1018 = arith.addf %scan3A_978, %mul3A_1017 : vector<16xf32>
        %broadcast_in_dim3A_1019 = arith.constant 20 : i32
        %broadcast_in_dim3A_1020 = vector.broadcast %broadcast_in_dim3A_1019 : i32 to vector<16xi32>
        %gather3A_1021 = tpu.vector_load_idx %arg11[%add3A_998, %broadcast_in_dim3A_1020] : memref<256x64xf32, #tpu.memory_space<vmem>>[vector<16xi32>, vector<16xi32>], vector<16xf32>,
        %mul3A_1022 = arith.mulf %get3A_994, %gather3A_1021 : vector<16xf32>
        %add3A_1023 = arith.addf %scan3A_979, %mul3A_1022 : vector<16xf32>
        %broadcast_in_dim3A_1024 = arith.constant 21 : i32
        %broadcast_in_dim3A_1025 = vector.broadcast %broadcast_in_dim3A_1024 : i32 to vector<16xi32>
        %gather3A_1026 = tpu.vector_load_idx %arg11[%add3A_998, %broadcast_in_dim3A_1025] : memref<256x64xf32, #tpu.memory_space<vmem>>[vector<16xi32>, vector<16xi32>], vector<16xf32>,
        %mul3A_1027 = arith.mulf %get3A_994, %gather3A_1026 : vector<16xf32>
        %add3A_1028 = arith.addf %scan3A_980, %mul3A_1027 : vector<16xf32>
        %broadcast_in_dim3A_1029 = arith.constant 22 : i32
        %broadcast_in_dim3A_1030 = vector.broadcast %broadcast_in_dim3A_1029 : i32 to vector<16xi32>
        %gather3A_1031 = tpu.vector_load_idx %arg11[%add3A_998, %broadcast_in_dim3A_1030] : memref<256x64xf32, #tpu.memory_space<vmem>>[vector<16xi32>, vector<16xi32>], vector<16xf32>,
        %mul3A_1032 = arith.mulf %get3A_994, %gather3A_1031 : vector<16xf32>
        %add3A_1033 = arith.addf %scan3A_981, %mul3A_1032 : vector<16xf32>
        %broadcast_in_dim3A_1034 = arith.constant 23 : i32
        %broadcast_in_dim3A_1035 = vector.broadcast %broadcast_in_dim3A_1034 : i32 to vector<16xi32>
        %gather3A_1036 = tpu.vector_load_idx %arg11[%add3A_998, %broadcast_in_dim3A_1035] : memref<256x64xf32, #tpu.memory_space<vmem>>[vector<16xi32>, vector<16xi32>], vector<16xf32>,
        %mul3A_1037 = arith.mulf %get3A_994, %gather3A_1036 : vector<16xf32>
        %add3A_1038 = arith.addf %scan3A_982, %mul3A_1037 : vector<16xf32>
        %broadcast_in_dim3A_1039 = arith.constant 24 : i32
        %broadcast_in_dim3A_1040 = vector.broadcast %broadcast_in_dim3A_1039 : i32 to vector<16xi32>
        %gather3A_1041 = tpu.vector_load_idx %arg11[%add3A_998, %broadcast_in_dim3A_1040] : memref<256x64xf32, #tpu.memory_space<vmem>>[vector<16xi32>, vector<16xi32>], vector<16xf32>,
        %mul3A_1042 = arith.mulf %get3A_994, %gather3A_1041 : vector<16xf32>
        %add3A_1043 = arith.addf %scan3A_983, %mul3A_1042 : vector<16xf32>
        %broadcast_in_dim3A_1044 = arith.constant 25 : i32
        %broadcast_in_dim3A_1045 = vector.broadcast %broadcast_in_dim3A_1044 : i32 to vector<16xi32>
        %gather3A_1046 = tpu.vector_load_idx %arg11[%add3A_998, %broadcast_in_dim3A_1045] : memref<256x64xf32, #tpu.memory_space<vmem>>[vector<16xi32>, vector<16xi32>], vector<16xf32>,
        %mul3A_1047 = arith.mulf %get3A_994, %gather3A_1046 : vector<16xf32>
        %add3A_1048 = arith.addf %scan3A_984, %mul3A_1047 : vector<16xf32>
        %broadcast_in_dim3A_1049 = arith.constant 26 : i32
        %broadcast_in_dim3A_1050 = vector.broadcast %broadcast_in_dim3A_1049 : i32 to vector<16xi32>
        %gather3A_1051 = tpu.vector_load_idx %arg11[%add3A_998, %broadcast_in_dim3A_1050] : memref<256x64xf32, #tpu.memory_space<vmem>>[vector<16xi32>, vector<16xi32>], vector<16xf32>,
        %mul3A_1052 = arith.mulf %get3A_994, %gather3A_1051 : vector<16xf32>
        %add3A_1053 = arith.addf %scan3A_985, %mul3A_1052 : vector<16xf32>
        %broadcast_in_dim3A_1054 = arith.constant 27 : i32
        %broadcast_in_dim3A_1055 = vector.broadcast %broadcast_in_dim3A_1054 : i32 to vector<16xi32>
        %gather3A_1056 = tpu.vector_load_idx %arg11[%add3A_998, %broadcast_in_dim3A_1055] : memref<256x64xf32, #tpu.memory_space<vmem>>[vector<16xi32>, vector<16xi32>], vector<16xf32>,
        %mul3A_1057 = arith.mulf %get3A_994, %gather3A_1056 : vector<16xf32>
        %add3A_1058 = arith.addf %scan3A_986, %mul3A_1057 : vector<16xf32>
        %broadcast_in_dim3A_1059 = arith.constant 28 : i32
        %broadcast_in_dim3A_1060 = vector.broadcast %broadcast_in_dim3A_1059 : i32 to vector<16xi32>
        %gather3A_1061 = tpu.vector_load_idx %arg11[%add3A_998, %broadcast_in_dim3A_1060] : memref<256x64xf32, #tpu.memory_space<vmem>>[vector<16xi32>, vector<16xi32>], vector<16xf32>,
        %mul3A_1062 = arith.mulf %get3A_994, %gather3A_1061 : vector<16xf32>
        %add3A_1063 = arith.addf %scan3A_987, %mul3A_1062 : vector<16xf32>
        %broadcast_in_dim3A_1064 = arith.constant 29 : i32
        %broadcast_in_dim3A_1065 = vector.broadcast %broadcast_in_dim3A_1064 : i32 to vector<16xi32>
        %gather3A_1066 = tpu.vector_load_idx %arg11[%add3A_998, %broadcast_in_dim3A_1065] : memref<256x64xf32, #tpu.memory_space<vmem>>[vector<16xi32>, vector<16xi32>], vector<16xf32>,
        %mul3A_1067 = arith.mulf %get3A_994, %gather3A_1066 : vector<16xf32>
        %add3A_1068 = arith.addf %scan3A_988, %mul3A_1067 : vector<16xf32>
        %broadcast_in_dim3A_1069 = arith.constant 30 : i32
        %broadcast_in_dim3A_1070 = vector.broadcast %broadcast_in_dim3A_1069 : i32 to vector<16xi32>
        %gather3A_1071 = tpu.vector_load_idx %arg11[%add3A_998, %broadcast_in_dim3A_1070] : memref<256x64xf32, #tpu.memory_space<vmem>>[vector<16xi32>, vector<16xi32>], vector<16xf32>,
        %mul3A_1072 = arith.mulf %get3A_994, %gather3A_1071 : vector<16xf32>
        %add3A_1073 = arith.addf %scan3A_989, %mul3A_1072 : vector<16xf32>
        %broadcast_in_dim3A_1074 = arith.constant 31 : i32
        %broadcast_in_dim3A_1075 = vector.broadcast %broadcast_in_dim3A_1074 : i32 to vector<16xi32>
        %gather3A_1076 = tpu.vector_load_idx %arg11[%add3A_998, %broadcast_in_dim3A_1075] : memref<256x64xf32, #tpu.memory_space<vmem>>[vector<16xi32>, vector<16xi32>], vector<16xf32>,
        %mul3A_1077 = arith.mulf %get3A_994, %gather3A_1076 : vector<16xf32>
        %add3A_1078 = arith.addf %scan3A_990, %mul3A_1077 : vector<16xf32>
        scf.yield %add3A_1003, %add3A_1008, %add3A_1013, %add3A_1018, %add3A_1023, %add3A_1028, %add3A_1033, %add3A_1038, %add3A_1043, %add3A_1048, %add3A_1053, %add3A_1058, %add3A_1063, %add3A_1068, %add3A_1073, %add3A_1078 : vector<16xf32>, vector<16xf32>, vector<16xf32>, vector<16xf32>, vector<16xf32>, vector<16xf32>, vector<16xf32>, vector<16xf32>, vector<16xf32>, vector<16xf32>, vector<16xf32>, vector<16xf32>, vector<16xf32>, vector<16xf32>, vector<16xf32>, vector<16xf32>
      }
      %scan3A_798 = arith.constant 16 : i32
      %broadcast_in_dim3A_799 = arith.constant 16 : i32
      %broadcast_in_dim3A_800 = vector.broadcast %broadcast_in_dim3A_799 : i32 to vector<16xi32>
      tpu.vector_store_idx %arg13[%iota3A, %broadcast_in_dim3A_800], %scan3A_797#0 : memref<16x64xf32, #tpu.memory_space<vmem>>[vector<16xi32>, vector<16xi32>], vector<16xf32>,
      %broadcast_in_dim3A_801 = arith.constant 17 : i32
      %broadcast_in_dim3A_802 = vector.broadcast %broadcast_in_dim3A_801 : i32 to vector<16xi32>
      tpu.vector_store_idx %arg13[%iota3A, %broadcast_in_dim3A_802], %scan3A_797#1 : memref<16x64xf32, #tpu.memory_space<vmem>>[vector<16xi32>, vector<16xi32>], vector<16xf32>,
      %broadcast_in_dim3A_803 = arith.constant 18 : i32
      %broadcast_in_dim3A_804 = vector.broadcast %broadcast_in_dim3A_803 : i32 to vector<16xi32>
      tpu.vector_store_idx %arg13[%iota3A, %broadcast_in_dim3A_804], %scan3A_797#2 : memref<16x64xf32, #tpu.memory_space<vmem>>[vector<16xi32>, vector<16xi32>], vector<16xf32>,
      %broadcast_in_dim3A_805 = arith.constant 19 : i32
      %broadcast_in_dim3A_806 = vector.broadcast %broadcast_in_dim3A_805 : i32 to vector<16xi32>
      tpu.vector_store_idx %arg13[%iota3A, %broadcast_in_dim3A_806], %scan3A_797#3 : memref<16x64xf32, #tpu.memory_space<vmem>>[vector<16xi32>, vector<16xi32>], vector<16xf32>,
      %broadcast_in_dim3A_807 = arith.constant 20 : i32
      %broadcast_in_dim3A_808 = vector.broadcast %broadcast_in_dim3A_807 : i32 to vector<16xi32>
      tpu.vector_store_idx %arg13[%iota3A, %broadcast_in_dim3A_808], %scan3A_797#4 : memref<16x64xf32, #tpu.memory_space<vmem>>[vector<16xi32>, vector<16xi32>], vector<16xf32>,
      %broadcast_in_dim3A_809 = arith.constant 21 : i32
      %broadcast_in_dim3A_810 = vector.broadcast %broadcast_in_dim3A_809 : i32 to vector<16xi32>
      tpu.vector_store_idx %arg13[%iota3A, %broadcast_in_dim3A_810], %scan3A_797#5 : memref<16x64xf32, #tpu.memory_space<vmem>>[vector<16xi32>, vector<16xi32>], vector<16xf32>,
      %broadcast_in_dim3A_811 = arith.constant 22 : i32
      %broadcast_in_dim3A_812 = vector.broadcast %broadcast_in_dim3A_811 : i32 to vector<16xi32>
      tpu.vector_store_idx %arg13[%iota3A, %broadcast_in_dim3A_812], %scan3A_797#6 : memref<16x64xf32, #tpu.memory_space<vmem>>[vector<16xi32>, vector<16xi32>], vector<16xf32>,
      %broadcast_in_dim3A_813 = arith.constant 23 : i32
      %broadcast_in_dim3A_814 = vector.broadcast %broadcast_in_dim3A_813 : i32 to vector<16xi32>
      tpu.vector_store_idx %arg13[%iota3A, %broadcast_in_dim3A_814], %scan3A_797#7 : memref<16x64xf32, #tpu.memory_space<vmem>>[vector<16xi32>, vector<16xi32>], vector<16xf32>,
      %broadcast_in_dim3A_815 = arith.constant 24 : i32
      %broadcast_in_dim3A_816 = vector.broadcast %broadcast_in_dim3A_815 : i32 to vector<16xi32>
      tpu.vector_store_idx %arg13[%iota3A, %broadcast_in_dim3A_816], %scan3A_797#8 : memref<16x64xf32, #tpu.memory_space<vmem>>[vector<16xi32>, vector<16xi32>], vector<16xf32>,
      %broadcast_in_dim3A_817 = arith.constant 25 : i32
      %broadcast_in_dim3A_818 = vector.broadcast %broadcast_in_dim3A_817 : i32 to vector<16xi32>
      tpu.vector_store_idx %arg13[%iota3A, %broadcast_in_dim3A_818], %scan3A_797#9 : memref<16x64xf32, #tpu.memory_space<vmem>>[vector<16xi32>, vector<16xi32>], vector<16xf32>,
      %broadcast_in_dim3A_819 = arith.constant 26 : i32
      %broadcast_in_dim3A_820 = vector.broadcast %broadcast_in_dim3A_819 : i32 to vector<16xi32>
      tpu.vector_store_idx %arg13[%iota3A, %broadcast_in_dim3A_820], %scan3A_797#10 : memref<16x64xf32, #tpu.memory_space<vmem>>[vector<16xi32>, vector<16xi32>], vector<16xf32>,
      %broadcast_in_dim3A_821 = arith.constant 27 : i32
      %broadcast_in_dim3A_822 = vector.broadcast %broadcast_in_dim3A_821 : i32 to vector<16xi32>
      tpu.vector_store_idx %arg13[%iota3A, %broadcast_in_dim3A_822], %scan3A_797#11 : memref<16x64xf32, #tpu.memory_space<vmem>>[vector<16xi32>, vector<16xi32>], vector<16xf32>,
      %broadcast_in_dim3A_823 = arith.constant 28 : i32
      %broadcast_in_dim3A_824 = vector.broadcast %broadcast_in_dim3A_823 : i32 to vector<16xi32>
      tpu.vector_store_idx %arg13[%iota3A, %broadcast_in_dim3A_824], %scan3A_797#12 : memref<16x64xf32, #tpu.memory_space<vmem>>[vector<16xi32>, vector<16xi32>], vector<16xf32>,
      %broadcast_in_dim3A_825 = arith.constant 29 : i32
      %broadcast_in_dim3A_826 = vector.broadcast %broadcast_in_dim3A_825 : i32 to vector<16xi32>
      tpu.vector_store_idx %arg13[%iota3A, %broadcast_in_dim3A_826], %scan3A_797#13 : memref<16x64xf32, #tpu.memory_space<vmem>>[vector<16xi32>, vector<16xi32>], vector<16xf32>,
      %broadcast_in_dim3A_827 = arith.constant 30 : i32
      %broadcast_in_dim3A_828 = vector.broadcast %broadcast_in_dim3A_827 : i32 to vector<16xi32>
      tpu.vector_store_idx %arg13[%iota3A, %broadcast_in_dim3A_828], %scan3A_797#14 : memref<16x64xf32, #tpu.memory_space<vmem>>[vector<16xi32>, vector<16xi32>], vector<16xf32>,
      %broadcast_in_dim3A_829 = arith.constant 31 : i32
      %broadcast_in_dim3A_830 = vector.broadcast %broadcast_in_dim3A_829 : i32 to vector<16xi32>
      tpu.vector_store_idx %arg13[%iota3A, %broadcast_in_dim3A_830], %scan3A_797#15 : memref<16x64xf32, #tpu.memory_space<vmem>>[vector<16xi32>, vector<16xi32>], vector<16xf32>,
      %broadcast_in_dim3A_831 = arith.constant 0.000000e+00 : f32
      %broadcast_in_dim3A_832 = vector.broadcast %broadcast_in_dim3A_831 : f32 to vector<16xf32>
      %broadcast_in_dim3A_833 = arith.constant 0.000000e+00 : f32
      %broadcast_in_dim3A_834 = vector.broadcast %broadcast_in_dim3A_833 : f32 to vector<16xf32>
      %broadcast_in_dim3A_835 = arith.constant 0.000000e+00 : f32
      %broadcast_in_dim3A_836 = vector.broadcast %broadcast_in_dim3A_835 : f32 to vector<16xf32>
      %broadcast_in_dim3A_837 = arith.constant 0.000000e+00 : f32
      %broadcast_in_dim3A_838 = vector.broadcast %broadcast_in_dim3A_837 : f32 to vector<16xf32>
      %broadcast_in_dim3A_839 = arith.constant 0.000000e+00 : f32
      %broadcast_in_dim3A_840 = vector.broadcast %broadcast_in_dim3A_839 : f32 to vector<16xf32>
      %broadcast_in_dim3A_841 = arith.constant 0.000000e+00 : f32
      %broadcast_in_dim3A_842 = vector.broadcast %broadcast_in_dim3A_841 : f32 to vector<16xf32>
      %broadcast_in_dim3A_843 = arith.constant 0.000000e+00 : f32
      %broadcast_in_dim3A_844 = vector.broadcast %broadcast_in_dim3A_843 : f32 to vector<16xf32>
      %broadcast_in_dim3A_845 = arith.constant 0.000000e+00 : f32
      %broadcast_in_dim3A_846 = vector.broadcast %broadcast_in_dim3A_845 : f32 to vector<16xf32>
      %broadcast_in_dim3A_847 = arith.constant 0.000000e+00 : f32
      %broadcast_in_dim3A_848 = vector.broadcast %broadcast_in_dim3A_847 : f32 to vector<16xf32>
      %broadcast_in_dim3A_849 = arith.constant 0.000000e+00 : f32
      %broadcast_in_dim3A_850 = vector.broadcast %broadcast_in_dim3A_849 : f32 to vector<16xf32>
      %broadcast_in_dim3A_851 = arith.constant 0.000000e+00 : f32
      %broadcast_in_dim3A_852 = vector.broadcast %broadcast_in_dim3A_851 : f32 to vector<16xf32>
      %broadcast_in_dim3A_853 = arith.constant 0.000000e+00 : f32
      %broadcast_in_dim3A_854 = vector.broadcast %broadcast_in_dim3A_853 : f32 to vector<16xf32>
      %broadcast_in_dim3A_855 = arith.constant 0.000000e+00 : f32
      %broadcast_in_dim3A_856 = vector.broadcast %broadcast_in_dim3A_855 : f32 to vector<16xf32>
      %broadcast_in_dim3A_857 = arith.constant 0.000000e+00 : f32
      %broadcast_in_dim3A_858 = vector.broadcast %broadcast_in_dim3A_857 : f32 to vector<16xf32>
      %broadcast_in_dim3A_859 = arith.constant 0.000000e+00 : f32
      %broadcast_in_dim3A_860 = vector.broadcast %broadcast_in_dim3A_859 : f32 to vector<16xf32>
      %broadcast_in_dim3A_861 = arith.constant 0.000000e+00 : f32
      %broadcast_in_dim3A_862 = vector.broadcast %broadcast_in_dim3A_861 : f32 to vector<16xf32>
      %scan3A_863 = arith.constant 0 : i32
      %scan3A_864 = arith.constant 16 : i32
      %scan3A_865 = arith.addi %scan3A_863, %scan3A_864 : i32
      %scan3A_866 = arith.constant 1 : i32
      %scan3A_867:16 = scf.for %scan3A_974 = %scan3A_863 to %scan3A_865 step %scan3A_866 iter_args(%scan3A_975 = %broadcast_in_dim3A_832, %scan3A_976 = %broadcast_in_dim3A_834, %scan3A_977 = %broadcast_in_dim3A_836, %scan3A_978 = %broadcast_in_dim3A_838, %scan3A_979 = %broadcast_in_dim3A_840, %scan3A_980 = %broadcast_in_dim3A_842, %scan3A_981 = %broadcast_in_dim3A_844, %scan3A_982 = %broadcast_in_dim3A_846, %scan3A_983 = %broadcast_in_dim3A_848, %scan3A_984 = %broadcast_in_dim3A_850, %scan3A_985 = %broadcast_in_dim3A_852, %scan3A_986 = %broadcast_in_dim3A_854, %scan3A_987 = %broadcast_in_dim3A_856, %scan3A_988 = %broadcast_in_dim3A_858, %scan3A_989 = %broadcast_in_dim3A_860, %scan3A_990 = %broadcast_in_dim3A_862) -> (vector<16xf32>, vector<16xf32>, vector<16xf32>, vector<16xf32>, vector<16xf32>, vector<16xf32>, vector<16xf32>, vector<16xf32>, vector<16xf32>, vector<16xf32>, vector<16xf32>, vector<16xf32>, vector<16xf32>, vector<16xf32>, vector<16xf32>, vector<16xf32>)  : i32 {
        %mul3A_991 = arith.constant 16 : i32
        %mul3A_992 = arith.muli %scan3A_974, %mul3A_991 : i32
        %get3A_993 = arith.index_cast %mul3A_992 : i32 to index
        %get3A_994 = tpu.vector_load %arg12[%get3A_993] {strides = array<i32>} : memref<256xf32, #tpu.memory_space<vmem>>, vector<16xf32>,
        %mul3A_995 = arith.constant 16 : i32
        %mul3A_996 = arith.muli %scan3A_974, %mul3A_995 : i32
        %add3A_997 = vector.broadcast %mul3A_996 : i32 to vector<16xi32>
        %add3A_998 = arith.addi %add3A_997, %iota3A : vector<16xi32>
        %broadcast_in_dim3A_999 = arith.constant 32 : i32
        %broadcast_in_dim3A_1000 = vector.broadcast %broadcast_in_dim3A_999 : i32 to vector<16xi32>
        %gather3A_1001 = tpu.vector_load_idx %arg11[%add3A_998, %broadcast_in_dim3A_1000] : memref<256x64xf32, #tpu.memory_space<vmem>>[vector<16xi32>, vector<16xi32>], vector<16xf32>,
        %mul3A_1002 = arith.mulf %get3A_994, %gather3A_1001 : vector<16xf32>
        %add3A_1003 = arith.addf %scan3A_975, %mul3A_1002 : vector<16xf32>
        %broadcast_in_dim3A_1004 = arith.constant 33 : i32
        %broadcast_in_dim3A_1005 = vector.broadcast %broadcast_in_dim3A_1004 : i32 to vector<16xi32>
        %gather3A_1006 = tpu.vector_load_idx %arg11[%add3A_998, %broadcast_in_dim3A_1005] : memref<256x64xf32, #tpu.memory_space<vmem>>[vector<16xi32>, vector<16xi32>], vector<16xf32>,
        %mul3A_1007 = arith.mulf %get3A_994, %gather3A_1006 : vector<16xf32>
        %add3A_1008 = arith.addf %scan3A_976, %mul3A_1007 : vector<16xf32>
        %broadcast_in_dim3A_1009 = arith.constant 34 : i32
        %broadcast_in_dim3A_1010 = vector.broadcast %broadcast_in_dim3A_1009 : i32 to vector<16xi32>
        %gather3A_1011 = tpu.vector_load_idx %arg11[%add3A_998, %broadcast_in_dim3A_1010] : memref<256x64xf32, #tpu.memory_space<vmem>>[vector<16xi32>, vector<16xi32>], vector<16xf32>,
        %mul3A_1012 = arith.mulf %get3A_994, %gather3A_1011 : vector<16xf32>
        %add3A_1013 = arith.addf %scan3A_977, %mul3A_1012 : vector<16xf32>
        %broadcast_in_dim3A_1014 = arith.constant 35 : i32
        %broadcast_in_dim3A_1015 = vector.broadcast %broadcast_in_dim3A_1014 : i32 to vector<16xi32>
        %gather3A_1016 = tpu.vector_load_idx %arg11[%add3A_998, %broadcast_in_dim3A_1015] : memref<256x64xf32, #tpu.memory_space<vmem>>[vector<16xi32>, vector<16xi32>], vector<16xf32>,
        %mul3A_1017 = arith.mulf %get3A_994, %gather3A_1016 : vector<16xf32>
        %add3A_1018 = arith.addf %scan3A_978, %mul3A_1017 : vector<16xf32>
        %broadcast_in_dim3A_1019 = arith.constant 36 : i32
        %broadcast_in_dim3A_1020 = vector.broadcast %broadcast_in_dim3A_1019 : i32 to vector<16xi32>
        %gather3A_1021 = tpu.vector_load_idx %arg11[%add3A_998, %broadcast_in_dim3A_1020] : memref<256x64xf32, #tpu.memory_space<vmem>>[vector<16xi32>, vector<16xi32>], vector<16xf32>,
        %mul3A_1022 = arith.mulf %get3A_994, %gather3A_1021 : vector<16xf32>
        %add3A_1023 = arith.addf %scan3A_979, %mul3A_1022 : vector<16xf32>
        %broadcast_in_dim3A_1024 = arith.constant 37 : i32
        %broadcast_in_dim3A_1025 = vector.broadcast %broadcast_in_dim3A_1024 : i32 to vector<16xi32>
        %gather3A_1026 = tpu.vector_load_idx %arg11[%add3A_998, %broadcast_in_dim3A_1025] : memref<256x64xf32, #tpu.memory_space<vmem>>[vector<16xi32>, vector<16xi32>], vector<16xf32>,
        %mul3A_1027 = arith.mulf %get3A_994, %gather3A_1026 : vector<16xf32>
        %add3A_1028 = arith.addf %scan3A_980, %mul3A_1027 : vector<16xf32>
        %broadcast_in_dim3A_1029 = arith.constant 38 : i32
        %broadcast_in_dim3A_1030 = vector.broadcast %broadcast_in_dim3A_1029 : i32 to vector<16xi32>
        %gather3A_1031 = tpu.vector_load_idx %arg11[%add3A_998, %broadcast_in_dim3A_1030] : memref<256x64xf32, #tpu.memory_space<vmem>>[vector<16xi32>, vector<16xi32>], vector<16xf32>,
        %mul3A_1032 = arith.mulf %get3A_994, %gather3A_1031 : vector<16xf32>
        %add3A_1033 = arith.addf %scan3A_981, %mul3A_1032 : vector<16xf32>
        %broadcast_in_dim3A_1034 = arith.constant 39 : i32
        %broadcast_in_dim3A_1035 = vector.broadcast %broadcast_in_dim3A_1034 : i32 to vector<16xi32>
        %gather3A_1036 = tpu.vector_load_idx %arg11[%add3A_998, %broadcast_in_dim3A_1035] : memref<256x64xf32, #tpu.memory_space<vmem>>[vector<16xi32>, vector<16xi32>], vector<16xf32>,
        %mul3A_1037 = arith.mulf %get3A_994, %gather3A_1036 : vector<16xf32>
        %add3A_1038 = arith.addf %scan3A_982, %mul3A_1037 : vector<16xf32>
        %broadcast_in_dim3A_1039 = arith.constant 40 : i32
        %broadcast_in_dim3A_1040 = vector.broadcast %broadcast_in_dim3A_1039 : i32 to vector<16xi32>
        %gather3A_1041 = tpu.vector_load_idx %arg11[%add3A_998, %broadcast_in_dim3A_1040] : memref<256x64xf32, #tpu.memory_space<vmem>>[vector<16xi32>, vector<16xi32>], vector<16xf32>,
        %mul3A_1042 = arith.mulf %get3A_994, %gather3A_1041 : vector<16xf32>
        %add3A_1043 = arith.addf %scan3A_983, %mul3A_1042 : vector<16xf32>
        %broadcast_in_dim3A_1044 = arith.constant 41 : i32
        %broadcast_in_dim3A_1045 = vector.broadcast %broadcast_in_dim3A_1044 : i32 to vector<16xi32>
        %gather3A_1046 = tpu.vector_load_idx %arg11[%add3A_998, %broadcast_in_dim3A_1045] : memref<256x64xf32, #tpu.memory_space<vmem>>[vector<16xi32>, vector<16xi32>], vector<16xf32>,
        %mul3A_1047 = arith.mulf %get3A_994, %gather3A_1046 : vector<16xf32>
        %add3A_1048 = arith.addf %scan3A_984, %mul3A_1047 : vector<16xf32>
        %broadcast_in_dim3A_1049 = arith.constant 42 : i32
        %broadcast_in_dim3A_1050 = vector.broadcast %broadcast_in_dim3A_1049 : i32 to vector<16xi32>
        %gather3A_1051 = tpu.vector_load_idx %arg11[%add3A_998, %broadcast_in_dim3A_1050] : memref<256x64xf32, #tpu.memory_space<vmem>>[vector<16xi32>, vector<16xi32>], vector<16xf32>,
        %mul3A_1052 = arith.mulf %get3A_994, %gather3A_1051 : vector<16xf32>
        %add3A_1053 = arith.addf %scan3A_985, %mul3A_1052 : vector<16xf32>
        %broadcast_in_dim3A_1054 = arith.constant 43 : i32
        %broadcast_in_dim3A_1055 = vector.broadcast %broadcast_in_dim3A_1054 : i32 to vector<16xi32>
        %gather3A_1056 = tpu.vector_load_idx %arg11[%add3A_998, %broadcast_in_dim3A_1055] : memref<256x64xf32, #tpu.memory_space<vmem>>[vector<16xi32>, vector<16xi32>], vector<16xf32>,
        %mul3A_1057 = arith.mulf %get3A_994, %gather3A_1056 : vector<16xf32>
        %add3A_1058 = arith.addf %scan3A_986, %mul3A_1057 : vector<16xf32>
        %broadcast_in_dim3A_1059 = arith.constant 44 : i32
        %broadcast_in_dim3A_1060 = vector.broadcast %broadcast_in_dim3A_1059 : i32 to vector<16xi32>
        %gather3A_1061 = tpu.vector_load_idx %arg11[%add3A_998, %broadcast_in_dim3A_1060] : memref<256x64xf32, #tpu.memory_space<vmem>>[vector<16xi32>, vector<16xi32>], vector<16xf32>,
        %mul3A_1062 = arith.mulf %get3A_994, %gather3A_1061 : vector<16xf32>
        %add3A_1063 = arith.addf %scan3A_987, %mul3A_1062 : vector<16xf32>
        %broadcast_in_dim3A_1064 = arith.constant 45 : i32
        %broadcast_in_dim3A_1065 = vector.broadcast %broadcast_in_dim3A_1064 : i32 to vector<16xi32>
        %gather3A_1066 = tpu.vector_load_idx %arg11[%add3A_998, %broadcast_in_dim3A_1065] : memref<256x64xf32, #tpu.memory_space<vmem>>[vector<16xi32>, vector<16xi32>], vector<16xf32>,
        %mul3A_1067 = arith.mulf %get3A_994, %gather3A_1066 : vector<16xf32>
        %add3A_1068 = arith.addf %scan3A_988, %mul3A_1067 : vector<16xf32>
        %broadcast_in_dim3A_1069 = arith.constant 46 : i32
        %broadcast_in_dim3A_1070 = vector.broadcast %broadcast_in_dim3A_1069 : i32 to vector<16xi32>
        %gather3A_1071 = tpu.vector_load_idx %arg11[%add3A_998, %broadcast_in_dim3A_1070] : memref<256x64xf32, #tpu.memory_space<vmem>>[vector<16xi32>, vector<16xi32>], vector<16xf32>,
        %mul3A_1072 = arith.mulf %get3A_994, %gather3A_1071 : vector<16xf32>
        %add3A_1073 = arith.addf %scan3A_989, %mul3A_1072 : vector<16xf32>
        %broadcast_in_dim3A_1074 = arith.constant 47 : i32
        %broadcast_in_dim3A_1075 = vector.broadcast %broadcast_in_dim3A_1074 : i32 to vector<16xi32>
        %gather3A_1076 = tpu.vector_load_idx %arg11[%add3A_998, %broadcast_in_dim3A_1075] : memref<256x64xf32, #tpu.memory_space<vmem>>[vector<16xi32>, vector<16xi32>], vector<16xf32>,
        %mul3A_1077 = arith.mulf %get3A_994, %gather3A_1076 : vector<16xf32>
        %add3A_1078 = arith.addf %scan3A_990, %mul3A_1077 : vector<16xf32>
        scf.yield %add3A_1003, %add3A_1008, %add3A_1013, %add3A_1018, %add3A_1023, %add3A_1028, %add3A_1033, %add3A_1038, %add3A_1043, %add3A_1048, %add3A_1053, %add3A_1058, %add3A_1063, %add3A_1068, %add3A_1073, %add3A_1078 : vector<16xf32>, vector<16xf32>, vector<16xf32>, vector<16xf32>, vector<16xf32>, vector<16xf32>, vector<16xf32>, vector<16xf32>, vector<16xf32>, vector<16xf32>, vector<16xf32>, vector<16xf32>, vector<16xf32>, vector<16xf32>, vector<16xf32>, vector<16xf32>
      }
      %scan3A_868 = arith.constant 16 : i32
      %broadcast_in_dim3A_869 = arith.constant 32 : i32
      %broadcast_in_dim3A_870 = vector.broadcast %broadcast_in_dim3A_869 : i32 to vector<16xi32>
      tpu.vector_store_idx %arg13[%iota3A, %broadcast_in_dim3A_870], %scan3A_867#0 : memref<16x64xf32, #tpu.memory_space<vmem>>[vector<16xi32>, vector<16xi32>], vector<16xf32>,
      %broadcast_in_dim3A_871 = arith.constant 33 : i32
      %broadcast_in_dim3A_872 = vector.broadcast %broadcast_in_dim3A_871 : i32 to vector<16xi32>
      tpu.vector_store_idx %arg13[%iota3A, %broadcast_in_dim3A_872], %scan3A_867#1 : memref<16x64xf32, #tpu.memory_space<vmem>>[vector<16xi32>, vector<16xi32>], vector<16xf32>,
      %broadcast_in_dim3A_873 = arith.constant 34 : i32
      %broadcast_in_dim3A_874 = vector.broadcast %broadcast_in_dim3A_873 : i32 to vector<16xi32>
      tpu.vector_store_idx %arg13[%iota3A, %broadcast_in_dim3A_874], %scan3A_867#2 : memref<16x64xf32, #tpu.memory_space<vmem>>[vector<16xi32>, vector<16xi32>], vector<16xf32>,
      %broadcast_in_dim3A_875 = arith.constant 35 : i32
      %broadcast_in_dim3A_876 = vector.broadcast %broadcast_in_dim3A_875 : i32 to vector<16xi32>
      tpu.vector_store_idx %arg13[%iota3A, %broadcast_in_dim3A_876], %scan3A_867#3 : memref<16x64xf32, #tpu.memory_space<vmem>>[vector<16xi32>, vector<16xi32>], vector<16xf32>,
      %broadcast_in_dim3A_877 = arith.constant 36 : i32
      %broadcast_in_dim3A_878 = vector.broadcast %broadcast_in_dim3A_877 : i32 to vector<16xi32>
      tpu.vector_store_idx %arg13[%iota3A, %broadcast_in_dim3A_878], %scan3A_867#4 : memref<16x64xf32, #tpu.memory_space<vmem>>[vector<16xi32>, vector<16xi32>], vector<16xf32>,
      %broadcast_in_dim3A_879 = arith.constant 37 : i32
      %broadcast_in_dim3A_880 = vector.broadcast %broadcast_in_dim3A_879 : i32 to vector<16xi32>
      tpu.vector_store_idx %arg13[%iota3A, %broadcast_in_dim3A_880], %scan3A_867#5 : memref<16x64xf32, #tpu.memory_space<vmem>>[vector<16xi32>, vector<16xi32>], vector<16xf32>,
      %broadcast_in_dim3A_881 = arith.constant 38 : i32
      %broadcast_in_dim3A_882 = vector.broadcast %broadcast_in_dim3A_881 : i32 to vector<16xi32>
      tpu.vector_store_idx %arg13[%iota3A, %broadcast_in_dim3A_882], %scan3A_867#6 : memref<16x64xf32, #tpu.memory_space<vmem>>[vector<16xi32>, vector<16xi32>], vector<16xf32>,
      %broadcast_in_dim3A_883 = arith.constant 39 : i32
      %broadcast_in_dim3A_884 = vector.broadcast %broadcast_in_dim3A_883 : i32 to vector<16xi32>
      tpu.vector_store_idx %arg13[%iota3A, %broadcast_in_dim3A_884], %scan3A_867#7 : memref<16x64xf32, #tpu.memory_space<vmem>>[vector<16xi32>, vector<16xi32>], vector<16xf32>,
      %broadcast_in_dim3A_885 = arith.constant 40 : i32
      %broadcast_in_dim3A_886 = vector.broadcast %broadcast_in_dim3A_885 : i32 to vector<16xi32>
      tpu.vector_store_idx %arg13[%iota3A, %broadcast_in_dim3A_886], %scan3A_867#8 : memref<16x64xf32, #tpu.memory_space<vmem>>[vector<16xi32>, vector<16xi32>], vector<16xf32>,
      %broadcast_in_dim3A_887 = arith.constant 41 : i32
      %broadcast_in_dim3A_888 = vector.broadcast %broadcast_in_dim3A_887 : i32 to vector<16xi32>
      tpu.vector_store_idx %arg13[%iota3A, %broadcast_in_dim3A_888], %scan3A_867#9 : memref<16x64xf32, #tpu.memory_space<vmem>>[vector<16xi32>, vector<16xi32>], vector<16xf32>,
      %broadcast_in_dim3A_889 = arith.constant 42 : i32
      %broadcast_in_dim3A_890 = vector.broadcast %broadcast_in_dim3A_889 : i32 to vector<16xi32>
      tpu.vector_store_idx %arg13[%iota3A, %broadcast_in_dim3A_890], %scan3A_867#10 : memref<16x64xf32, #tpu.memory_space<vmem>>[vector<16xi32>, vector<16xi32>], vector<16xf32>,
      %broadcast_in_dim3A_891 = arith.constant 43 : i32
      %broadcast_in_dim3A_892 = vector.broadcast %broadcast_in_dim3A_891 : i32 to vector<16xi32>
      tpu.vector_store_idx %arg13[%iota3A, %broadcast_in_dim3A_892], %scan3A_867#11 : memref<16x64xf32, #tpu.memory_space<vmem>>[vector<16xi32>, vector<16xi32>], vector<16xf32>,
      %broadcast_in_dim3A_893 = arith.constant 44 : i32
      %broadcast_in_dim3A_894 = vector.broadcast %broadcast_in_dim3A_893 : i32 to vector<16xi32>
      tpu.vector_store_idx %arg13[%iota3A, %broadcast_in_dim3A_894], %scan3A_867#12 : memref<16x64xf32, #tpu.memory_space<vmem>>[vector<16xi32>, vector<16xi32>], vector<16xf32>,
      %broadcast_in_dim3A_895 = arith.constant 45 : i32
      %broadcast_in_dim3A_896 = vector.broadcast %broadcast_in_dim3A_895 : i32 to vector<16xi32>
      tpu.vector_store_idx %arg13[%iota3A, %broadcast_in_dim3A_896], %scan3A_867#13 : memref<16x64xf32, #tpu.memory_space<vmem>>[vector<16xi32>, vector<16xi32>], vector<16xf32>,
      %broadcast_in_dim3A_897 = arith.constant 46 : i32
      %broadcast_in_dim3A_898 = vector.broadcast %broadcast_in_dim3A_897 : i32 to vector<16xi32>
      tpu.vector_store_idx %arg13[%iota3A, %broadcast_in_dim3A_898], %scan3A_867#14 : memref<16x64xf32, #tpu.memory_space<vmem>>[vector<16xi32>, vector<16xi32>], vector<16xf32>,
      %broadcast_in_dim3A_899 = arith.constant 47 : i32
      %broadcast_in_dim3A_900 = vector.broadcast %broadcast_in_dim3A_899 : i32 to vector<16xi32>
      tpu.vector_store_idx %arg13[%iota3A, %broadcast_in_dim3A_900], %scan3A_867#15 : memref<16x64xf32, #tpu.memory_space<vmem>>[vector<16xi32>, vector<16xi32>], vector<16xf32>,
      %broadcast_in_dim3A_901 = arith.constant 0.000000e+00 : f32
      %broadcast_in_dim3A_902 = vector.broadcast %broadcast_in_dim3A_901 : f32 to vector<16xf32>
      %broadcast_in_dim3A_903 = arith.constant 0.000000e+00 : f32
      %broadcast_in_dim3A_904 = vector.broadcast %broadcast_in_dim3A_903 : f32 to vector<16xf32>
      %broadcast_in_dim3A_905 = arith.constant 0.000000e+00 : f32
      %broadcast_in_dim3A_906 = vector.broadcast %broadcast_in_dim3A_905 : f32 to vector<16xf32>
      %broadcast_in_dim3A_907 = arith.constant 0.000000e+00 : f32
      %broadcast_in_dim3A_908 = vector.broadcast %broadcast_in_dim3A_907 : f32 to vector<16xf32>
      %broadcast_in_dim3A_909 = arith.constant 0.000000e+00 : f32
      %broadcast_in_dim3A_910 = vector.broadcast %broadcast_in_dim3A_909 : f32 to vector<16xf32>
      %broadcast_in_dim3A_911 = arith.constant 0.000000e+00 : f32
      %broadcast_in_dim3A_912 = vector.broadcast %broadcast_in_dim3A_911 : f32 to vector<16xf32>
      %broadcast_in_dim3A_913 = arith.constant 0.000000e+00 : f32
      %broadcast_in_dim3A_914 = vector.broadcast %broadcast_in_dim3A_913 : f32 to vector<16xf32>
      %broadcast_in_dim3A_915 = arith.constant 0.000000e+00 : f32
      %broadcast_in_dim3A_916 = vector.broadcast %broadcast_in_dim3A_915 : f32 to vector<16xf32>
      %broadcast_in_dim3A_917 = arith.constant 0.000000e+00 : f32
      %broadcast_in_dim3A_918 = vector.broadcast %broadcast_in_dim3A_917 : f32 to vector<16xf32>
      %broadcast_in_dim3A_919 = arith.constant 0.000000e+00 : f32
      %broadcast_in_dim3A_920 = vector.broadcast %broadcast_in_dim3A_919 : f32 to vector<16xf32>
      %broadcast_in_dim3A_921 = arith.constant 0.000000e+00 : f32
      %broadcast_in_dim3A_922 = vector.broadcast %broadcast_in_dim3A_921 : f32 to vector<16xf32>
      %broadcast_in_dim3A_923 = arith.constant 0.000000e+00 : f32
      %broadcast_in_dim3A_924 = vector.broadcast %broadcast_in_dim3A_923 : f32 to vector<16xf32>
      %broadcast_in_dim3A_925 = arith.constant 0.000000e+00 : f32
      %broadcast_in_dim3A_926 = vector.broadcast %broadcast_in_dim3A_925 : f32 to vector<16xf32>
      %broadcast_in_dim3A_927 = arith.constant 0.000000e+00 : f32
      %broadcast_in_dim3A_928 = vector.broadcast %broadcast_in_dim3A_927 : f32 to vector<16xf32>
      %broadcast_in_dim3A_929 = arith.constant 0.000000e+00 : f32
      %broadcast_in_dim3A_930 = vector.broadcast %broadcast_in_dim3A_929 : f32 to vector<16xf32>
      %broadcast_in_dim3A_931 = arith.constant 0.000000e+00 : f32
      %broadcast_in_dim3A_932 = vector.broadcast %broadcast_in_dim3A_931 : f32 to vector<16xf32>
      %scan3A_933 = arith.constant 0 : i32
      %scan3A_934 = arith.constant 16 : i32
      %scan3A_935 = arith.addi %scan3A_933, %scan3A_934 : i32
      %scan3A_936 = arith.constant 1 : i32
      %scan3A_937:16 = scf.for %scan3A_974 = %scan3A_933 to %scan3A_935 step %scan3A_936 iter_args(%scan3A_975 = %broadcast_in_dim3A_902, %scan3A_976 = %broadcast_in_dim3A_904, %scan3A_977 = %broadcast_in_dim3A_906, %scan3A_978 = %broadcast_in_dim3A_908, %scan3A_979 = %broadcast_in_dim3A_910, %scan3A_980 = %broadcast_in_dim3A_912, %scan3A_981 = %broadcast_in_dim3A_914, %scan3A_982 = %broadcast_in_dim3A_916, %scan3A_983 = %broadcast_in_dim3A_918, %scan3A_984 = %broadcast_in_dim3A_920, %scan3A_985 = %broadcast_in_dim3A_922, %scan3A_986 = %broadcast_in_dim3A_924, %scan3A_987 = %broadcast_in_dim3A_926, %scan3A_988 = %broadcast_in_dim3A_928, %scan3A_989 = %broadcast_in_dim3A_930, %scan3A_990 = %broadcast_in_dim3A_932) -> (vector<16xf32>, vector<16xf32>, vector<16xf32>, vector<16xf32>, vector<16xf32>, vector<16xf32>, vector<16xf32>, vector<16xf32>, vector<16xf32>, vector<16xf32>, vector<16xf32>, vector<16xf32>, vector<16xf32>, vector<16xf32>, vector<16xf32>, vector<16xf32>)  : i32 {
        %mul3A_991 = arith.constant 16 : i32
        %mul3A_992 = arith.muli %scan3A_974, %mul3A_991 : i32
        %get3A_993 = arith.index_cast %mul3A_992 : i32 to index
        %get3A_994 = tpu.vector_load %arg12[%get3A_993] {strides = array<i32>} : memref<256xf32, #tpu.memory_space<vmem>>, vector<16xf32>,
        %mul3A_995 = arith.constant 16 : i32
        %mul3A_996 = arith.muli %scan3A_974, %mul3A_995 : i32
        %add3A_997 = vector.broadcast %mul3A_996 : i32 to vector<16xi32>
        %add3A_998 = arith.addi %add3A_997, %iota3A : vector<16xi32>
        %broadcast_in_dim3A_999 = arith.constant 48 : i32
        %broadcast_in_dim3A_1000 = vector.broadcast %broadcast_in_dim3A_999 : i32 to vector<16xi32>
        %gather3A_1001 = tpu.vector_load_idx %arg11[%add3A_998, %broadcast_in_dim3A_1000] : memref<256x64xf32, #tpu.memory_space<vmem>>[vector<16xi32>, vector<16xi32>], vector<16xf32>,
        %mul3A_1002 = arith.mulf %get3A_994, %gather3A_1001 : vector<16xf32>
        %add3A_1003 = arith.addf %scan3A_975, %mul3A_1002 : vector<16xf32>
        %broadcast_in_dim3A_1004 = arith.constant 49 : i32
        %broadcast_in_dim3A_1005 = vector.broadcast %broadcast_in_dim3A_1004 : i32 to vector<16xi32>
        %gather3A_1006 = tpu.vector_load_idx %arg11[%add3A_998, %broadcast_in_dim3A_1005] : memref<256x64xf32, #tpu.memory_space<vmem>>[vector<16xi32>, vector<16xi32>], vector<16xf32>,
        %mul3A_1007 = arith.mulf %get3A_994, %gather3A_1006 : vector<16xf32>
        %add3A_1008 = arith.addf %scan3A_976, %mul3A_1007 : vector<16xf32>
        %broadcast_in_dim3A_1009 = arith.constant 50 : i32
        %broadcast_in_dim3A_1010 = vector.broadcast %broadcast_in_dim3A_1009 : i32 to vector<16xi32>
        %gather3A_1011 = tpu.vector_load_idx %arg11[%add3A_998, %broadcast_in_dim3A_1010] : memref<256x64xf32, #tpu.memory_space<vmem>>[vector<16xi32>, vector<16xi32>], vector<16xf32>,
        %mul3A_1012 = arith.mulf %get3A_994, %gather3A_1011 : vector<16xf32>
        %add3A_1013 = arith.addf %scan3A_977, %mul3A_1012 : vector<16xf32>
        %broadcast_in_dim3A_1014 = arith.constant 51 : i32
        %broadcast_in_dim3A_1015 = vector.broadcast %broadcast_in_dim3A_1014 : i32 to vector<16xi32>
        %gather3A_1016 = tpu.vector_load_idx %arg11[%add3A_998, %broadcast_in_dim3A_1015] : memref<256x64xf32, #tpu.memory_space<vmem>>[vector<16xi32>, vector<16xi32>], vector<16xf32>,
        %mul3A_1017 = arith.mulf %get3A_994, %gather3A_1016 : vector<16xf32>
        %add3A_1018 = arith.addf %scan3A_978, %mul3A_1017 : vector<16xf32>
        %broadcast_in_dim3A_1019 = arith.constant 52 : i32
        %broadcast_in_dim3A_1020 = vector.broadcast %broadcast_in_dim3A_1019 : i32 to vector<16xi32>
        %gather3A_1021 = tpu.vector_load_idx %arg11[%add3A_998, %broadcast_in_dim3A_1020] : memref<256x64xf32, #tpu.memory_space<vmem>>[vector<16xi32>, vector<16xi32>], vector<16xf32>,
        %mul3A_1022 = arith.mulf %get3A_994, %gather3A_1021 : vector<16xf32>
        %add3A_1023 = arith.addf %scan3A_979, %mul3A_1022 : vector<16xf32>
        %broadcast_in_dim3A_1024 = arith.constant 53 : i32
        %broadcast_in_dim3A_1025 = vector.broadcast %broadcast_in_dim3A_1024 : i32 to vector<16xi32>
        %gather3A_1026 = tpu.vector_load_idx %arg11[%add3A_998, %broadcast_in_dim3A_1025] : memref<256x64xf32, #tpu.memory_space<vmem>>[vector<16xi32>, vector<16xi32>], vector<16xf32>,
        %mul3A_1027 = arith.mulf %get3A_994, %gather3A_1026 : vector<16xf32>
        %add3A_1028 = arith.addf %scan3A_980, %mul3A_1027 : vector<16xf32>
        %broadcast_in_dim3A_1029 = arith.constant 54 : i32
        %broadcast_in_dim3A_1030 = vector.broadcast %broadcast_in_dim3A_1029 : i32 to vector<16xi32>
        %gather3A_1031 = tpu.vector_load_idx %arg11[%add3A_998, %broadcast_in_dim3A_1030] : memref<256x64xf32, #tpu.memory_space<vmem>>[vector<16xi32>, vector<16xi32>], vector<16xf32>,
        %mul3A_1032 = arith.mulf %get3A_994, %gather3A_1031 : vector<16xf32>
        %add3A_1033 = arith.addf %scan3A_981, %mul3A_1032 : vector<16xf32>
        %broadcast_in_dim3A_1034 = arith.constant 55 : i32
        %broadcast_in_dim3A_1035 = vector.broadcast %broadcast_in_dim3A_1034 : i32 to vector<16xi32>
        %gather3A_1036 = tpu.vector_load_idx %arg11[%add3A_998, %broadcast_in_dim3A_1035] : memref<256x64xf32, #tpu.memory_space<vmem>>[vector<16xi32>, vector<16xi32>], vector<16xf32>,
        %mul3A_1037 = arith.mulf %get3A_994, %gather3A_1036 : vector<16xf32>
        %add3A_1038 = arith.addf %scan3A_982, %mul3A_1037 : vector<16xf32>
        %broadcast_in_dim3A_1039 = arith.constant 56 : i32
        %broadcast_in_dim3A_1040 = vector.broadcast %broadcast_in_dim3A_1039 : i32 to vector<16xi32>
        %gather3A_1041 = tpu.vector_load_idx %arg11[%add3A_998, %broadcast_in_dim3A_1040] : memref<256x64xf32, #tpu.memory_space<vmem>>[vector<16xi32>, vector<16xi32>], vector<16xf32>,
        %mul3A_1042 = arith.mulf %get3A_994, %gather3A_1041 : vector<16xf32>
        %add3A_1043 = arith.addf %scan3A_983, %mul3A_1042 : vector<16xf32>
        %broadcast_in_dim3A_1044 = arith.constant 57 : i32
        %broadcast_in_dim3A_1045 = vector.broadcast %broadcast_in_dim3A_1044 : i32 to vector<16xi32>
        %gather3A_1046 = tpu.vector_load_idx %arg11[%add3A_998, %broadcast_in_dim3A_1045] : memref<256x64xf32, #tpu.memory_space<vmem>>[vector<16xi32>, vector<16xi32>], vector<16xf32>,
        %mul3A_1047 = arith.mulf %get3A_994, %gather3A_1046 : vector<16xf32>
        %add3A_1048 = arith.addf %scan3A_984, %mul3A_1047 : vector<16xf32>
        %broadcast_in_dim3A_1049 = arith.constant 58 : i32
        %broadcast_in_dim3A_1050 = vector.broadcast %broadcast_in_dim3A_1049 : i32 to vector<16xi32>
        %gather3A_1051 = tpu.vector_load_idx %arg11[%add3A_998, %broadcast_in_dim3A_1050] : memref<256x64xf32, #tpu.memory_space<vmem>>[vector<16xi32>, vector<16xi32>], vector<16xf32>,
        %mul3A_1052 = arith.mulf %get3A_994, %gather3A_1051 : vector<16xf32>
        %add3A_1053 = arith.addf %scan3A_985, %mul3A_1052 : vector<16xf32>
        %broadcast_in_dim3A_1054 = arith.constant 59 : i32
        %broadcast_in_dim3A_1055 = vector.broadcast %broadcast_in_dim3A_1054 : i32 to vector<16xi32>
        %gather3A_1056 = tpu.vector_load_idx %arg11[%add3A_998, %broadcast_in_dim3A_1055] : memref<256x64xf32, #tpu.memory_space<vmem>>[vector<16xi32>, vector<16xi32>], vector<16xf32>,
        %mul3A_1057 = arith.mulf %get3A_994, %gather3A_1056 : vector<16xf32>
        %add3A_1058 = arith.addf %scan3A_986, %mul3A_1057 : vector<16xf32>
        %broadcast_in_dim3A_1059 = arith.constant 60 : i32
        %broadcast_in_dim3A_1060 = vector.broadcast %broadcast_in_dim3A_1059 : i32 to vector<16xi32>
        %gather3A_1061 = tpu.vector_load_idx %arg11[%add3A_998, %broadcast_in_dim3A_1060] : memref<256x64xf32, #tpu.memory_space<vmem>>[vector<16xi32>, vector<16xi32>], vector<16xf32>,
        %mul3A_1062 = arith.mulf %get3A_994, %gather3A_1061 : vector<16xf32>
        %add3A_1063 = arith.addf %scan3A_987, %mul3A_1062 : vector<16xf32>
        %broadcast_in_dim3A_1064 = arith.constant 61 : i32
        %broadcast_in_dim3A_1065 = vector.broadcast %broadcast_in_dim3A_1064 : i32 to vector<16xi32>
        %gather3A_1066 = tpu.vector_load_idx %arg11[%add3A_998, %broadcast_in_dim3A_1065] : memref<256x64xf32, #tpu.memory_space<vmem>>[vector<16xi32>, vector<16xi32>], vector<16xf32>,
        %mul3A_1067 = arith.mulf %get3A_994, %gather3A_1066 : vector<16xf32>
        %add3A_1068 = arith.addf %scan3A_988, %mul3A_1067 : vector<16xf32>
        %broadcast_in_dim3A_1069 = arith.constant 62 : i32
        %broadcast_in_dim3A_1070 = vector.broadcast %broadcast_in_dim3A_1069 : i32 to vector<16xi32>
        %gather3A_1071 = tpu.vector_load_idx %arg11[%add3A_998, %broadcast_in_dim3A_1070] : memref<256x64xf32, #tpu.memory_space<vmem>>[vector<16xi32>, vector<16xi32>], vector<16xf32>,
        %mul3A_1072 = arith.mulf %get3A_994, %gather3A_1071 : vector<16xf32>
        %add3A_1073 = arith.addf %scan3A_989, %mul3A_1072 : vector<16xf32>
        %broadcast_in_dim3A_1074 = arith.constant 63 : i32
        %broadcast_in_dim3A_1075 = vector.broadcast %broadcast_in_dim3A_1074 : i32 to vector<16xi32>
        %gather3A_1076 = tpu.vector_load_idx %arg11[%add3A_998, %broadcast_in_dim3A_1075] : memref<256x64xf32, #tpu.memory_space<vmem>>[vector<16xi32>, vector<16xi32>], vector<16xf32>,
        %mul3A_1077 = arith.mulf %get3A_994, %gather3A_1076 : vector<16xf32>
        %add3A_1078 = arith.addf %scan3A_990, %mul3A_1077 : vector<16xf32>
        scf.yield %add3A_1003, %add3A_1008, %add3A_1013, %add3A_1018, %add3A_1023, %add3A_1028, %add3A_1033, %add3A_1038, %add3A_1043, %add3A_1048, %add3A_1053, %add3A_1058, %add3A_1063, %add3A_1068, %add3A_1073, %add3A_1078 : vector<16xf32>, vector<16xf32>, vector<16xf32>, vector<16xf32>, vector<16xf32>, vector<16xf32>, vector<16xf32>, vector<16xf32>, vector<16xf32>, vector<16xf32>, vector<16xf32>, vector<16xf32>, vector<16xf32>, vector<16xf32>, vector<16xf32>, vector<16xf32>
      }
      %scan3A_938 = arith.constant 16 : i32
      %broadcast_in_dim3A_939 = arith.constant 48 : i32
      %broadcast_in_dim3A_940 = vector.broadcast %broadcast_in_dim3A_939 : i32 to vector<16xi32>
      tpu.vector_store_idx %arg13[%iota3A, %broadcast_in_dim3A_940], %scan3A_937#0 : memref<16x64xf32, #tpu.memory_space<vmem>>[vector<16xi32>, vector<16xi32>], vector<16xf32>,
      %broadcast_in_dim3A_941 = arith.constant 49 : i32
      %broadcast_in_dim3A_942 = vector.broadcast %broadcast_in_dim3A_941 : i32 to vector<16xi32>
      tpu.vector_store_idx %arg13[%iota3A, %broadcast_in_dim3A_942], %scan3A_937#1 : memref<16x64xf32, #tpu.memory_space<vmem>>[vector<16xi32>, vector<16xi32>], vector<16xf32>,
      %broadcast_in_dim3A_943 = arith.constant 50 : i32
      %broadcast_in_dim3A_944 = vector.broadcast %broadcast_in_dim3A_943 : i32 to vector<16xi32>
      tpu.vector_store_idx %arg13[%iota3A, %broadcast_in_dim3A_944], %scan3A_937#2 : memref<16x64xf32, #tpu.memory_space<vmem>>[vector<16xi32>, vector<16xi32>], vector<16xf32>,
      %broadcast_in_dim3A_945 = arith.constant 51 : i32
      %broadcast_in_dim3A_946 = vector.broadcast %broadcast_in_dim3A_945 : i32 to vector<16xi32>
      tpu.vector_store_idx %arg13[%iota3A, %broadcast_in_dim3A_946], %scan3A_937#3 : memref<16x64xf32, #tpu.memory_space<vmem>>[vector<16xi32>, vector<16xi32>], vector<16xf32>,
      %broadcast_in_dim3A_947 = arith.constant 52 : i32
      %broadcast_in_dim3A_948 = vector.broadcast %broadcast_in_dim3A_947 : i32 to vector<16xi32>
      tpu.vector_store_idx %arg13[%iota3A, %broadcast_in_dim3A_948], %scan3A_937#4 : memref<16x64xf32, #tpu.memory_space<vmem>>[vector<16xi32>, vector<16xi32>], vector<16xf32>,
      %broadcast_in_dim3A_949 = arith.constant 53 : i32
      %broadcast_in_dim3A_950 = vector.broadcast %broadcast_in_dim3A_949 : i32 to vector<16xi32>
      tpu.vector_store_idx %arg13[%iota3A, %broadcast_in_dim3A_950], %scan3A_937#5 : memref<16x64xf32, #tpu.memory_space<vmem>>[vector<16xi32>, vector<16xi32>], vector<16xf32>,
      %broadcast_in_dim3A_951 = arith.constant 54 : i32
      %broadcast_in_dim3A_952 = vector.broadcast %broadcast_in_dim3A_951 : i32 to vector<16xi32>
      tpu.vector_store_idx %arg13[%iota3A, %broadcast_in_dim3A_952], %scan3A_937#6 : memref<16x64xf32, #tpu.memory_space<vmem>>[vector<16xi32>, vector<16xi32>], vector<16xf32>,
      %broadcast_in_dim3A_953 = arith.constant 55 : i32
      %broadcast_in_dim3A_954 = vector.broadcast %broadcast_in_dim3A_953 : i32 to vector<16xi32>
      tpu.vector_store_idx %arg13[%iota3A, %broadcast_in_dim3A_954], %scan3A_937#7 : memref<16x64xf32, #tpu.memory_space<vmem>>[vector<16xi32>, vector<16xi32>], vector<16xf32>,
      %broadcast_in_dim3A_955 = arith.constant 56 : i32
      %broadcast_in_dim3A_956 = vector.broadcast %broadcast_in_dim3A_955 : i32 to vector<16xi32>
      tpu.vector_store_idx %arg13[%iota3A, %broadcast_in_dim3A_956], %scan3A_937#8 : memref<16x64xf32, #tpu.memory_space<vmem>>[vector<16xi32>, vector<16xi32>], vector<16xf32>,
      %broadcast_in_dim3A_957 = arith.constant 57 : i32
      %broadcast_in_dim3A_958 = vector.broadcast %broadcast_in_dim3A_957 : i32 to vector<16xi32>
      tpu.vector_store_idx %arg13[%iota3A, %broadcast_in_dim3A_958], %scan3A_937#9 : memref<16x64xf32, #tpu.memory_space<vmem>>[vector<16xi32>, vector<16xi32>], vector<16xf32>,
      %broadcast_in_dim3A_959 = arith.constant 58 : i32
      %broadcast_in_dim3A_960 = vector.broadcast %broadcast_in_dim3A_959 : i32 to vector<16xi32>
      tpu.vector_store_idx %arg13[%iota3A, %broadcast_in_dim3A_960], %scan3A_937#10 : memref<16x64xf32, #tpu.memory_space<vmem>>[vector<16xi32>, vector<16xi32>], vector<16xf32>,
      %broadcast_in_dim3A_961 = arith.constant 59 : i32
      %broadcast_in_dim3A_962 = vector.broadcast %broadcast_in_dim3A_961 : i32 to vector<16xi32>
      tpu.vector_store_idx %arg13[%iota3A, %broadcast_in_dim3A_962], %scan3A_937#11 : memref<16x64xf32, #tpu.memory_space<vmem>>[vector<16xi32>, vector<16xi32>], vector<16xf32>,
      %broadcast_in_dim3A_963 = arith.constant 60 : i32
      %broadcast_in_dim3A_964 = vector.broadcast %broadcast_in_dim3A_963 : i32 to vector<16xi32>
      tpu.vector_store_idx %arg13[%iota3A, %broadcast_in_dim3A_964], %scan3A_937#12 : memref<16x64xf32, #tpu.memory_space<vmem>>[vector<16xi32>, vector<16xi32>], vector<16xf32>,
      %broadcast_in_dim3A_965 = arith.constant 61 : i32
      %broadcast_in_dim3A_966 = vector.broadcast %broadcast_in_dim3A_965 : i32 to vector<16xi32>
      tpu.vector_store_idx %arg13[%iota3A, %broadcast_in_dim3A_966], %scan3A_937#13 : memref<16x64xf32, #tpu.memory_space<vmem>>[vector<16xi32>, vector<16xi32>], vector<16xf32>,
      %broadcast_in_dim3A_967 = arith.constant 62 : i32
      %broadcast_in_dim3A_968 = vector.broadcast %broadcast_in_dim3A_967 : i32 to vector<16xi32>
      tpu.vector_store_idx %arg13[%iota3A, %broadcast_in_dim3A_968], %scan3A_937#14 : memref<16x64xf32, #tpu.memory_space<vmem>>[vector<16xi32>, vector<16xi32>], vector<16xf32>,
      %broadcast_in_dim3A_969 = arith.constant 63 : i32
      %broadcast_in_dim3A_970 = vector.broadcast %broadcast_in_dim3A_969 : i32 to vector<16xi32>
      tpu.vector_store_idx %arg13[%iota3A, %broadcast_in_dim3A_970], %scan3A_937#15 : memref<16x64xf32, #tpu.memory_space<vmem>>[vector<16xi32>, vector<16xi32>], vector<16xf32>,
      %mul3A_971 = arith.constant 16 : i32
      %mul3A_972 = arith.muli %scan3A_8, %mul3A_971 : i32
      %add3A_973 = arith.addi %mul3A_2, %mul3A_972 : i32
      "tpu.region"() ({
        %run_scoped3A = tpu.sem_alloc : memref<!tpu.dma_semaphore, #tpu.memory_space<semaphore_mem>>
        %dma_start3A_974 = arith.constant 0 : i32
        %dma_start3A_975 = tpu.memref_slice %arg6[%add3A_973, %dma_start3A_974] : memref<49152x64xf32, #tpu.memory_space<hbm>> -> memref<16x64xf32, #tpu.memory_space<hbm>>
        %dma_start3A_976 = arith.constant 0 : i32
        %dma_start3A_977 = tpu.memref_slice %arg6[%add3A_973, %dma_start3A_976] : memref<49152x64xf32, #tpu.memory_space<hbm>> -> memref<16x64xf32, #tpu.memory_space<hbm>>
        tpu.enqueue_dma source(%arg13 : memref<16x64xf32, #tpu.memory_space<vmem>>) target(%dma_start3A_977 : memref<16x64xf32, #tpu.memory_space<hbm>>) target_semaphore(%run_scoped3A : memref<!tpu.dma_semaphore, #tpu.memory_space<semaphore_mem>>)
        %dma_wait3A_978 = arith.constant 0 : i32
        %dma_wait3A_979 = tpu.memref_slice %arg6[%add3A_973, %dma_wait3A_978] : memref<49152x64xf32, #tpu.memory_space<hbm>> -> memref<16x64xf32, #tpu.memory_space<hbm>>
        %dma_wait3A_980 = arith.constant 0 : i32
        %dma_wait3A_981 = tpu.memref_slice %arg6[%add3A_973, %dma_wait3A_980] : memref<49152x64xf32, #tpu.memory_space<hbm>> -> memref<16x64xf32, #tpu.memory_space<hbm>>
        tpu.wait_dma2 semaphore(%run_scoped3A : memref<!tpu.dma_semaphore, #tpu.memory_space<semaphore_mem>>) src(%arg13 : memref<16x64xf32, #tpu.memory_space<vmem>>) dst(%dma_wait3A_981 : memref<16x64xf32, #tpu.memory_space<hbm>>)
        tpu.yield
      }) : () -> ()
    }
    %scan3A_7 = arith.constant 96 : i32
    return
  }
}

</mosaic_0001>

<sc_bundles>
// kernel: kernel.3.cloned.1.call-start
scs
__scs_entry_jumppad:
0x0: {  	(pc) =	sbr.rel $0x88, $3  }
0x1: {  	(tag) =	ssettag $0x0;
	lr =	simm.s32 $0x1  }
0x2: {  	[smem:$0x3F9E] =	sst lr;
	_ =	strace $0xD0000000  }
0x3: {  	_ = 	snop  }
0x4: {  	_ = 	snop  }
0x5: {  	_ = 	snop  }
0x6: {  	_ = 	snop  }
0x7: {  	_ = 	snop  }
__scs_overlays_trampoline_lowered:
0x8: {  	[smem:$0x3FAD] =	sst s0  }
0x9: {  	[smem:$0x3FAE] =	sst s1  }
0xa: {  	[smem:$0x3FAF] =	sst s2  }
0xb: {  	[smem:$0x3FB0] =	sst s3  }
0xc: {  	[smem:$0x3FB1] =	sst s4  }
0xd: {  	[smem:$0x3FB2] =	sst s5  }
0xe: {  	[smem:$0x3FB3] =	sst s6  }
0xf: {  	[smem:$0x3FB4] =	sst s7  }
0x10: {  	[smem:$0x3FB5] =	sst s8  }
0x11: {  	[smem:$0x3FB6] =	sst s9;
	s0 =	simm.s32 @!p0 $0x0  }
0x12: {  	s1 =	sld [smem:$0x3F9C];
	s0 =	simm.s32 @p0 $0x1  }
0x13: {  	[smem:$0x3FB7] =	sst s0;
	s0 =	simm.s32 @!p1 $0x0  }
0x14: {  	s2 =	sld [smem:$0x3F9B];
	s0 =	simm.s32 @p1 $0x1  }
0x15: {  	[smem:$0x3FB8] =	sst s0;
	s0 =	simm.s32 @!p2 $0x0  }
0x16: {  	s3 =	sld [smem:$0x3FDB];
	s0 =	simm.s32 @p2 $0x1  }
0x17: {  	s4 =	simm.s32 $0x1BF5;
	[smem:$0x3FBA] =	sst s0  }
0x18: {  	s0 =	sld [smem:$0x3F9D];
	_ =	swait.ge [sflag:s4], $0x0  }
0x19: {  	s7 =	sld [smem:$0x3F9E]  }
0x1a: {  	s8 =	sadd.s32 $0xFFFFE003, lr  }
0x1b: {  	s9 =	sadd.s32 $0xFFFFFEF7, lr;
	s5 =	simm.s32 $0xFFFFFFFF;
	p2 =	slt.u32 s8, $0xFFFFF086  }
0x1c: {  	p1 =	slt.u32 s9, $0xF7A;
	s5 =	simm.s32 @!p2 $0x0  }
0x1d: {  	s5 =	simm.s32 @p1 $0x1;
	p0 =	seq.s32 s7, s2  }
0x1e: {  	s7 =	smul.u32 @!p0 $0xF7A, s2;
	p2 =	seq.s32 @!p0 s5, $0x0  }
0x1f: {  	s9 =	smul.u32 $0xF7A, s1;
	s8 =	simm.s32 @!p0 $0x1BF5;
	p2 =	por !p2, p0  }
0x20: {  	[sflag:s8] =	ssyncset.s32 @!p0 $0xFFFFF086;
	s6 =	sadd.s32 @!p0 s3, s7;
	s7 =	simm.s32 @!p0 $0x108  }
0x21: {  	s3 =	sadd.s32 s3, s9;
	s6 =	sadd.s32 @!p0 $0x88, s6;
	s7 =	simm.s32 @p2 $0x1082  }
0x22: {  	[simem:s7], [sflag:s8] =	dma.local @!p0 [hbm:s6], $0xF7A  }
0x23: {  	s9 =	sor.u32 $0xD0000000, s2;
	s6 =	simm.s32 $0x108;
	_ =	swait.ge @!p0 [sflag:s8], $0x0  }
0x24: {  	s3 =	sadd.s32 $0x88, s3;
	s6 =	simm.s32 @!p1 $0x1082;
	[sflag:s4] =	ssyncset.s32 $0xFFFFF086  }
0x25: {  	[simem:s6], [sflag:s4] =	dma.local [hbm:s3], $0xF7A  }
0x26: {  	[smem:$0x3F9E] =	sst s1;
	(tag) =	ssettag s2;
	_ =	strace s9  }
0x27: {  	s1 =	sld [smem:$0x3FAE]  }
0x28: {  	s2 =	sld [smem:$0x3FAF]  }
0x29: {  	s4 =	sld [smem:$0x3FB1]  }
0x2a: {  	p0 =	seq.s32 s5, $0x0;
	s5 =	sld [smem:$0x3FB2]  }
0x2b: {  	s6 =	sld [smem:$0x3FB3]  }
0x2c: {  	s7 =	sld [smem:$0x3FB4]  }
0x2d: {  	s3 =	simm.s32 $0x108;
	s8 =	sld [smem:$0x3FB5]  }
0x2e: {  	s3 =	simm.s32 @!p0 $0x1082;
	s9 =	sld [smem:$0x3FB6]  }
0x2f: {  	lr =	sadd.s32 s0, s3;
	s0 =	sld [smem:$0x3FAD]  }
0x30: {  	s3 =	sld [smem:$0x3FB0]  }
0x31: {  	[smem:$0x3FB9] =	sst s10  }
0x32: {  	s10 =	sld [smem:$0x3FB7];
	_ =	sdelay $0x3  }
0x33: {  	p0 =	seq.s32 s10, $0x1;
	s10 =	sld [smem:$0x3FB9];
	_ =	sdelay $0x3  }
0x34: {  	[smem:$0x3FB9] =	sst s10  }
0x35: {  	s10 =	sld [smem:$0x3FB8];
	_ =	sdelay $0x3  }
0x36: {  	p1 =	seq.s32 s10, $0x1;
	s10 =	sld [smem:$0x3FB9];
	_ =	sdelay $0x3  }
0x37: {  	[smem:$0x3FB9] =	sst s10  }
0x38: {  	s10 =	sld [smem:$0x3FBA]  }
0x39: {  	_ = 	snop;
	(pc) =	sbr.ind lr, $3  }
0x3a: {  	_ = 	snop  }
0x3b: {  	_ = 	snop  }
0x3c: {  	p2 =	seq.s32 s10, $0x1;
	s10 =	sld [smem:$0x3FB9]  }
0x3d: {  	_ =	shalt  }
0x3e: {  	_ =	shalt  }
0x3f: {  	_ =	shalt  }
0x40: {  	_ =	shalt  }
0x41: {  	_ =	shalt  }
0x42: {  	_ =	shalt  }
0x43: {  	_ =	shalt  }
0x44: {  	_ =	shalt  }
0x45: {  	_ =	shalt  }
0x46: {  	_ =	shalt  }
0x47: {  	_ =	shalt  }
0x48: {  	_ =	shalt  }
0x49: {  	_ =	shalt  }
0x4a: {  	_ =	shalt  }
0x4b: {  	_ =	shalt  }
0x4c: {  	_ =	shalt  }
0x4d: {  	_ =	shalt  }
0x4e: {  	_ =	shalt  }
0x4f: {  	_ =	shalt  }
0x50: {  	_ =	shalt  }
0x51: {  	_ =	shalt  }
0x52: {  	_ =	shalt  }
0x53: {  	_ =	shalt  }
0x54: {  	_ =	shalt  }
0x55: {  	_ =	shalt  }
0x56: {  	_ =	shalt  }
0x57: {  	_ =	shalt  }
0x58: {  	_ =	shalt  }
0x59: {  	_ =	shalt  }
0x5a: {  	_ =	shalt  }
0x5b: {  	_ =	shalt  }
0x5c: {  	_ =	shalt  }
0x5d: {  	_ =	shalt  }
0x5e: {  	_ =	shalt  }
0x5f: {  	_ =	shalt  }
0x60: {  	_ =	shalt  }
0x61: {  	_ =	shalt  }
0x62: {  	_ =	shalt  }
0x63: {  	_ =	shalt  }
0x64: {  	_ =	shalt  }
0x65: {  	_ =	shalt  }
0x66: {  	_ =	shalt  }
0x67: {  	_ =	shalt  }
0x68: {  	_ =	shalt  }
0x69: {  	_ =	shalt  }
0x6a: {  	_ =	shalt  }
0x6b: {  	_ =	shalt  }
0x6c: {  	_ =	shalt  }
0x6d: {  	_ =	shalt  }
0x6e: {  	_ =	shalt  }
0x6f: {  	_ =	shalt  }
0x70: {  	_ =	shalt  }
0x71: {  	_ =	shalt  }
0x72: {  	_ =	shalt  }
0x73: {  	_ =	shalt  }
0x74: {  	_ =	shalt  }
0x75: {  	_ =	shalt  }
0x76: {  	_ =	shalt  }
0x77: {  	_ =	shalt  }
0x78: {  	_ =	shalt  }
0x79: {  	_ =	shalt  }
0x7a: {  	_ =	shalt  }
0x7b: {  	_ =	shalt  }
0x7c: {  	_ =	shalt  }
0x7d: {  	_ =	shalt  }
0x7e: {  	_ =	shalt  }
0x7f: {  	_ =	shalt  }
0x80: {  	_ =	shalt  }
0x81: {  	_ =	shalt  }
0x82: {  	_ =	shalt  }
0x83: {  	_ =	shalt  }
0x84: {  	_ =	shalt  }
0x85: {  	_ =	shalt  }
0x86: {  	_ =	shalt  }
0x87: {  	_ =	shalt  }
.Lfunc_end0:
.L_simem_size_0:
called_computation_lowered:
.L_overlay_start_0:
0x88: {  	s2 =	sld [smem:$0x3FD9]  }
0x89: {  	s3 =	sld [smem:$0x3FFE];
	_ =	sdelay $0x1  }
0x8a: {  	s1 =	srdreg.scid  }
0x8b: {  	s0 =	sand.u32 $0x1, s1  }
0x8c: {  	s17 =	sshll.u32 s0, $0xA;
	s2 =	sadd.s32 s3, s2  }
0x8d: {  	s2 =	sadd.s32 s2, s17  }
0x8e: {  	[smem:$0x3FC5] =	sst s2  }
0x8f: {  	_ = 	snop  }
0x90: {  	s2 =	sld [smem:$0x3FD0];
	(tm) =	ssettm $0x1  }
0x91: {  	s18 =	sld [smem:$0x3FFB];
	_ =	sdelay $0x3  }
0x92: {  	_ =	strace s18  }
0x93: {  	s3 =	sld [smem:$0x3FFC];
	_ =	sdelay $0x3  }
0x94: {  	_ =	strace s3  }
0x95: {  	s3 =	sld [smem:$0x3FFD];
	_ =	sdelay $0x3  }
0x96: {  	_ =	strace s3  }
0x97: {  	_ =	strace $0x8FFFFFFF  }
0x98: {  	s19 =	sld [smem:$0x3FDB];
	_ =	sdelay $0x1  }
0x99: {  	s4 =	simm.s32 $_scs_section_size  }
0x9a: {  	s5 =	simm.s32 $_size__tile_overlayer_lowered;
	s6 =	simm.s32 $_tile_overlayer_lowered  }
0x9b: {  	s22 =	simm.s32 $0x1BFF;
	s21 =	sshll.u32 s6, $0x1;
	s3 =	sadd.s32 s4, s19  }
0x9c: {  	s7 =	simm.s32 $0x0;
	s20 =	sshll.u32 s5, $0x1;
	s5 =	sadd.s32 s21, s3  }
0x9d: {  	[timem:s7], [sflag:s22] =	dma.local [hbm:s5], s20  }
0x9e: {  	_ =	swait.ge [sflag:s22], s20  }
0x9f: {  	s4 =	ssub.s32 $0x0, s20;
	[sflag:s22] =	ssyncset.done $0x0  }
0xa0: {  	[sflag:s22] =	ssyncadd.s32 s4;
	_ =	sdelay $0x1  }
0xa1: {  	s23 =	simm.s32 $0x1B8B  }
0xa2: {  	_ =	swait.ge [sflag:s23], $0x1  }
0xa3: {  	[sflag:s23] =	ssyncset.done $0x0  }
0xa4: {  	s25 =	simm.s32 $0x1B8E;
	s24 =	sld [smem:$0x3FFE];
	[sflag:s23] =	ssyncadd.s32 $0xFFFFFFFF  }
0xa5: {  	s26 =	simm.s32 $execute0_lowered;
	[smem:$0x3FD2] =	sst s25  }
0xa6: {  	s5 =	sshll.u32 s26, $0x1;
	_ =	strace $0x80000046;
	[dreg:$0x1] =	wrdreg $0xFFFFFFFF  }
0xa7: {  	s28 =	simm.s32 $_size_execute0_lowered;
	s3 =	sadd.s32 s3, s5;
	[dreg:$0x0] =	wrdreg $0x0  }
0xa8: {  	s5 =	sshll.u32 s28, $0x1;
	[dreg:$0x2] =	wrdreg s3  }
0xa9: {  	[dreg:$0x3] =	wrdreg s5  }
0xaa: {  	[dreg:$0x4] =	wrdreg $0xC0  }
0xab: {  	_ =	task [dreg:s7], $0x5FFFF  }
0xac: {  	[dreg:$0x1] =	wrdreg $0xFFFFFFFF  }
0xad: {  	[dreg:$0x0] =	wrdreg $0x60  }
0xae: {  	[dreg:$0x2] =	wrdreg s24  }
0xaf: {  	[dreg:$0x3] =	wrdreg s2  }
0xb0: {  	[dreg:$0x4] =	wrdreg $0x9  }
0xb1: {  	_ =	task.clear_ibuf [dreg:s7], $0x5FFFF;
	_ =	strace $0x90000046  }
0xb2: {  	s29 =	simm.s32 $0x9;
	_ =	strace $0x80000048  }
0xb3: {  	_ =	swait.ge [sflag:s29], $0x1  }
0xb4: {  	[sflag:s29] =	ssyncadd.s32 $0xFFFFFFFF  }
0xb5: {  	_ =	strace $0x90000048  }
0xb6: {  	_ =	sfence  }
0xb7: {  	s30 =	sld [smem:$0x0];
	_ =	sdelay $0x2  }
0xb8: {  	s31 =	sshll.u32 s1, $0xD;
	s1 =	sshrl.u32 s1, $0x2  }
0xb9: {  	s3 =	sand.u32 $0x4000, s31;
	s1 =	sadd.s32 s1, s30  }
0xba: {  	s0 =	sor.u32 s3, s0;
	s1 =	sshll.u32 s1, $0x11  }
0xbb: {  	s0 =	sor.u32 s1, s0  }
0xbc: {  	s0 =	sadd.s32 $0x8F2B, s0  }
0xbd: {  	[sflag:s0] =	ssyncadd.remote.s32 $0x1  }
0xbe: {  	_ =	sfence.sel $0xFFFF  }
0xbf: {  	[dreg:$0x0] =	wrdreg $0xFFFFFFFF;
	(pc) =	sbr.abs _section_cstart, $3  }
0xc0: {  	[dreg:$0x1] =	wrdreg $0xFFFFFFFF  }
0xc1: {  	_ =	task.clear_ibuf [dreg:s7], $0x2FFFF;
	_ =	strace $0x9FFFFFFF  }
0xc2: {  	(tm) =	ssettm $0x7FFFFFFF  }
0xc3: {  	_ =	shalt  }
tec
execute0_lowered:
.L_overlay_start_1:
0x0: {  	(tag) =	ssettag $0x1  }
0x1: {  	s7 =	rddreg [dreg:$0x0]  }
0x2: {  	s1 =	srdreg.scid;
	s0 =	stileid.u32  }
0x3: {  	s2 =	rddreg [dreg:$0x1];
	s3 =	simm.s32 $0x0;
	s10 =	simm.s32 $0x2  }
0x4: {  	s11 =	simm.s32 $0x1388;
	s12 =	simm.s32 $0x1988;
	s13 =	simm.s32 $0x80  }
0x5: {  	s14 =	simm.s32 $0x1F88;
	s15 =	simm.s32 $0x2088;
	s16 =	simm.s32 $0x2008  }
0x6: {  	s17 =	simm.s32 $0x4088;
	s6 =	sand.u32 $0x1, s1;
	s4 =	sshll.u32 s0, $0x1  }
0x7: {  	s18 =	simm.s32 $0x1;
	s19 =	simm.s32 $0x6188;
	s4 =	sor.u32 s6, s4  }
0x8: {  	s20 =	simm.s32 $0x0;
	s1 =	rddreg [dreg:$0x2];
	s4 =	smul.u32 $0x600, s4  }
0x9: {  	[smem:$0x7FF] =	sst s3;
	s5 =	sadd.s32 $0x139200, s7;
	s9 =	ssub.s32 $0x2, s6  }
0xa: {  	_ =	strace $0x80000047;
	s31 =	sshrl.u32 s9, $0x1;
	s8 =	sshrl.u32 s4, $0x3  }
0xb: {  	v0 =	vlaneseq.u32;
	s6 =	sadd.s32 $0xA00, s7;
	s9 =	ssub.s32 s9, s31;
	s8 =	sadd.s32 s8, s7  }
0xc: {  	v1 =	vmul.u32 $0x40, v0;
	s9 =	smax.u32 s9, $0x1;
	s7 =	sadd.s32 $0x2600, s8;
	s8 =	sadd.s32 $0xE00, s8  }
.LBB2_1:
0xd: {  	[tilespmem:s3], [sflag:$0x2] =	stream.linear.gather [hbm4b:s6+s3], $0x1388, $0x38;
	[tilespmem:$0x6588] =	vst v63  }
0xe: {  	_ =	swait.ge [sflag:s10], $0x1388  }
0xf: {  	[sflag:s10] =	ssyncset.done $0x0  }
0x10: {  	[sflag:s10] =	ssyncadd.s32 $0xFFFFEC78  }
0x11: {  	[tilespmem:s11], [sflag:$0x2] =	stream.linear.gather [hbm4b:s7+s3], $0x600, $0x38;
	[tilespmem:$0x6588] =	vst v63  }
0x12: {  	_ =	swait.ge [sflag:s10], $0x600  }
0x13: {  	[sflag:s10] =	ssyncset.done $0x0  }
0x14: {  	[sflag:s10] =	ssyncadd.s32 $0xFFFFFA00  }
0x15: {  	[tilespmem:s12], [sflag:$0x2] =	stream.linear.gather [hbm4b:s8+s3], $0x600, $0x38;
	[tilespmem:$0x6588] =	vst v63  }
0x16: {  	_ =	swait.ge [sflag:s10], $0x600  }
0x17: {  	[sflag:s10] =	ssyncset.done $0x0  }
0x18: {  	s21 =	simm.s32 $0x0;
	[sflag:s10] =	ssyncadd.s32 $0xFFFFFA00  }
.LBB2_2:
0x19: {  	s24 =	sshll.u32 s21, $0x4  }
0x1a: {  	s22 =	sadd.s32 s4, s24  }
0x1b: {  	v2 =	vor.u32 s22, v0  }
0x1c: {  	v3 =	vcvt.s32.f32 v2;
	_ =	sdelay $0x1  }
0x1d: {  	v3 =	vadd.f32 $5.000000000e-01, v3;
	_ =	sdelay $0x1  }
0x1e: {  	v3 =	vmul.f32 $2.040816280e-02, v3;
	_ =	sdelay $0x1  }
0x1f: {  	v3 =	vtrunc.f32 v3  }
0x20: {  	v3 =	vcvt.f32.s32 v3;
	_ =	sdelay $0x1  }
0x21: {  	vm0 =	vlt.s32 v3, $0x3E7  }
0x22: {  	v3 =	vnsel vm0, $0x3E7, v3  }
0x23: {  	v4 =	vadd.s32 $0x3E8, v3  }
0x24: {  	v5 =	vadd.s32 $0x7D0, v3  }
0x25: {  	v6 =	vadd.s32 $0xFA0, v3  }
0x26: {  	v7 =	vadd.s32 $0xBB8, v3  }
0x27: {  	s23 =	simm.s32 $0x0;
	v8 =	vmul.u32 $0xFFFFFFCF, v3  }
0x28: {  	v4 =	vld.idx.msk [tilespmem:v4+s23+$0x0], $0xffff  }
0x29: {  	v2 =	vadd.s32 v2, v8;
	v5 =	vld.idx.msk [tilespmem:v5+s23+$0x0], $0xffff  }
0x2a: {  	v2 =	vcvt.s32.f32 v2;
	v6 =	vld.idx.msk [tilespmem:v6+s23+$0x0], $0xffff  }
0x2b: {  	v7 =	vld.idx.msk [tilespmem:v7+s23+$0x0], $0xffff  }
0x2c: {  	v8 =	vadd.f32 $5.000000000e-01, v2;
	_ =	sdelay $0x1  }
0x2d: {  	v8 =	vmul.f32 $1.428571490e-01, v8  }
0x2e: {  	v5 =	vmul.f32 $2.500000000e-01, v5;
	v6 =	vmul.f32 $2.500000000e-01, v6  }
0x2f: {  	v4 =	vmul.f32 $2.500000000e-01, v4;
	v7 =	vmul.f32 $2.500000000e-01, v7  }
0x30: {  	v8 =	vtrunc.f32 v8;
	v5 =	vadd.f32 $-5.000000000e-01, v5;
	v6 =	vadd.f32 $-5.000000000e-01, v6  }
0x31: {  	v9 =	vld [tilespmem:s24+$0x1988];
	v8 =	vcvt.f32.s32 v8;
	v4 =	vadd.f32 $-5.000000000e-01, v4;
	v7 =	vadd.f32 $-5.000000000e-01, v7  }
0x32: {  	v10 =	vld [tilespmem:s24+$0x1388];
	v6 =	vsub.f32 v6, v5  }
0x33: {  	v8 =	vcvt.s32.f32 v8;
	v7 =	vsub.f32 v7, v4  }
0x34: {  	v11 =	vmul.f32 $1.000000010e-01, v6  }
0x35: {  	v3 =	vld.idx.msk [tilespmem:v3+s23+$0x0], $0xffff;
	v12 =	vmul.f32 $-7.000000000e+00, v8;
	v13 =	vmul.f32 $1.000000010e-01, v7  }
0x36: {  	v6 =	vmul.f32 $1.428571490e-01, v6;
	v9 =	vmul.f32 v11, v9  }
0x37: {  	v2 =	vadd.f32 v12, v2;
	v7 =	vmul.f32 $1.428571490e-01, v7;
	v10 =	vmul.f32 v13, v10  }
0x38: {  	v8 =	vmul.f32 v8, v6;
	v5 =	vadd.f32 v9, v5  }
0x39: {  	v2 =	vmul.f32 v7, v2;
	v4 =	vadd.f32 v10, v4  }
0x3a: {  	v3 =	vtrunc.f32 v3;
	v5 =	vadd.f32 v5, v8;
	v8 =	vmul.f32 $2.500000000e-01, v6  }
0x3b: {  	v3 =	vcvt.f32.s32 v3;
	v4 =	vadd.f32 v4, v2;
	v2 =	vmul.f32 $2.500000000e-01, v7  }
0x3c: {  	v7 =	vmul.f32 $7.500000000e-01, v7;
	v6 =	vmul.f32 $7.500000000e-01, v6;
	v8 =	vadd.f32 v5, v8  }
0x3d: {  	v3 =	vmul.u32 $0x9C40, v3;
	v2 =	vadd.f32 v4, v2  }
0x3e: {  	v4 =	vadd.f32 v4, v7;
	v5 =	vadd.f32 v5, v6;
	v9 =	vmax.f32 v8, $0.0e+00  }
0x3f: {  	v10 =	vmax.f32 v2, $0.0e+00;
	vm14 =	vge.f32 v8, $-1.000000000e+00;
	vm1 =	vle.f32 v8, $2.000000000e+02  }
0x40: {  	vm0 =	vle.f32 v2, $2.000000000e+02;
	v18 =	vmax.f32 v4, $0.0e+00;
	vm8 =	vge.f32 v4, $-1.000000000e+00  }
0x41: {  	vm11 =	vle.f32 v4, $2.000000000e+02;
	vm12 =	vge.f32 v5, $-1.000000000e+00;
	vm13 =	vle.f32 v5, $2.000000000e+02  }
0x42: {  	v9 =	vmin.f32 v9, $2.000000000e+02;
	v10 =	vmin.f32 v10, $2.000000000e+02;
	vm3 =	vmand vm14, vm1  }
0x43: {  	vm1 =	vge.f32 v2, $-1.000000000e+00;
	v2 =	vimm.f32 $0.0e+00;
	v18 =	vmin.f32 v18, $2.000000000e+02  }
0x44: {  	v11 =	vtrunc.f32 v9;
	vm2 =	vmand vm1, vm3;
	v22 =	vtrunc.f32 v18  }
0x45: {  	vm10 =	vmand vm8, vm3;
	v8 =	vcvt.f32.s32 v11;
	v11 =	vtrunc.f32 v10  }
0x46: {  	vm4 =	vmand vm0, vm2;
	v22 =	vcvt.f32.s32 v22;
	v11 =	vcvt.f32.s32 v11  }
0x47: {  	v7 =	vsel vm4, $0x3E800000, v2;
	vm4 =	vmand vm12, vm13;
	v12 =	vcvt.s32.f32 v8  }
0x48: {  	vm15 =	vgt.s32 v8, $0xC6;
	v26 =	vcvt.s32.f32 v22;
	vm9 =	vgt.s32 v22, $0xC6  }
0x49: {  	vm1 =	vmand vm1, vm4;
	v13 =	vcvt.s32.f32 v11;
	vm5 =	vgt.s32 v11, $0xC6  }
0x4a: {  	v9 =	vsel vm15, $0x43470000, v9;
	v18 =	vsel vm9, $0x43470000, v18;
	v8 =	vsel vm15, $0x43470000, v12  }
0x4b: {  	v12 =	vadd.f32 $1.000000000e+00, v12;
	v10 =	vsel vm5, $0x43470000, v10;
	v4 =	vsel vm9, $0x43470000, v26  }
0x4c: {  	v22 =	vadd.f32 $1.000000000e+00, v26;
	v9 =	vsub.f32 v9, v8;
	v8 =	vtrunc.f32 v8  }
0x4d: {  	v11 =	vsel vm5, $0x43470000, v13;
	v13 =	vadd.f32 $1.000000000e+00, v13;
	v8 =	vcvt.f32.s32 v8  }
0x4e: {  	v10 =	vsub.f32 v10, v11;
	v12 =	vtrunc.f32 v12;
	v11 =	vtrunc.f32 v11  }
0x4f: {  	v14 =	vsub.f32 $1.000000000e+00, v9;
	v13 =	vtrunc.f32 v13;
	v12 =	vcvt.f32.s32 v12  }
0x50: {  	v11 =	vcvt.f32.s32 v11;
	v8 =	vmul.u32 $0xC8, v8;
	v15 =	vsub.f32 $1.000000000e+00, v10  }
0x51: {  	v13 =	vcvt.f32.s32 v13;
	v25 =	vmul.f32 v9, v10;
	v12 =	vmul.u32 $0xC8, v12  }
0x52: {  	v20 =	vmul.f32 v14, v10;
	v8 =	vadd.s32 v3, v8;
	v19 =	vmul.f32 v14, v15  }
0x53: {  	v13 =	vsel vm5, $0xC7, v13;
	v21 =	vmul.f32 v15, v9;
	v6 =	vmul.f32 v25, v7  }
0x54: {  	vm5 =	vmand vm11, vm10;
	v16 =	vadd.s32 v11, v8;
	v12 =	vsel vm15, $0x9B78, v12  }
0x55: {  	v17 =	vadd.s32 v13, v8;
	v20 =	vmul.f32 v20, v7;
	v12 =	vadd.s32 v3, v12  }
0x56: {  	v19 =	vmul.f32 v19, v7;
	v21 =	vmul.f32 v21, v7;
	v7 =	vsub.f32 v18, v4;
	[tilespmem:$0x1F88] =	vst v16  }
0x57: {  	v4 =	vtrunc.f32 v4;
	v16 =	vtrunc.f32 v22;
	v18 =	vmax.f32 v5, $0.0e+00;
	[tilespmem:$0x1F98] =	vst v17  }
0x58: {  	[tilespmem:$0x60B8] =	vst v6;
	v23 =	vadd.s32 v11, v12;
	v4 =	vcvt.f32.s32 v4;
	v18 =	vmin.f32 v18, $2.000000000e+02  }
0x59: {  	v24 =	vadd.s32 v13, v12;
	v16 =	vcvt.f32.s32 v16;
	[tilespmem:$0x6098] =	vst v20;
	v22 =	vtrunc.f32 v18  }
0x5a: {  	[tilespmem:$0x6088] =	vst v19;
	v17 =	vsub.f32 $1.000000000e+00, v7;
	v19 =	vsel vm5, $0x3E800000, v2;
	v22 =	vcvt.f32.s32 v22  }
0x5b: {  	[tilespmem:$0x1FA8] =	vst v23;
	v16 =	vsel vm9, $0xC7, v16;
	v20 =	vadd.s32 v4, v8;
	v23 =	vadd.s32 v4, v12  }
0x5c: {  	[tilespmem:$0x60A8] =	vst v21;
	v8 =	vadd.s32 v16, v8;
	v25 =	vmul.f32 v14, v17;
	v5 =	vcvt.s32.f32 v22  }
0x5d: {  	[tilespmem:$0x1FB8] =	vst v24;
	v14 =	vmul.f32 v14, v7;
	vm14 =	vgt.s32 v22, $0xC6;
	v22 =	vmul.f32 v17, v9  }
0x5e: {  	[tilespmem:$0x1FC8] =	vst v20;
	v9 =	vmul.f32 v9, v7;
	v6 =	vmul.f32 v25, v19;
	v21 =	vsel vm14, $0x43470000, v5  }
0x5f: {  	[tilespmem:$0x1FE8] =	vst v23;
	v18 =	vsel vm14, $0x43470000, v18;
	v5 =	vadd.f32 $1.000000000e+00, v5;
	v20 =	vtrunc.f32 v21  }
0x60: {  	v14 =	vmul.f32 v14, v19;
	[tilespmem:$0x60C8] =	vst v6;
	v6 =	vsub.f32 v18, v21;
	v18 =	vcvt.f32.s32 v20  }
0x61: {  	v12 =	vadd.s32 v16, v12;
	[tilespmem:$0x1FD8] =	vst v8;
	v9 =	vmul.f32 v9, v19;
	v5 =	vtrunc.f32 v5  }
0x62: {  	[tilespmem:$0x60D8] =	vst v14;
	v8 =	vsub.f32 $1.000000000e+00, v6;
	v5 =	vcvt.f32.s32 v5;
	v14 =	vmul.u32 $0xC8, v18  }
0x63: {  	vm0 =	vmand vm0, vm1;
	[tilespmem:$0x1FF8] =	vst v12;
	v20 =	vmul.f32 v22, v19  }
0x64: {  	[tilespmem:$0x60F8] =	vst v9;
	v18 =	vmul.f32 v8, v15;
	v5 =	vmul.u32 $0xC8, v5;
	v14 =	vadd.s32 v3, v14  }
0x65: {  	v12 =	vsel vm0, $0x3E800000, v2;
	[tilespmem:$0x60E8] =	vst v20;
	v19 =	vadd.s32 v11, v14  }
0x66: {  	v9 =	vmul.f32 v18, v12;
	v20 =	vadd.s32 v13, v14;
	v5 =	vsel vm14, $0x9B78, v5;
	[tilespmem:$0x2008] =	vst v19  }
0x67: {  	v18 =	vmul.f32 v8, v10;
	v3 =	vadd.s32 v3, v5;
	[tilespmem:$0x2018] =	vst v20  }
0x68: {  	v15 =	vmul.f32 v15, v6;
	[tilespmem:$0x6108] =	vst v9;
	v5 =	vadd.s32 v11, v3  }
0x69: {  	v10 =	vmul.f32 v6, v10;
	v18 =	vmul.f32 v18, v12;
	v11 =	vadd.s32 v13, v3;
	[tilespmem:$0x2028] =	vst v5  }
0x6a: {  	v9 =	vmul.f32 v15, v12;
	[tilespmem:$0x2038] =	vst v11  }
0x6b: {  	v5 =	vmul.f32 v10, v12;
	[tilespmem:$0x6118] =	vst v18  }
0x6c: {  	vm15 =	vmand vm8, vm4;
	[tilespmem:$0x6128] =	vst v9  }
0x6d: {  	vm0 =	vmand vm11, vm15;
	[tilespmem:$0x6138] =	vst v5;
	v5 =	vadd.s32 v4, v14  }
0x6e: {  	v10 =	vsel vm0, $0x3E800000, v2;
	v9 =	vmul.f32 v8, v17;
	v4 =	vadd.s32 v4, v3;
	[tilespmem:$0x2048] =	vst v5  }
0x6f: {  	v11 =	vmul.f32 v17, v6;
	v8 =	vmul.f32 v8, v7;
	v3 =	vadd.s32 v16, v3;
	[tilespmem:$0x2068] =	vst v4  }
0x70: {  	v6 =	vmul.f32 v6, v7;
	v9 =	vmul.f32 v9, v10;
	v5 =	vadd.s32 v16, v14;
	[tilespmem:$0x2078] =	vst v3  }
0x71: {  	v8 =	vmul.f32 v8, v10;
	[tilespmem:$0x2058] =	vst v5  }
0x72: {  	v4 =	vmul.f32 v6, v10;
	[tilespmem:$0x6148] =	vst v9  }
0x73: {  	v5 =	vmul.f32 v11, v10;
	[tilespmem:$0x6158] =	vst v8  }
0x74: {  	[tilespmem:$0x6178] =	vst v4  }
0x75: {  	[tilespmem:$0x6168] =	vst v5  }
0x76: {  	[tilespmem:s15], [sflag:$0x1] =	stream.indirect.gather [hbm4b:s5+s13], $0x40, s14, s13, $0xb8;
	[tilespmem:$0x6588] =	vst v63  }
0x77: {  	_ = 	snop  }
0x78: {  	[tilespmem:s17], [sflag:$0x1] =	stream.indirect.gather [hbm4b:s5+s13], $0x40, s16, s13, $0xb8;
	[tilespmem:$0x6588] =	vst v63  }
0x79: {  	v3 =	vmov s23;
	_ =	swait.ge [sflag:s18], $0x2000  }
0x7a: {  	v3 =	vshll.u32 v3, $0x6;
	[sflag:s18] =	ssyncset.done $0x0  }
0x7b: {  	v3 =	vor.u32 v1, v3;
	[sflag:s18] =	ssyncadd.s32 $0xFFFFE000  }
0x7c: {  	v4 =	vor.u32 $0x1, v3;
	_ =	swait.ge [sflag:s18], $0x2000  }
0x7d: {  	v5 =	vor.u32 $0x2, v3;
	[sflag:s18] =	ssyncset.done $0x0  }
0x7e: {  	s30 =	simm.s32 $0x6088;
	v6 =	vor.u32 $0x4, v3;
	[sflag:s18] =	ssyncadd.s32 $0xFFFFE000  }
0x7f: {  	v8 =	vor.u32 $0x3, v3;
	v17 =	vld [tilespmem:s30+$0x0]  }
0x80: {  	v11 =	vor.u32 $0xB, v3;
	v9 =	vld.idx.msk [tilespmem:v3+s15+$0x0], $0xffff  }
0x81: {  	v12 =	vor.u32 $0x6, v3;
	v4 =	vld.idx.msk [tilespmem:v4+s15+$0x0], $0xffff  }
0x82: {  	v16 =	vor.u32 $0x8, v3;
	v5 =	vld.idx.msk [tilespmem:v5+s15+$0x0], $0xffff  }
0x83: {  	v13 =	vld.idx.msk [tilespmem:v6+s15+$0x0], $0xffff  }
0x84: {  	v7 =	vor.u32 $0x5, v3;
	v10 =	vor.u32 $0xD, v3;
	v14 =	vld.idx.msk [tilespmem:v8+s15+$0x0], $0xffff  }
0x85: {  	v15 =	vor.u32 $0x9, v3;
	v18 =	vor.u32 $0xF, v3;
	v19 =	vor.u32 $0xC, v3;
	v11 =	vld.idx.msk [tilespmem:v11+s15+$0x0], $0xffff  }
0x86: {  	v20 =	vor.u32 $0xE, v3;
	v6 =	vor.u32 $0xA, v3;
	v12 =	vld.idx.msk [tilespmem:v12+s15+$0x0], $0xffff;
	v3 =	vor.u32 $0x7, v3  }
0x87: {  	v27 =	vld.idx.msk [tilespmem:v16+s15+$0x0], $0xffff;
	_ =	sdelay $0x1  }
0x88: {  	v7 =	vld.idx.msk [tilespmem:v7+s15+$0x0], $0xffff;
	v8 =	vmul.f32 v9, v17  }
0x89: {  	s31 =	simm.s32 $0x10;
	v4 =	vmul.f32 v4, v17;
	v5 =	vmul.f32 v5, v17  }
0x8a: {  	v9 =	vmov s31;
	v14 =	vmul.f32 v14, v17;
	v32 =	vld.idx.msk [tilespmem:v3+s15+$0x0], $0xffff;
	v3 =	vmul.f32 v11, v17  }
0x8b: {  	v10 =	vld.idx.msk [tilespmem:v10+s15+$0x0], $0xffff;
	v34 =	vmul.f32 v12, v17;
	v40 =	vmul.f32 v27, v17;
	v28 =	vadd.f32 v8, v2  }
0x8c: {  	v9 =	vshll.u32 v9, $0x6;
	v8 =	vadd.f32 v4, v2;
	v4 =	vld.idx.msk [tilespmem:v6+s15+$0x0], $0xffff;
	v6 =	vadd.f32 v5, v2  }
0x8d: {  	v5 =	vmul.f32 v13, v17;
	v13 =	vld.idx.msk [tilespmem:v15+s15+$0x0], $0xffff;
	v15 =	vmul.f32 v7, v17;
	v30 =	vor.u32 v1, v9  }
0x8e: {  	v12 =	vld.idx.msk [tilespmem:v19+s15+$0x0], $0xffff;
	v9 =	vadd.f32 v14, v2;
	v11 =	vadd.f32 v3, v2;
	v21 =	vor.u32 $0x1, v30  }
0x8f: {  	v18 =	vld.idx.msk [tilespmem:v18+s15+$0x0], $0xffff;
	v22 =	vor.u32 $0x2, v30;
	v29 =	vor.u32 $0x3, v30;
	v25 =	vor.u32 $0x4, v30  }
0x90: {  	s23 =	simm.s32 $0x6098;
	v14 =	vld.idx.msk [tilespmem:v20+s15+$0x0], $0xffff;
	v26 =	vor.u32 $0x5, v30;
	v35 =	vor.u32 $0x6, v30;
	v20 =	vor.u32 $0x8, v30  }
0x91: {  	v24 =	vor.u32 $0xA, v30;
	v7 =	vadd.f32 v5, v2;
	v5 =	vmul.f32 v10, v17;
	v10 =	vld [tilespmem:s23+$0x0]  }
0x92: {  	v16 =	vor.u32 $0xC, v30;
	v33 =	vor.u32 $0xD, v30;
	v23 =	vor.u32 $0xF, v30;
	v19 =	vld.idx.msk [tilespmem:v30+s15+$0x0], $0xffff  }
0x93: {  	v39 =	vor.u32 $0xB, v30;
	v31 =	vor.u32 $0x9, v30;
	v12 =	vmul.f32 v12, v17;
	v37 =	vld.idx.msk [tilespmem:v21+s15+$0x0], $0xffff  }
0x94: {  	v15 =	vadd.f32 v15, v2;
	v13 =	vmul.f32 v13, v17;
	v36 =	vmul.f32 v4, v17;
	v38 =	vld.idx.msk [tilespmem:v22+s15+$0x0], $0xffff  }
0x95: {  	v5 =	vadd.f32 v5, v2;
	v3 =	vmul.f32 v14, v17;
	v4 =	vmul.f32 v18, v17;
	v25 =	vld.idx.msk [tilespmem:v25+s15+$0x0], $0xffff  }
0x96: {  	v12 =	vadd.f32 v12, v2;
	v18 =	vadd.f32 v34, v2;
	v34 =	vmul.f32 v32, v17;
	v26 =	vld.idx.msk [tilespmem:v26+s15+$0x0], $0xffff  }
0x97: {  	v17 =	vadd.f32 v40, v2;
	v21 =	vor.u32 $0xE, v30;
	v22 =	vor.u32 $0x7, v30;
	v29 =	vld.idx.msk [tilespmem:v29+s15+$0x0], $0xffff  }
0x98: {  	v30 =	vld.idx.msk [tilespmem:v33+s15+$0x0], $0xffff;
	v13 =	vadd.f32 v13, v2;
	v3 =	vadd.f32 v3, v2;
	v19 =	vmul.f32 v19, v10  }
0x99: {  	v27 =	vld.idx.msk [tilespmem:v39+s15+$0x0], $0xffff;
	v4 =	vadd.f32 v4, v2;
	v14 =	vadd.f32 v36, v2  }
0x9a: {  	s24 =	simm.s32 $0x20;
	v33 =	vmul.f32 v37, v10;
	v32 =	vmul.f32 v38, v10;
	v19 =	vadd.f32 v19, v28;
	v28 =	vld.idx.msk [tilespmem:v35+s15+$0x0], $0xffff  }
.LBB2_3:
0x9b: {  	p0 =	sne.s32 s24, $0xF0  }
0x9c: {  	v8 =	vadd.f32 v33, v8;
	v33 =	vld.idx.msk [tilespmem:v24+s15+$0x0], $0xffff;
	s23 =	sadd.s32 $0x10, s23;
	v2 =	vadd.f32 v34, v2;
	v34 =	vmov v10;
	s25 =	smov.u32 s24;
	s24 =	sadd.s32 $0x10, s24  }
0x9d: {  	v10 =	vmov s25;
	v6 =	vadd.f32 v32, v6;
	v24 =	vmul.f32 v25, v34;
	v25 =	vld.idx.msk [tilespmem:v31+s15+$0x0], $0xffff  }
0x9e: {  	v29 =	vmul.f32 v29, v34;
	v26 =	vmul.f32 v26, v34;
	v10 =	vshll.u32 v10, $0x6;
	v32 =	vld.idx.msk [tilespmem:v20+s15+$0x0], $0xffff  }
0x9f: {  	v30 =	vmul.f32 v30, v34;
	v31 =	vor.u32 v1, v10;
	v7 =	vadd.f32 v24, v7;
	v35 =	vld.idx.msk [tilespmem:v23+s15+$0x0], $0xffff  }
0xa0: {  	v9 =	vadd.f32 v29, v9;
	v23 =	vor.u32 $0x1, v31;
	v36 =	vor.u32 $0x2, v31;
	v29 =	vld.idx.msk [tilespmem:v21+s15+$0x0], $0xffff  }
0xa1: {  	v37 =	vor.u32 $0x3, v31;
	v38 =	vor.u32 $0x4, v31;
	v39 =	vld.idx.msk [tilespmem:v22+s15+$0x0], $0xffff;
	v22 =	vmul.f32 v27, v34  }
0xa2: {  	v40 =	vor.u32 $0x6, v31;
	v28 =	vmul.f32 v28, v34;
	v27 =	vor.u32 $0x5, v31;
	v41 =	vld.idx.msk [tilespmem:v16+s15+$0x0], $0xffff  }
0xa3: {  	v20 =	vor.u32 $0x8, v31;
	v24 =	vor.u32 $0xA, v31;
	v42 =	vmul.f32 v25, v34;
	v10 =	vld [tilespmem:s23+$0x0]  }
0xa4: {  	v44 =	vor.u32 $0xD, v31;
	v33 =	vmul.f32 v33, v34;
	v16 =	vor.u32 $0xC, v31;
	v43 =	vld.idx.msk [tilespmem:v31+s15+$0x0], $0xffff  }
0xa5: {  	v15 =	vadd.f32 v26, v15;
	v21 =	vor.u32 $0xE, v31;
	v45 =	vld.idx.msk [tilespmem:v23+s15+$0x0], $0xffff;
	v23 =	vor.u32 $0xF, v31  }
0xa6: {  	v46 =	vor.u32 $0xB, v31;
	v11 =	vadd.f32 v22, v11;
	v29 =	vmul.f32 v29, v34;
	v36 =	vld.idx.msk [tilespmem:v36+s15+$0x0], $0xffff  }
0xa7: {  	v5 =	vadd.f32 v30, v5;
	v22 =	vor.u32 $0x7, v31;
	v30 =	vmul.f32 v35, v34;
	v25 =	vld.idx.msk [tilespmem:v38+s15+$0x0], $0xffff  }
.Ltmp0:
0xa8: {  	v13 =	vadd.f32 v42, v13;
	v3 =	vadd.f32 v29, v3;
	v26 =	vld.idx.msk [tilespmem:v27+s15+$0x0], $0xffff;
	v27 =	vmul.f32 v41, v34;
	(pc) =	sbr.rel @p0 .LBB2_3-.Ltmp0, $4  }
0xa9: {  	v35 =	vmul.f32 v32, v34;
	v31 =	vor.u32 $0x9, v31;
	v4 =	vadd.f32 v30, v4;
	v29 =	vld.idx.msk [tilespmem:v37+s15+$0x0], $0xffff  }
0xaa: {  	v14 =	vadd.f32 v33, v14;
	v32 =	vmul.f32 v43, v10;
	v30 =	vld.idx.msk [tilespmem:v44+s15+$0x0], $0xffff;
	v12 =	vadd.f32 v27, v12  }
0xab: {  	v18 =	vadd.f32 v28, v18;
	v34 =	vmul.f32 v39, v34;
	v33 =	vmul.f32 v45, v10;
	v27 =	vld.idx.msk [tilespmem:v46+s15+$0x0], $0xffff  }
0xac: {  	v17 =	vadd.f32 v35, v17;
	v19 =	vadd.f32 v32, v19;
	v32 =	vmul.f32 v36, v10;
	v28 =	vld.idx.msk [tilespmem:v40+s15+$0x0], $0xffff  }
0xad: {  	_ =	sdelay $0x3  }
0xae: {  	v24 =	vld.idx.msk [tilespmem:v24+s15+$0x0], $0xffff  }
0xaf: {  	v31 =	vld.idx.msk [tilespmem:v31+s15+$0x0], $0xffff  }
0xb0: {  	v20 =	vld.idx.msk [tilespmem:v20+s15+$0x0], $0xffff  }
0xb1: {  	v23 =	vld.idx.msk [tilespmem:v23+s15+$0x0], $0xffff;
	v35 =	vor.u32 $0x1, v1  }
0xb2: {  	v8 =	vadd.f32 v33, v8;
	v2 =	vadd.f32 v34, v2;
	v21 =	vld.idx.msk [tilespmem:v21+s15+$0x0], $0xffff;
	v59 =	vor.u32 $0x2, v1  }
0xb3: {  	v25 =	vmul.f32 v25, v10;
	v22 =	vld.idx.msk [tilespmem:v22+s15+$0x0], $0xffff;
	v60 =	vor.u32 $0x3, v1;
	v26 =	vmul.f32 v26, v10  }
0xb4: {  	v16 =	vld.idx.msk [tilespmem:v16+s15+$0x0], $0xffff;
	v61 =	vor.u32 $0x4, v1;
	v6 =	vadd.f32 v32, v6;
	v29 =	vmul.f32 v29, v10  }
0xb5: {  	[tilespmem:v1+s19+$0x0] =	vst.idx.msk $0xffff, v19;
	v19 =	vor.u32 $0x5, v1;
	v7 =	vadd.f32 v25, v7;
	v25 =	vmul.f32 v30, v10  }
0xb6: {  	v15 =	vadd.f32 v26, v15;
	v9 =	vadd.f32 v29, v9;
	[tilespmem:v35+s19+$0x0] =	vst.idx.msk $0xffff, v8;
	v8 =	vor.u32 $0x6, v1  }
0xb7: {  	v27 =	vmul.f32 v27, v10;
	v28 =	vmul.f32 v28, v10;
	[tilespmem:v59+s19+$0x0] =	vst.idx.msk $0xffff, v6;
	v6 =	vor.u32 $0x7, v1  }
0xb8: {  	v5 =	vadd.f32 v25, v5;
	v22 =	vmul.f32 v22, v10;
	[tilespmem:v60+s19+$0x0] =	vst.idx.msk $0xffff, v9;
	v9 =	vor.u32 $0x8, v1  }
0xb9: {  	v20 =	vmul.f32 v20, v10;
	v18 =	vadd.f32 v28, v18;
	[tilespmem:v61+s19+$0x0] =	vst.idx.msk $0xffff, v7;
	v7 =	vor.u32 $0x9, v1  }
0xba: {  	v29 =	vmul.f32 v31, v10;
	v2 =	vadd.f32 v22, v2;
	[tilespmem:v19+s19+$0x0] =	vst.idx.msk $0xffff, v15;
	v15 =	vor.u32 $0xA, v1  }
0xbb: {  	v24 =	vmul.f32 v24, v10;
	v17 =	vadd.f32 v20, v17;
	[tilespmem:v8+s19+$0x0] =	vst.idx.msk $0xffff, v18;
	v8 =	vor.u32 $0xB, v1  }
0xbc: {  	v11 =	vadd.f32 v27, v11;
	v13 =	vadd.f32 v29, v13;
	[tilespmem:v6+s19+$0x0] =	vst.idx.msk $0xffff, v2;
	v2 =	vor.u32 $0xC, v1  }
0xbd: {  	s23 =	simm.s32 $0x0;
	v14 =	vadd.f32 v24, v14;
	v6 =	vmul.f32 v16, v10;
	[tilespmem:v9+s19+$0x0] =	vst.idx.msk $0xffff, v17;
	v9 =	vor.u32 $0xD, v1  }
0xbe: {  	v18 =	vmul.f32 v21, v10;
	[tilespmem:v7+s19+$0x0] =	vst.idx.msk $0xffff, v13;
	v7 =	vor.u32 $0xE, v1;
	v13 =	vmov s23  }
0xbf: {  	v6 =	vadd.f32 v6, v12;
	v12 =	vor.u32 $0xF, v1;
	[tilespmem:v15+s19+$0x0] =	vst.idx.msk $0xffff, v14;
	v13 =	vshll.u32 v13, $0x6  }
0xc0: {  	v10 =	vmul.f32 v23, v10;
	[tilespmem:v8+s19+$0x0] =	vst.idx.msk $0xffff, v11;
	v8 =	vor.u32 v1, v13  }
0xc1: {  	v3 =	vadd.f32 v18, v3;
	[tilespmem:v2+s19+$0x0] =	vst.idx.msk $0xffff, v6;
	v2 =	vor.u32 $0x10, v8  }
0xc2: {  	v4 =	vadd.f32 v10, v4;
	v6 =	vor.u32 $0x14, v8;
	[tilespmem:v9+s19+$0x0] =	vst.idx.msk $0xffff, v5  }
0xc3: {  	v10 =	vor.u32 $0x19, v8;
	[tilespmem:v7+s19+$0x0] =	vst.idx.msk $0xffff, v3  }
0xc4: {  	s30 =	simm.s32 $0x6088;
	v17 =	vor.u32 $0x1B, v8;
	[tilespmem:v12+s19+$0x0] =	vst.idx.msk $0xffff, v4  }
0xc5: {  	v13 =	vor.u32 $0x1A, v8;
	v16 =	vor.u32 $0x1F, v8;
	v19 =	vor.u32 $0x1D, v8;
	v21 =	vld [tilespmem:s30+$0x0]  }
0xc6: {  	v18 =	vor.u32 $0x16, v8;
	v20 =	vor.u32 $0x18, v8;
	v22 =	vor.u32 $0x1E, v8;
	v2 =	vld.idx.msk [tilespmem:v2+s15+$0x0], $0xffff  }
0xc7: {  	v5 =	vor.u32 $0x11, v8;
	v9 =	vor.u32 $0x13, v8;
	v3 =	vor.u32 $0x15, v8;
	v14 =	vld.idx.msk [tilespmem:v6+s15+$0x0], $0xffff  }
0xc8: {  	v7 =	vor.u32 $0x1C, v8;
	v4 =	vor.u32 $0x12, v8;
	v12 =	vor.u32 $0x17, v8;
	v8 =	vld.idx.msk [tilespmem:v10+s15+$0x0], $0xffff  }
0xc9: {  	v28 =	vld.idx.msk [tilespmem:v17+s15+$0x0], $0xffff  }
0xca: {  	v37 =	vld.idx.msk [tilespmem:v19+s15+$0x0], $0xffff  }
0xcb: {  	v34 =	vld.idx.msk [tilespmem:v22+s15+$0x0], $0xffff  }
0xcc: {  	v5 =	vld.idx.msk [tilespmem:v5+s15+$0x0], $0xffff  }
0xcd: {  	v11 =	vld.idx.msk [tilespmem:v3+s15+$0x0], $0xffff  }
0xce: {  	v9 =	vld.idx.msk [tilespmem:v9+s15+$0x0], $0xffff  }
0xcf: {  	s31 =	simm.s32 $0x10;
	v3 =	vimm.f32 $0.0e+00;
	v15 =	vld.idx.msk [tilespmem:v7+s15+$0x0], $0xffff;
	v2 =	vmul.f32 v2, v21  }
0xd0: {  	v7 =	vmov s31;
	v4 =	vld.idx.msk [tilespmem:v4+s15+$0x0], $0xffff;
	v62 =	vmul.f32 v8, v21;
	v36 =	vmul.f32 v28, v21  }
0xd1: {  	v34 =	vmul.f32 v34, v21;
	v33 =	vmul.f32 v37, v21;
	v6 =	vadd.f32 v2, v3;
	v2 =	vld.idx.msk [tilespmem:v12+s15+$0x0], $0xffff  }
0xd2: {  	v5 =	vmul.f32 v5, v21;
	v10 =	vmul.f32 v11, v21;
	v11 =	vld.idx.msk [tilespmem:v13+s15+$0x0], $0xffff;
	v12 =	vshll.u32 v7, $0x6  }
0xd3: {  	v9 =	vmul.f32 v9, v21;
	v13 =	vmul.f32 v14, v21;
	v14 =	vld.idx.msk [tilespmem:v16+s15+$0x0], $0xffff;
	v16 =	vor.u32 v1, v12  }
0xd4: {  	v7 =	vadd.f32 v5, v3;
	v5 =	vmul.f32 v15, v21;
	v15 =	vor.u32 $0x10, v16  }
0xd5: {  	v4 =	vmul.f32 v4, v21;
	v8 =	vadd.f32 v9, v3;
	v26 =	vor.u32 $0x11, v16  }
0xd6: {  	v25 =	vld.idx.msk [tilespmem:v18+s15+$0x0], $0xffff;
	v27 =	vor.u32 $0x12, v16;
	v29 =	vor.u32 $0x13, v16;
	v17 =	vor.u32 $0x15, v16  }
0xd7: {  	s23 =	simm.s32 $0x6098;
	v32 =	vld.idx.msk [tilespmem:v20+s15+$0x0], $0xffff;
	v31 =	vor.u32 $0x14, v16;
	v23 =	vor.u32 $0x17, v16;
	v38 =	vor.u32 $0x19, v16  }
0xd8: {  	v12 =	vld [tilespmem:s23+$0x0];
	v20 =	vor.u32 $0x1B, v16;
	v18 =	vor.u32 $0x1D, v16;
	v9 =	vadd.f32 v10, v3  }
0xd9: {  	v24 =	vor.u32 $0x1A, v16;
	v10 =	vor.u32 $0x1C, v16;
	v19 =	vor.u32 $0x18, v16;
	v15 =	vld.idx.msk [tilespmem:v15+s15+$0x0], $0xffff  }
0xda: {  	v22 =	vor.u32 $0x1E, v16;
	v63 =	vmul.f32 v2, v21;
	v2 =	vmul.f32 v14, v21;
	v39 =	vld.idx.msk [tilespmem:v26+s15+$0x0], $0xffff  }
0xdb: {  	v4 =	vadd.f32 v4, v3;
	v5 =	vadd.f32 v5, v3;
	v14 =	vmul.f32 v25, v21;
	v30 =	vld.idx.msk [tilespmem:v17+s15+$0x0], $0xffff  }
0xdc: {  	v11 =	vmul.f32 v11, v21;
	v17 =	vadd.f32 v13, v3;
	v27 =	vld.idx.msk [tilespmem:v27+s15+$0x0], $0xffff;
	v2 =	vadd.f32 v2, v3  }
0xdd: {  	v25 =	vor.u32 $0x16, v16;
	v14 =	vadd.f32 v14, v3;
	v28 =	vld.idx.msk [tilespmem:v31+s15+$0x0], $0xffff;
	v13 =	vadd.f32 v63, v3  }
0xde: {  	v31 =	vmul.f32 v32, v21;
	v32 =	vor.u32 $0x1F, v16;
	v26 =	vld.idx.msk [tilespmem:v10+s15+$0x0], $0xffff;
	v10 =	vadd.f32 v36, v3  }
0xdf: {  	v29 =	vld.idx.msk [tilespmem:v29+s15+$0x0], $0xffff;
	v11 =	vadd.f32 v11, v3;
	v16 =	vadd.f32 v62, v3;
	v36 =	vmul.f32 v15, v12  }
0xe0: {  	s24 =	simm.s32 $0x20;
	v21 =	vimm.f32 $0.0e+00;
	v15 =	vadd.f32 v31, v3;
	v35 =	vmul.f32 v39, v12;
	v31 =	vld.idx.msk [tilespmem:v38+s15+$0x0], $0xffff  }
.LBB2_5:
0xe1: {  	p0 =	sne.s32 s24, $0xF0;
	v6 =	vadd.f32 v36, v6  }
0xe2: {  	v30 =	vmul.f32 v30, v12;
	v36 =	vld.idx.msk [tilespmem:v23+s15+$0x0], $0xffff;
	s23 =	sadd.s32 $0x10, s23;
	v3 =	vadd.f32 v34, v3;
	v37 =	vmov v12;
	s25 =	smov.u32 s24;
	s24 =	sadd.s32 $0x10, s24  }
0xe3: {  	v12 =	vmov s25;
	v7 =	vadd.f32 v35, v7;
	v23 =	vmul.f32 v27, v37;
	v24 =	vld.idx.msk [tilespmem:v24+s15+$0x0], $0xffff  }
0xe4: {  	v27 =	vmul.f32 v28, v37;
	v21 =	vadd.f32 v33, v21;
	v12 =	vshll.u32 v12, $0x6;
	v28 =	vld.idx.msk [tilespmem:v32+s15+$0x0], $0xffff  }
0xe5: {  	v32 =	vor.u32 v1, v12;
	v4 =	vadd.f32 v23, v4;
	v33 =	vld.idx.msk [tilespmem:v25+s15+$0x0], $0xffff;
	v25 =	vmul.f32 v26, v37  }
0xe6: {  	v12 =	vmul.f32 v29, v37;
	v26 =	vor.u32 $0x10, v32;
	v34 =	vor.u32 $0x11, v32;
	v29 =	vld.idx.msk [tilespmem:v20+s15+$0x0], $0xffff  }
0xe7: {  	v35 =	vor.u32 $0x12, v32;
	v38 =	vor.u32 $0x13, v32;
	v39 =	vmul.f32 v31, v37;
	v40 =	vld.idx.msk [tilespmem:v18+s15+$0x0], $0xffff  }
0xe8: {  	v31 =	vor.u32 $0x14, v32;
	v41 =	vor.u32 $0x15, v32;
	v8 =	vadd.f32 v12, v8;
	v42 =	vld.idx.msk [tilespmem:v22+s15+$0x0], $0xffff  }
0xe9: {  	v23 =	vor.u32 $0x17, v32;
	v43 =	vor.u32 $0x19, v32;
	v45 =	vmul.f32 v24, v37;
	v44 =	vld.idx.msk [tilespmem:v19+s15+$0x0], $0xffff  }
0xea: {  	v9 =	vadd.f32 v30, v9;
	v20 =	vor.u32 $0x1B, v32;
	v18 =	vor.u32 $0x1D, v32;
	v12 =	vld [tilespmem:s23+$0x0]  }
0xeb: {  	v5 =	vadd.f32 v25, v5;
	v24 =	vor.u32 $0x1A, v32;
	v46 =	vld.idx.msk [tilespmem:v26+s15+$0x0], $0xffff;
	v26 =	vor.u32 $0x1C, v32  }
0xec: {  	v19 =	vor.u32 $0x18, v32;
	v28 =	vmul.f32 v28, v37;
	v47 =	vld.idx.msk [tilespmem:v34+s15+$0x0], $0xffff;
	v34 =	vmul.f32 v36, v37  }
0xed: {  	v17 =	vadd.f32 v27, v17;
	v25 =	vor.u32 $0x16, v32;
	v33 =	vmul.f32 v33, v37;
	v30 =	vld.idx.msk [tilespmem:v41+s15+$0x0], $0xffff  }
.Ltmp1:
0xee: {  	v22 =	vor.u32 $0x1E, v32;
	v29 =	vmul.f32 v29, v37;
	v2 =	vadd.f32 v28, v2;
	v27 =	vld.idx.msk [tilespmem:v35+s15+$0x0], $0xffff;
	(pc) =	sbr.rel @p0 .LBB2_5-.Ltmp1, $4  }
0xef: {  	v14 =	vadd.f32 v33, v14;
	v13 =	vadd.f32 v34, v13;
	v28 =	vld.idx.msk [tilespmem:v31+s15+$0x0], $0xffff;
	v31 =	vmul.f32 v44, v37  }
0xf0: {  	v32 =	vor.u32 $0x1F, v32;
	v10 =	vadd.f32 v29, v10;
	v34 =	vmul.f32 v42, v37;
	v26 =	vld.idx.msk [tilespmem:v26+s15+$0x0], $0xffff  }
0xf1: {  	v11 =	vadd.f32 v45, v11;
	v36 =	vmul.f32 v46, v12;
	v29 =	vld.idx.msk [tilespmem:v38+s15+$0x0], $0xffff;
	v15 =	vadd.f32 v31, v15  }
0xf2: {  	v16 =	vadd.f32 v39, v16;
	v33 =	vmul.f32 v40, v37;
	v35 =	vmul.f32 v47, v12;
	v31 =	vld.idx.msk [tilespmem:v43+s15+$0x0], $0xffff  }
0xf3: {  	_ =	sdelay $0x3  }
0xf4: {  	v23 =	vld.idx.msk [tilespmem:v23+s15+$0x0], $0xffff  }
0xf5: {  	v24 =	vld.idx.msk [tilespmem:v24+s15+$0x0], $0xffff  }
0xf6: {  	v32 =	vld.idx.msk [tilespmem:v32+s15+$0x0], $0xffff  }
0xf7: {  	v6 =	vadd.f32 v36, v6;
	v25 =	vld.idx.msk [tilespmem:v25+s15+$0x0], $0xffff;
	v55 =	vor.u32 $0x10, v1  }
0xf8: {  	v30 =	vmul.f32 v30, v12;
	v3 =	vadd.f32 v34, v3;
	v20 =	vld.idx.msk [tilespmem:v20+s15+$0x0], $0xffff;
	v56 =	vor.u32 $0x11, v1  }
0xf9: {  	v27 =	vmul.f32 v27, v12;
	v18 =	vld.idx.msk [tilespmem:v18+s15+$0x0], $0xffff;
	v57 =	vor.u32 $0x12, v1;
	v58 =	vor.u32 $0x13, v1  }
0xfa: {  	v22 =	vld.idx.msk [tilespmem:v22+s15+$0x0], $0xffff;
	v7 =	vadd.f32 v35, v7;
	v28 =	vmul.f32 v28, v12;
	v21 =	vadd.f32 v33, v21  }
0xfb: {  	v19 =	vld.idx.msk [tilespmem:v19+s15+$0x0], $0xffff;
	v4 =	vadd.f32 v27, v4;
	v27 =	vmul.f32 v29, v12;
	v29 =	vor.u32 $0x14, v1  }
0xfc: {  	v26 =	vmul.f32 v26, v12;
	v9 =	vadd.f32 v30, v9;
	[tilespmem:v55+s19+$0x0] =	vst.idx.msk $0xffff, v6;
	v6 =	vor.u32 $0x15, v1  }
0xfd: {  	v17 =	vadd.f32 v28, v17;
	v8 =	vadd.f32 v27, v8;
	[tilespmem:v56+s19+$0x0] =	vst.idx.msk $0xffff, v7;
	v7 =	vor.u32 $0x16, v1  }
0xfe: {  	v31 =	vmul.f32 v31, v12;
	v25 =	vmul.f32 v25, v12;
	[tilespmem:v57+s19+$0x0] =	vst.idx.msk $0xffff, v4;
	v4 =	vor.u32 $0x17, v1  }
0xff: {  	v5 =	vadd.f32 v26, v5;
	v23 =	vmul.f32 v23, v12;
	[tilespmem:v58+s19+$0x0] =	vst.idx.msk $0xffff, v8;
	v8 =	vor.u32 $0x18, v1  }
0x100: {  	v19 =	vmul.f32 v19, v12;
	v14 =	vadd.f32 v25, v14;
	[tilespmem:v29+s19+$0x0] =	vst.idx.msk $0xffff, v17;
	v17 =	vor.u32 $0x19, v1  }
0x101: {  	v24 =	vmul.f32 v24, v12;
	v13 =	vadd.f32 v23, v13;
	[tilespmem:v6+s19+$0x0] =	vst.idx.msk $0xffff, v9;
	v6 =	vor.u32 $0x1A, v1  }
0x102: {  	v15 =	vadd.f32 v19, v15;
	v9 =	vmul.f32 v20, v12;
	[tilespmem:v7+s19+$0x0] =	vst.idx.msk $0xffff, v14;
	v7 =	vor.u32 $0x1B, v1  }
0x103: {  	v16 =	vadd.f32 v31, v16;
	v14 =	vmul.f32 v32, v12;
	[tilespmem:v4+s19+$0x0] =	vst.idx.msk $0xffff, v13;
	v4 =	vor.u32 $0x1C, v1  }
0x104: {  	s23 =	simm.s32 $0x0;
	v9 =	vadd.f32 v9, v10;
	v10 =	vadd.f32 v24, v11;
	[tilespmem:v8+s19+$0x0] =	vst.idx.msk $0xffff, v15;
	v8 =	vor.u32 $0x1D, v1  }
0x105: {  	v11 =	vmul.f32 v18, v12;
	v13 =	vor.u32 $0x1E, v1;
	v15 =	vmov s23;
	[tilespmem:v17+s19+$0x0] =	vst.idx.msk $0xffff, v16  }
0x106: {  	v12 =	vmul.f32 v22, v12;
	[tilespmem:v6+s19+$0x0] =	vst.idx.msk $0xffff, v10;
	v6 =	vor.u32 $0x1F, v1;
	v10 =	vshll.u32 v15, $0x6  }
0x107: {  	v11 =	vadd.f32 v11, v21;
	[tilespmem:v7+s19+$0x0] =	vst.idx.msk $0xffff, v9;
	v7 =	vor.u32 v1, v10  }
0x108: {  	v3 =	vadd.f32 v12, v3;
	[tilespmem:v4+s19+$0x0] =	vst.idx.msk $0xffff, v5;
	v4 =	vor.u32 $0x20, v7  }
0x109: {  	v2 =	vadd.f32 v14, v2;
	v5 =	vor.u32 $0x21, v7;
	[tilespmem:v8+s19+$0x0] =	vst.idx.msk $0xffff, v11  }
0x10a: {  	v9 =	vor.u32 $0x23, v7;
	[tilespmem:v13+s19+$0x0] =	vst.idx.msk $0xffff, v3  }
0x10b: {  	s30 =	simm.s32 $0x6088;
	v10 =	vor.u32 $0x29, v7;
	[tilespmem:v6+s19+$0x0] =	vst.idx.msk $0xffff, v2  }
0x10c: {  	v12 =	vor.u32 $0x27, v7;
	v21 =	vld [tilespmem:s30+$0x0]  }
0x10d: {  	v16 =	vor.u32 $0x2B, v7;
	v4 =	vld.idx.msk [tilespmem:v4+s15+$0x0], $0xffff  }
0x10e: {  	v20 =	vor.u32 $0x2E, v7;
	v5 =	vld.idx.msk [tilespmem:v5+s15+$0x0], $0xffff  }
0x10f: {  	v19 =	vor.u32 $0x28, v7;
	v9 =	vld.idx.msk [tilespmem:v9+s15+$0x0], $0xffff  }
0x110: {  	v2 =	vor.u32 $0x22, v7;
	v10 =	vld.idx.msk [tilespmem:v10+s15+$0x0], $0xffff  }
0x111: {  	v6 =	vor.u32 $0x24, v7;
	v22 =	vld.idx.msk [tilespmem:v12+s15+$0x0], $0xffff  }
0x112: {  	v8 =	vor.u32 $0x2C, v7;
	v16 =	vld.idx.msk [tilespmem:v16+s15+$0x0], $0xffff  }
0x113: {  	v3 =	vor.u32 $0x25, v7;
	v31 =	vld.idx.msk [tilespmem:v20+s15+$0x0], $0xffff  }
0x114: {  	v18 =	vor.u32 $0x2D, v7;
	v60 =	vld.idx.msk [tilespmem:v19+s15+$0x0], $0xffff  }
0x115: {  	v13 =	vor.u32 $0x2A, v7;
	v2 =	vld.idx.msk [tilespmem:v2+s15+$0x0], $0xffff  }
0x116: {  	v15 =	vor.u32 $0x2F, v7;
	v14 =	vld.idx.msk [tilespmem:v6+s15+$0x0], $0xffff  }
0x117: {  	v17 =	vor.u32 $0x26, v7;
	v8 =	vld.idx.msk [tilespmem:v8+s15+$0x0], $0xffff;
	v4 =	vmul.f32 v4, v21;
	v5 =	vmul.f32 v5, v21  }
0x118: {  	s31 =	simm.s32 $0x10;
	v11 =	vld.idx.msk [tilespmem:v3+s15+$0x0], $0xffff;
	v3 =	vimm.f32 $0.0e+00;
	v59 =	vmul.f32 v10, v21;
	v63 =	vmul.f32 v22, v21  }
0x119: {  	v37 =	vld.idx.msk [tilespmem:v18+s15+$0x0], $0xffff;
	v16 =	vmul.f32 v16, v21;
	v6 =	vadd.f32 v4, v3;
	v4 =	vmov s31  }
0x11a: {  	v12 =	vld.idx.msk [tilespmem:v13+s15+$0x0], $0xffff;
	v40 =	vmul.f32 v60, v21;
	v2 =	vmul.f32 v2, v21;
	v4 =	vshll.u32 v4, $0x6  }
0x11b: {  	v34 =	vmul.f32 v31, v21;
	v13 =	vmul.f32 v14, v21;
	v14 =	vld.idx.msk [tilespmem:v15+s15+$0x0], $0xffff;
	v15 =	vor.u32 v1, v4  }
0x11c: {  	v7 =	vadd.f32 v5, v3;
	v4 =	vadd.f32 v2, v3;
	v2 =	vld.idx.msk [tilespmem:v17+s15+$0x0], $0xffff;
	v17 =	vor.u32 $0x20, v15  }
0x11d: {  	v5 =	vmul.f32 v8, v21;
	v8 =	vmul.f32 v9, v21;
	v25 =	vor.u32 $0x21, v15  }
0x11e: {  	v33 =	vmul.f32 v37, v21;
	v11 =	vmul.f32 v11, v21;
	v27 =	vor.u32 $0x25, v15  }
0x11f: {  	s23 =	simm.s32 $0x6098;
	v61 =	vmul.f32 v12, v21;
	v8 =	vadd.f32 v8, v3;
	v26 =	vor.u32 $0x22, v15  }
0x120: {  	v12 =	vld [tilespmem:s23+$0x0];
	v9 =	vadd.f32 v11, v3;
	v5 =	vadd.f32 v5, v3;
	v62 =	vor.u32 $0x2C, v15  }
0x121: {  	v29 =	vor.u32 $0x23, v15;
	v10 =	vor.u32 $0x24, v15;
	v23 =	vor.u32 $0x27, v15;
	v11 =	vld.idx.msk [tilespmem:v17+s15+$0x0], $0xffff  }
0x122: {  	v38 =	vor.u32 $0x29, v15;
	v20 =	vor.u32 $0x2B, v15;
	v18 =	vor.u32 $0x2D, v15;
	v39 =	vld.idx.msk [tilespmem:v25+s15+$0x0], $0xffff  }
0x123: {  	v24 =	vor.u32 $0x2A, v15;
	v19 =	vor.u32 $0x28, v15;
	v14 =	vmul.f32 v14, v21;
	v30 =	vld.idx.msk [tilespmem:v27+s15+$0x0], $0xffff  }
0x124: {  	v22 =	vor.u32 $0x2E, v15;
	v32 =	vor.u32 $0x2F, v15;
	v28 =	vmul.f32 v2, v21;
	v27 =	vld.idx.msk [tilespmem:v26+s15+$0x0], $0xffff  }
0x125: {  	v25 =	vor.u32 $0x26, v15;
	v17 =	vadd.f32 v13, v3;
	v2 =	vadd.f32 v14, v3;
	v26 =	vld.idx.msk [tilespmem:v62+s15+$0x0], $0xffff  }
0x126: {  	v13 =	vadd.f32 v63, v3;
	v29 =	vld.idx.msk [tilespmem:v29+s15+$0x0], $0xffff;
	v15 =	vadd.f32 v40, v3;
	v21 =	vimm.f32 $0.0e+00  }
0x127: {  	v14 =	vadd.f32 v28, v3;
	v28 =	vld.idx.msk [tilespmem:v10+s15+$0x0], $0xffff;
	v10 =	vadd.f32 v16, v3;
	v36 =	vmul.f32 v11, v12  }
0x128: {  	s24 =	simm.s32 $0x20;
	v31 =	vld.idx.msk [tilespmem:v38+s15+$0x0], $0xffff;
	v16 =	vadd.f32 v59, v3;
	v11 =	vadd.f32 v61, v3;
	v35 =	vmul.f32 v39, v12  }
.LBB2_7:
0x129: {  	p0 =	sne.s32 s24, $0xF0;
	v6 =	vadd.f32 v36, v6  }
0x12a: {  	v30 =	vmul.f32 v30, v12;
	v36 =	vld.idx.msk [tilespmem:v23+s15+$0x0], $0xffff;
	s23 =	sadd.s32 $0x10, s23;
	v3 =	vadd.f32 v34, v3;
	v37 =	vmov v12;
	s25 =	smov.u32 s24;
	s24 =	sadd.s32 $0x10, s24  }
0x12b: {  	v12 =	vmov s25;
	v7 =	vadd.f32 v35, v7;
	v23 =	vmul.f32 v27, v37;
	v24 =	vld.idx.msk [tilespmem:v24+s15+$0x0], $0xffff  }
0x12c: {  	v27 =	vmul.f32 v28, v37;
	v21 =	vadd.f32 v33, v21;
	v12 =	vshll.u32 v12, $0x6;
	v28 =	vld.idx.msk [tilespmem:v32+s15+$0x0], $0xffff  }
0x12d: {  	v32 =	vor.u32 v1, v12;
	v4 =	vadd.f32 v23, v4;
	v33 =	vld.idx.msk [tilespmem:v25+s15+$0x0], $0xffff;
	v25 =	vmul.f32 v26, v37  }
0x12e: {  	v12 =	vmul.f32 v29, v37;
	v26 =	vor.u32 $0x20, v32;
	v34 =	vor.u32 $0x21, v32;
	v29 =	vld.idx.msk [tilespmem:v20+s15+$0x0], $0xffff  }
0x12f: {  	v35 =	vor.u32 $0x22, v32;
	v38 =	vor.u32 $0x23, v32;
	v39 =	vmul.f32 v31, v37;
	v40 =	vld.idx.msk [tilespmem:v18+s15+$0x0], $0xffff  }
0x130: {  	v31 =	vor.u32 $0x24, v32;
	v41 =	vor.u32 $0x25, v32;
	v8 =	vadd.f32 v12, v8;
	v42 =	vld.idx.msk [tilespmem:v22+s15+$0x0], $0xffff  }
0x131: {  	v23 =	vor.u32 $0x27, v32;
	v43 =	vor.u32 $0x29, v32;
	v45 =	vmul.f32 v24, v37;
	v44 =	vld.idx.msk [tilespmem:v19+s15+$0x0], $0xffff  }
0x132: {  	v9 =	vadd.f32 v30, v9;
	v20 =	vor.u32 $0x2B, v32;
	v18 =	vor.u32 $0x2D, v32;
	v12 =	vld [tilespmem:s23+$0x0]  }
0x133: {  	v5 =	vadd.f32 v25, v5;
	v24 =	vor.u32 $0x2A, v32;
	v46 =	vld.idx.msk [tilespmem:v26+s15+$0x0], $0xffff;
	v26 =	vor.u32 $0x2C, v32  }
0x134: {  	v19 =	vor.u32 $0x28, v32;
	v28 =	vmul.f32 v28, v37;
	v47 =	vld.idx.msk [tilespmem:v34+s15+$0x0], $0xffff;
	v34 =	vmul.f32 v36, v37  }
0x135: {  	v17 =	vadd.f32 v27, v17;
	v25 =	vor.u32 $0x26, v32;
	v33 =	vmul.f32 v33, v37;
	v30 =	vld.idx.msk [tilespmem:v41+s15+$0x0], $0xffff  }
.Ltmp2:
0x136: {  	v22 =	vor.u32 $0x2E, v32;
	v29 =	vmul.f32 v29, v37;
	v2 =	vadd.f32 v28, v2;
	v27 =	vld.idx.msk [tilespmem:v35+s15+$0x0], $0xffff;
	(pc) =	sbr.rel @p0 .LBB2_7-.Ltmp2, $4  }
0x137: {  	v14 =	vadd.f32 v33, v14;
	v13 =	vadd.f32 v34, v13;
	v28 =	vld.idx.msk [tilespmem:v31+s15+$0x0], $0xffff;
	v31 =	vmul.f32 v44, v37  }
0x138: {  	v32 =	vor.u32 $0x2F, v32;
	v10 =	vadd.f32 v29, v10;
	v34 =	vmul.f32 v42, v37;
	v26 =	vld.idx.msk [tilespmem:v26+s15+$0x0], $0xffff  }
0x139: {  	v11 =	vadd.f32 v45, v11;
	v36 =	vmul.f32 v46, v12;
	v29 =	vld.idx.msk [tilespmem:v38+s15+$0x0], $0xffff;
	v15 =	vadd.f32 v31, v15  }
0x13a: {  	v16 =	vadd.f32 v39, v16;
	v33 =	vmul.f32 v40, v37;
	v35 =	vmul.f32 v47, v12;
	v31 =	vld.idx.msk [tilespmem:v43+s15+$0x0], $0xffff  }
0x13b: {  	_ =	sdelay $0x3  }
0x13c: {  	v23 =	vld.idx.msk [tilespmem:v23+s15+$0x0], $0xffff  }
0x13d: {  	v24 =	vld.idx.msk [tilespmem:v24+s15+$0x0], $0xffff  }
0x13e: {  	v32 =	vld.idx.msk [tilespmem:v32+s15+$0x0], $0xffff  }
0x13f: {  	v6 =	vadd.f32 v36, v6;
	v25 =	vld.idx.msk [tilespmem:v25+s15+$0x0], $0xffff;
	v57 =	vor.u32 $0x20, v1  }
0x140: {  	v30 =	vmul.f32 v30, v12;
	v3 =	vadd.f32 v34, v3;
	v20 =	vld.idx.msk [tilespmem:v20+s15+$0x0], $0xffff;
	v58 =	vor.u32 $0x21, v1  }
0x141: {  	v27 =	vmul.f32 v27, v12;
	v18 =	vld.idx.msk [tilespmem:v18+s15+$0x0], $0xffff;
	v59 =	vor.u32 $0x22, v1;
	v60 =	vor.u32 $0x23, v1  }
0x142: {  	v22 =	vld.idx.msk [tilespmem:v22+s15+$0x0], $0xffff;
	v7 =	vadd.f32 v35, v7;
	v28 =	vmul.f32 v28, v12;
	v21 =	vadd.f32 v33, v21  }
0x143: {  	v19 =	vld.idx.msk [tilespmem:v19+s15+$0x0], $0xffff;
	v4 =	vadd.f32 v27, v4;
	v27 =	vmul.f32 v29, v12;
	v29 =	vor.u32 $0x24, v1  }
0x144: {  	v26 =	vmul.f32 v26, v12;
	v9 =	vadd.f32 v30, v9;
	[tilespmem:v57+s19+$0x0] =	vst.idx.msk $0xffff, v6;
	v6 =	vor.u32 $0x25, v1  }
0x145: {  	v17 =	vadd.f32 v28, v17;
	v8 =	vadd.f32 v27, v8;
	[tilespmem:v58+s19+$0x0] =	vst.idx.msk $0xffff, v7;
	v7 =	vor.u32 $0x26, v1  }
0x146: {  	v31 =	vmul.f32 v31, v12;
	v25 =	vmul.f32 v25, v12;
	[tilespmem:v59+s19+$0x0] =	vst.idx.msk $0xffff, v4;
	v4 =	vor.u32 $0x27, v1  }
0x147: {  	v5 =	vadd.f32 v26, v5;
	v23 =	vmul.f32 v23, v12;
	[tilespmem:v60+s19+$0x0] =	vst.idx.msk $0xffff, v8;
	v8 =	vor.u32 $0x28, v1  }
0x148: {  	v19 =	vmul.f32 v19, v12;
	v14 =	vadd.f32 v25, v14;
	[tilespmem:v29+s19+$0x0] =	vst.idx.msk $0xffff, v17;
	v17 =	vor.u32 $0x29, v1  }
0x149: {  	v24 =	vmul.f32 v24, v12;
	v13 =	vadd.f32 v23, v13;
	[tilespmem:v6+s19+$0x0] =	vst.idx.msk $0xffff, v9;
	v6 =	vor.u32 $0x2A, v1  }
0x14a: {  	v15 =	vadd.f32 v19, v15;
	v9 =	vmul.f32 v20, v12;
	[tilespmem:v7+s19+$0x0] =	vst.idx.msk $0xffff, v14;
	v7 =	vor.u32 $0x2B, v1  }
0x14b: {  	v16 =	vadd.f32 v31, v16;
	v14 =	vmul.f32 v32, v12;
	[tilespmem:v4+s19+$0x0] =	vst.idx.msk $0xffff, v13;
	v4 =	vor.u32 $0x2C, v1  }
0x14c: {  	s23 =	simm.s32 $0x0;
	v9 =	vadd.f32 v9, v10;
	v10 =	vadd.f32 v24, v11;
	[tilespmem:v8+s19+$0x0] =	vst.idx.msk $0xffff, v15;
	v8 =	vor.u32 $0x2D, v1  }
0x14d: {  	v11 =	vmul.f32 v18, v12;
	v13 =	vor.u32 $0x2E, v1;
	v15 =	vmov s23;
	[tilespmem:v17+s19+$0x0] =	vst.idx.msk $0xffff, v16  }
0x14e: {  	v12 =	vmul.f32 v22, v12;
	[tilespmem:v6+s19+$0x0] =	vst.idx.msk $0xffff, v10;
	v6 =	vor.u32 $0x2F, v1;
	v10 =	vshll.u32 v15, $0x6  }
0x14f: {  	v11 =	vadd.f32 v11, v21;
	[tilespmem:v7+s19+$0x0] =	vst.idx.msk $0xffff, v9;
	v7 =	vor.u32 v1, v10  }
0x150: {  	v3 =	vadd.f32 v12, v3;
	[tilespmem:v4+s19+$0x0] =	vst.idx.msk $0xffff, v5;
	v4 =	vor.u32 $0x30, v7  }
0x151: {  	v2 =	vadd.f32 v14, v2;
	v5 =	vor.u32 $0x31, v7;
	[tilespmem:v8+s19+$0x0] =	vst.idx.msk $0xffff, v11  }
0x152: {  	v9 =	vor.u32 $0x33, v7;
	[tilespmem:v13+s19+$0x0] =	vst.idx.msk $0xffff, v3  }
0x153: {  	s30 =	simm.s32 $0x6088;
	v10 =	vor.u32 $0x39, v7;
	[tilespmem:v6+s19+$0x0] =	vst.idx.msk $0xffff, v2  }
0x154: {  	v18 =	vor.u32 $0x3D, v7;
	v21 =	vld [tilespmem:s30+$0x0]  }
0x155: {  	v20 =	vor.u32 $0x3E, v7;
	v4 =	vld.idx.msk [tilespmem:v4+s15+$0x0], $0xffff  }
0x156: {  	v3 =	vor.u32 $0x35, v7;
	v5 =	vld.idx.msk [tilespmem:v5+s15+$0x0], $0xffff  }
0x157: {  	v2 =	vor.u32 $0x32, v7;
	v9 =	vld.idx.msk [tilespmem:v9+s15+$0x0], $0xffff  }
0x158: {  	v6 =	vor.u32 $0x34, v7;
	v10 =	vld.idx.msk [tilespmem:v10+s15+$0x0], $0xffff  }
0x159: {  	v8 =	vor.u32 $0x3C, v7;
	v37 =	vld.idx.msk [tilespmem:v18+s15+$0x0], $0xffff  }
0x15a: {  	v34 =	vld.idx.msk [tilespmem:v20+s15+$0x0], $0xffff  }
0x15b: {  	v11 =	vor.u32 $0x37, v7;
	v3 =	vld.idx.msk [tilespmem:v3+s15+$0x0], $0xffff  }
0x15c: {  	v13 =	vor.u32 $0x3A, v7;
	v12 =	vld.idx.msk [tilespmem:v2+s15+$0x0], $0xffff  }
0x15d: {  	v15 =	vor.u32 $0x3F, v7;
	v16 =	vor.u32 $0x3B, v7;
	v17 =	vor.u32 $0x36, v7;
	v14 =	vld.idx.msk [tilespmem:v6+s15+$0x0], $0xffff  }
0x15e: {  	s31 =	simm.s32 $0x10;
	v19 =	vor.u32 $0x38, v7;
	v8 =	vld.idx.msk [tilespmem:v8+s15+$0x0], $0xffff;
	v2 =	vimm.f32 $0.0e+00;
	v4 =	vmul.f32 v4, v21  }
0x15f: {  	v6 =	vmov s31;
	v5 =	vmul.f32 v5, v21;
	v61 =	vmul.f32 v10, v21  }
0x160: {  	v34 =	vmul.f32 v34, v21;
	v33 =	vmul.f32 v37, v21;
	v7 =	vadd.f32 v4, v2;
	v4 =	vld.idx.msk [tilespmem:v11+s15+$0x0], $0xffff  }
0x161: {  	v3 =	vmul.f32 v3, v21;
	v11 =	vmul.f32 v12, v21;
	v12 =	vld.idx.msk [tilespmem:v13+s15+$0x0], $0xffff;
	v13 =	vshll.u32 v6, $0x6  }
0x162: {  	v15 =	vld.idx.msk [tilespmem:v15+s15+$0x0], $0xffff;
	v6 =	vadd.f32 v5, v2;
	v14 =	vmul.f32 v14, v21;
	v22 =	vor.u32 v1, v13  }
0x163: {  	v13 =	vld.idx.msk [tilespmem:v17+s15+$0x0], $0xffff;
	v17 =	vmul.f32 v8, v21;
	v8 =	vmul.f32 v9, v21;
	v23 =	vor.u32 $0x30, v22  }
0x164: {  	v62 =	vld.idx.msk [tilespmem:v19+s15+$0x0], $0xffff;
	v10 =	vadd.f32 v3, v2;
	v5 =	vadd.f32 v11, v2;
	v26 =	vor.u32 $0x31, v22  }
0x165: {  	v9 =	vld.idx.msk [tilespmem:v16+s15+$0x0], $0xffff;
	v16 =	vor.u32 $0x32, v22;
	v31 =	vor.u32 $0x33, v22;
	v27 =	vor.u32 $0x35, v22  }
0x166: {  	s23 =	simm.s32 $0x6098;
	v28 =	vor.u32 $0x34, v22;
	v24 =	vor.u32 $0x37, v22;
	v38 =	vor.u32 $0x39, v22  }
0x167: {  	v20 =	vor.u32 $0x3B, v22;
	v11 =	vld [tilespmem:s23+$0x0];
	v18 =	vor.u32 $0x3D, v22;
	v25 =	vor.u32 $0x3A, v22  }
0x168: {  	v63 =	vor.u32 $0x3C, v22;
	v19 =	vor.u32 $0x38, v22;
	v32 =	vor.u32 $0x3F, v22;
	v35 =	vld.idx.msk [tilespmem:v23+s15+$0x0], $0xffff  }
0x169: {  	v8 =	vadd.f32 v8, v2;
	v39 =	vmul.f32 v4, v21;
	v4 =	vmul.f32 v15, v21;
	v26 =	vld.idx.msk [tilespmem:v26+s15+$0x0], $0xffff  }
0x16a: {  	v3 =	vadd.f32 v17, v2;
	v15 =	vmul.f32 v62, v21;
	v12 =	vmul.f32 v12, v21;
	v30 =	vld.idx.msk [tilespmem:v27+s15+$0x0], $0xffff  }
0x16b: {  	v17 =	vadd.f32 v14, v2;
	v13 =	vmul.f32 v13, v21;
	v9 =	vmul.f32 v9, v21;
	v29 =	vld.idx.msk [tilespmem:v16+s15+$0x0], $0xffff  }
0x16c: {  	v4 =	vadd.f32 v4, v2;
	v15 =	vadd.f32 v15, v2;
	v21 =	vimm.f32 $0.0e+00;
	v28 =	vld.idx.msk [tilespmem:v28+s15+$0x0], $0xffff  }
0x16d: {  	v27 =	vor.u32 $0x36, v22;
	v23 =	vor.u32 $0x3E, v22;
	v22 =	vld.idx.msk [tilespmem:v63+s15+$0x0], $0xffff;
	v12 =	vadd.f32 v12, v2  }
0x16e: {  	v31 =	vld.idx.msk [tilespmem:v31+s15+$0x0], $0xffff;
	v16 =	vadd.f32 v61, v2;
	v14 =	vadd.f32 v13, v2;
	v36 =	vmul.f32 v35, v11  }
0x16f: {  	s24 =	simm.s32 $0x20;
	v13 =	vadd.f32 v39, v2;
	v9 =	vadd.f32 v9, v2;
	v35 =	vmul.f32 v26, v11;
	v26 =	vld.idx.msk [tilespmem:v38+s15+$0x0], $0xffff  }
.LBB2_9:
0x170: {  	p0 =	sne.s32 s24, $0xF0;
	v7 =	vadd.f32 v36, v7  }
0x171: {  	v30 =	vmul.f32 v30, v11;
	v36 =	vld.idx.msk [tilespmem:v24+s15+$0x0], $0xffff;
	s23 =	sadd.s32 $0x10, s23;
	v2 =	vadd.f32 v34, v2;
	v37 =	vmov v11;
	s25 =	smov.u32 s24;
	s24 =	sadd.s32 $0x10, s24  }
0x172: {  	v11 =	vmov s25;
	v6 =	vadd.f32 v35, v6;
	v24 =	vmul.f32 v29, v37;
	v25 =	vld.idx.msk [tilespmem:v25+s15+$0x0], $0xffff  }
0x173: {  	v28 =	vmul.f32 v28, v37;
	v21 =	vadd.f32 v33, v21;
	v11 =	vshll.u32 v11, $0x6;
	v29 =	vld.idx.msk [tilespmem:v32+s15+$0x0], $0xffff  }
0x174: {  	v22 =	vmul.f32 v22, v37;
	v32 =	vor.u32 v1, v11;
	v5 =	vadd.f32 v24, v5;
	v33 =	vld.idx.msk [tilespmem:v27+s15+$0x0], $0xffff  }
0x175: {  	v11 =	vmul.f32 v31, v37;
	v27 =	vor.u32 $0x30, v32;
	v34 =	vor.u32 $0x31, v32;
	v31 =	vld.idx.msk [tilespmem:v20+s15+$0x0], $0xffff  }
0x176: {  	v35 =	vor.u32 $0x32, v32;
	v38 =	vor.u32 $0x33, v32;
	v39 =	vmul.f32 v26, v37;
	v40 =	vld.idx.msk [tilespmem:v18+s15+$0x0], $0xffff  }
0x177: {  	v26 =	vor.u32 $0x34, v32;
	v41 =	vor.u32 $0x35, v32;
	v8 =	vadd.f32 v11, v8;
	v42 =	vld.idx.msk [tilespmem:v23+s15+$0x0], $0xffff  }
0x178: {  	v24 =	vor.u32 $0x37, v32;
	v43 =	vor.u32 $0x39, v32;
	v45 =	vmul.f32 v25, v37;
	v44 =	vld.idx.msk [tilespmem:v19+s15+$0x0], $0xffff  }
0x179: {  	v10 =	vadd.f32 v30, v10;
	v20 =	vor.u32 $0x3B, v32;
	v18 =	vor.u32 $0x3D, v32;
	v11 =	vld [tilespmem:s23+$0x0]  }
0x17a: {  	v47 =	vor.u32 $0x3C, v32;
	v3 =	vadd.f32 v22, v3;
	v25 =	vor.u32 $0x3A, v32;
	v46 =	vld.idx.msk [tilespmem:v27+s15+$0x0], $0xffff  }
0x17b: {  	v22 =	vmul.f32 v36, v37;
	v19 =	vor.u32 $0x38, v32;
	v48 =	vld.idx.msk [tilespmem:v34+s15+$0x0], $0xffff;
	v34 =	vmul.f32 v29, v37  }
0x17c: {  	v17 =	vadd.f32 v28, v17;
	v33 =	vmul.f32 v33, v37;
	v27 =	vor.u32 $0x36, v32;
	v30 =	vld.idx.msk [tilespmem:v41+s15+$0x0], $0xffff  }
.Ltmp3:
0x17d: {  	v23 =	vor.u32 $0x3E, v32;
	v31 =	vmul.f32 v31, v37;
	v29 =	vld.idx.msk [tilespmem:v35+s15+$0x0], $0xffff;
	v4 =	vadd.f32 v34, v4;
	(pc) =	sbr.rel @p0 .LBB2_9-.Ltmp3, $4  }
0x17e: {  	v13 =	vadd.f32 v22, v13;
	v14 =	vadd.f32 v33, v14;
	v28 =	vld.idx.msk [tilespmem:v26+s15+$0x0], $0xffff;
	v26 =	vmul.f32 v44, v37  }
0x17f: {  	v32 =	vor.u32 $0x3F, v32;
	v9 =	vadd.f32 v31, v9;
	v34 =	vmul.f32 v42, v37;
	v22 =	vld.idx.msk [tilespmem:v47+s15+$0x0], $0xffff  }
0x180: {  	v12 =	vadd.f32 v45, v12;
	v36 =	vmul.f32 v46, v11;
	v31 =	vld.idx.msk [tilespmem:v38+s15+$0x0], $0xffff;
	v15 =	vadd.f32 v26, v15  }
0x181: {  	v16 =	vadd.f32 v39, v16;
	v33 =	vmul.f32 v40, v37;
	v35 =	vmul.f32 v48, v11;
	v26 =	vld.idx.msk [tilespmem:v43+s15+$0x0], $0xffff  }
0x182: {  	_ =	sdelay $0x3  }
0x183: {  	v24 =	vld.idx.msk [tilespmem:v24+s15+$0x0], $0xffff  }
0x184: {  	v25 =	vld.idx.msk [tilespmem:v25+s15+$0x0], $0xffff  }
0x185: {  	v32 =	vld.idx.msk [tilespmem:v32+s15+$0x0], $0xffff  }
0x186: {  	v27 =	vld.idx.msk [tilespmem:v27+s15+$0x0], $0xffff;
	v37 =	vor.u32 $0x30, v1  }
0x187: {  	v20 =	vld.idx.msk [tilespmem:v20+s15+$0x0], $0xffff;
	v38 =	vor.u32 $0x31, v1  }
0x188: {  	v7 =	vadd.f32 v36, v7;
	v30 =	vmul.f32 v30, v11;
	v18 =	vld.idx.msk [tilespmem:v18+s15+$0x0], $0xffff;
	v63 =	vor.u32 $0x32, v1  }
0x189: {  	v2 =	vadd.f32 v34, v2;
	v29 =	vmul.f32 v29, v11;
	v23 =	vld.idx.msk [tilespmem:v23+s15+$0x0], $0xffff;
	v40 =	vor.u32 $0x33, v1  }
0x18a: {  	v19 =	vld.idx.msk [tilespmem:v19+s15+$0x0], $0xffff;
	v41 =	vor.u32 $0x34, v1;
	v6 =	vadd.f32 v35, v6;
	v31 =	vmul.f32 v31, v11  }
0x18b: {  	v43 =	vor.u32 $0x35, v1;
	v42 =	vmul.f32 v28, v11;
	v5 =	vadd.f32 v29, v5;
	[tilespmem:v37+s19+$0x0] =	vst.idx.msk $0xffff, v7  }
0x18c: {  	v44 =	vor.u32 $0x36, v1;
	v21 =	vadd.f32 v33, v21;
	v8 =	vadd.f32 v31, v8;
	[tilespmem:v38+s19+$0x0] =	vst.idx.msk $0xffff, v6  }
0x18d: {  	v46 =	vor.u32 $0x37, v1;
	v7 =	vadd.f32 v42, v17;
	v45 =	vmul.f32 v27, v11;
	[tilespmem:v63+s19+$0x0] =	vst.idx.msk $0xffff, v5  }
0x18e: {  	v47 =	vor.u32 $0x38, v1;
	v10 =	vadd.f32 v30, v10;
	v24 =	vmul.f32 v24, v11;
	[tilespmem:v40+s19+$0x0] =	vst.idx.msk $0xffff, v8  }
0x18f: {  	v49 =	vor.u32 $0x39, v1;
	v48 =	vmul.f32 v19, v11;
	v14 =	vadd.f32 v45, v14;
	[tilespmem:v41+s19+$0x0] =	vst.idx.msk $0xffff, v7  }
0x190: {  	v51 =	vor.u32 $0x3A, v1;
	v50 =	vmul.f32 v26, v11;
	v13 =	vadd.f32 v24, v13;
	[tilespmem:v43+s19+$0x0] =	vst.idx.msk $0xffff, v10  }
0x191: {  	v53 =	vor.u32 $0x3B, v1;
	v52 =	vmul.f32 v25, v11;
	v15 =	vadd.f32 v48, v15;
	[tilespmem:v44+s19+$0x0] =	vst.idx.msk $0xffff, v14  }
0x192: {  	v55 =	vor.u32 $0x3C, v1;
	v54 =	vmul.f32 v20, v11;
	v16 =	vadd.f32 v50, v16;
	[tilespmem:v46+s19+$0x0] =	vst.idx.msk $0xffff, v13  }
0x193: {  	v57 =	vor.u32 $0x3D, v1;
	v56 =	vmul.f32 v22, v11;
	v12 =	vadd.f32 v52, v12;
	[tilespmem:v47+s19+$0x0] =	vst.idx.msk $0xffff, v15  }
0x194: {  	v59 =	vor.u32 $0x3E, v1;
	v58 =	vmul.f32 v18, v11;
	v9 =	vadd.f32 v54, v9;
	[tilespmem:v49+s19+$0x0] =	vst.idx.msk $0xffff, v16  }
0x195: {  	v61 =	vor.u32 $0x3F, v1;
	v3 =	vadd.f32 v56, v3;
	v60 =	vmul.f32 v23, v11;
	[tilespmem:v51+s19+$0x0] =	vst.idx.msk $0xffff, v12  }
0x196: {  	v62 =	vmul.f32 v32, v11;
	v63 =	vadd.f32 v58, v21;
	[tilespmem:v53+s19+$0x0] =	vst.idx.msk $0xffff, v9  }
0x197: {  	v2 =	vadd.f32 v60, v2;
	[tilespmem:v55+s19+$0x0] =	vst.idx.msk $0xffff, v3  }
0x198: {  	s21 =	sadd.s32 $0x1, s21;
	v3 =	vadd.f32 v62, v4;
	[tilespmem:v57+s19+$0x0] =	vst.idx.msk $0xffff, v63  }
0x199: {  	s22 =	sshll.u32 s22, $0x3;
	p0 =	sne.s32 s21, $0x60;
	[tilespmem:v59+s19+$0x0] =	vst.idx.msk $0xffff, v2  }
.Ltmp4:
0x19a: {  	s22 =	sadd.s32 s2, s22;
	[tilespmem:v61+s19+$0x0] =	vst.idx.msk $0xffff, v3;
	(pc) =	sbr.rel @p0 .LBB2_2-.Ltmp4, $4  }
0x19b: {  	[hbm4b:s22+s3] =	stream.linear.scatter [tilespmem:s19], [sflag:$0x2], $0x400, $0x38;
	[tilespmem:$0x6588] =	vst v63  }
0x19c: {  	_ =	swait.ge [sflag:s10], $0x400  }
0x19d: {  	[sflag:s10] =	ssyncset.done $0x0  }
0x19e: {  	[sflag:s10] =	ssyncadd.s32 $0xFFFFFC00  }
0x19f: {  	s20 =	sadd.s32 $0x1, s20  }
0x1a0: {  	p0 =	sne.s32 s20, s9  }
.Ltmp5:
0x1a1: {  	_ = 	snop;
	(pc) =	sbr.rel @p0 .LBB2_1-.Ltmp5, $1  }
0x1a2: {  	_ =	sdelay $0x3  }
0x1a3: {  	_ =	sfence.sel $0x180000  }
0x1a4: {  	[bflag:$0x0] =	sbarrier.arrive $0xFFFF  }
0x1a5: {  	p0 =	sne.s32 s0, $0x0;
	_ =	strace $0x90000047  }
0x1a6: {  	s0 =	sadd.s32 @!p0 $0x100000, s1;
	[bflag:$0x2] =	sbarrier.arrive $0xFFFF  }
0x1a7: {  	[sflag:s0] =	ssyncadd.tile.s32 @!p0 $0x1;
	_ =	shalt  }
.Lfunc_end2:
_tile_overlayer_lowered:
.L_overlay_start_2:
0x1a8: {  	(tag) =	ssettag $0x2  }
0x1a9: {  	s0 =	rddreg [dreg:$0x0];
	s2 =	stileid.u32  }
0x1aa: {  	s1 =	rddreg [dreg:$0x1];
	p0 =	sne.s32 s2, $0x0  }
0x1ab: {  	s3 =	rddreg [dreg:$0x2];
	[bflag:$0x3] =	sbarrier.arrive $0xFFFF;
	s2 =	simm.s32 @!p0 $0x1C02  }
0x1ac: {  	[timem:s3], [sflag:s2] =	dma.local @!p0 [hbm:s0], s1  }
0x1ad: {  	s0 =	simm.s32 @!p0 $0x2  }
0x1ae: {  	_ =	swait.ge @!p0 [sflag:s0], s1  }
0x1af: {  	s1 =	ssub.s32 @!p0 $0x0, s1;
	[sflag:s0] =	ssyncset.done @!p0 $0x0  }
0x1b0: {  	[sflag:s0] =	ssyncadd.s32 @!p0 s1  }
0x1b1: {  	[bflag:$0x3] =	sbarrier.arrive $0xFFFF  }
0x1b2: {  	_ =	shalt  }

</sc_bundles>
